<compile_context>
chip_gen: v7x
topology: tpu7x:2x2x1
jax: 0.10.2.dev20260603
libtpu: 0.0.44.dev20260713+nightly
codegen_flags: <defaults>
</compile_context>

<pallas_src>
import functools

import jax
import jax.numpy as jnp
from jax import lax
from jax.experimental import pallas as pl
from jax.experimental.pallas import tpu as pltpu
from jax.experimental.pallas import tpu_sc as plsc


@functools.lru_cache(maxsize=None)
def _make_gather(V2, D, NW, n_ch, CH, NBUF):
    mesh = plsc.VectorSubcoreMesh(core_axis_name="c", subcore_axis_name="s")
    info = plsc.get_sparse_core_info()
    NC = info.num_cores
    n_grp = n_ch // NBUF
    assert n_grp * NBUF == n_ch and n_grp % 2 == 0 and n_grp >= 6
    n_pairs = n_grp // 2
    n_chunks = NW * n_ch

    @functools.partial(
        pl.kernel,
        mesh=mesh,
        out_type=jax.ShapeDtypeStruct((n_chunks, CH, 2 * D), jnp.float32),
        compiler_params=pltpu.CompilerParams(use_tc_tiling_on_sc=False),
        scratch_types=[
            pltpu.VMEM((n_ch, CH), jnp.int32),
            pltpu.VMEM((2, NBUF, CH, D), jnp.float32),
            pltpu.SemaphoreType.DMA,
            pltpu.SemaphoreType.DMA,
            pltpu.SemaphoreType.DMA,
            pltpu.SemaphoreType.DMA,
        ],
    )
    def k(ids_hbm, table_hbm, out_hbm, idx_v, rows, gsA, gsB, ssA, ssB):
        cid = lax.axis_index("c")
        sid = lax.axis_index("s")
        wid = sid * NC + cid
        base = wid * n_ch
        pltpu.sync_copy(ids_hbm.at[wid], idx_v)
        gsem = (gsA, gsB)
        ssem = (ssA, ssB)

        def g_start(s, b, j):
            pltpu.async_copy(table_hbm.at[idx_v.at[j]], rows.at[s, b], gsem[s])

        def g_wait(s, b):
            pltpu.make_async_copy(
                table_hbm.at[pl.ds(0, CH)], rows.at[s, b], gsem[s]
            ).wait()

        def s_start(s, b, j):
            pltpu.async_copy(
                rows.at[s, b], out_hbm.at[base + j, :, pl.ds(0, D)], ssem[s]
            )

        def s_wait(s, b):
            pltpu.make_async_copy(
                rows.at[s, b], out_hbm.at[base, :, pl.ds(0, D)], ssem[s]
            ).wait()

        for b in range(NBUF):
            g_start(0, b, b)

        for b in range(NBUF):
            g_wait(0, b)
        for b in range(NBUF):
            g_start(1, b, NBUF + b)
        for b in range(NBUF):
            s_start(0, b, b)
        for b in range(NBUF):
            g_wait(1, b)
        for b in range(NBUF):
            s_wait(0, b)
        for b in range(NBUF):
            g_start(0, b, 2 * NBUF + b)
        for b in range(NBUF):
            s_start(1, b, NBUF + b)

        def pair_body(p, carry):
            g0 = 2 * p
            for b in range(NBUF):
                g_wait(0, b)
            for b in range(NBUF):
                s_wait(1, b)
            for b in range(NBUF):
                g_start(1, b, (g0 + 1) * NBUF + b)
            for b in range(NBUF):
                s_start(0, b, g0 * NBUF + b)
            for b in range(NBUF):
                g_wait(1, b)
            for b in range(NBUF):
                s_wait(0, b)
            for b in range(NBUF):
                g_start(0, b, (g0 + 2) * NBUF + b)
            for b in range(NBUF):
                s_start(1, b, (g0 + 1) * NBUF + b)
            return carry

        lax.fori_loop(1, n_pairs - 1, pair_body, 0)

        g0 = n_grp - 2
        for b in range(NBUF):
            g_wait(0, b)
        for b in range(NBUF):
            s_wait(1, b)
        for b in range(NBUF):
            g_start(1, b, (g0 + 1) * NBUF + b)
        for b in range(NBUF):
            s_start(0, b, g0 * NBUF + b)
        for b in range(NBUF):
            g_wait(1, b)
        for b in range(NBUF):
            s_wait(0, b)
        for b in range(NBUF):
            s_start(1, b, (g0 + 1) * NBUF + b)
        for b in range(NBUF):
            s_wait(1, b)

    return k


def kernel(input_ids, input_mask, emb_weight):
    B, S = input_ids.shape
    V, D = emb_weight.shape
    N = B * S
    NW = 32
    CH = 128
    NBUF = 4
    n_ch = N // (NW * CH)
    assert N == NW * n_ch * CH
    t2 = jnp.pad(emb_weight, ((0, 0), (0, D))).reshape(2 * V, D)
    ids2 = (input_ids.reshape(N) * 2).reshape(NW, n_ch, CH)
    out3 = _make_gather(2 * V, D, NW, n_ch, CH, NBUF)(ids2, t2)
    out = out3.reshape(N, 2 * D)[:, :D].reshape(B, S, D)
    return (out, input_mask)

# --- scband reference (transcript-rebuilt; emitter-appended) ---
"""Pipeline reference for scband-word-embeddings-57964878627433 (READ-ONLY COPY).

The authoritative reference and input builder live on the scoring server;
editing this copy changes nothing except your own understanding.
"""

import jax, jax.numpy as jnp
import numpy as np

VOCAB = 1000000
EMB_DIM = 64
BATCH = 4096
SEQ = 200

def setup_inputs(seed: int = 0) -> dict:
    key = jax.random.key(seed)
    k1, k2 = jax.random.split(key)
    input_ids = jax.random.randint(k1, (BATCH, SEQ), 0, VOCAB, dtype=jnp.int32)
    input_mask = jnp.ones((BATCH, SEQ), dtype=jnp.int32)
    emb_weight = jax.random.normal(k2, (VOCAB, EMB_DIM), dtype=jnp.float32) * 0.02
    return {"input_ids": input_ids, "input_mask": input_mask, "emb_weight": emb_weight}

def reference(input_ids, input_mask, emb_weight):
    # Faithful translation of WordEmbeddings.forward:
    # token_embeddings = self.emb_layer(features['input_ids'])
    token_embeddings = jnp.take(emb_weight, input_ids, axis=0)
    # cls_token_embeddings is None in the original; input_mask passed through.
    return (token_embeddings, input_mask)

if __name__ == "__main__":
    import jax
    _d = setup_inputs()
    print(jax.jit(kernel)(*tuple(_d.values())))

</pallas_src>

<mosaic_0001>
#map = affine_map<(d0, d1) -> (0, 0, 0)>
#map1 = affine_map<(d0, d1) -> (0, 0)>
module attributes {stable_mosaic.version = 14 : i64} {
  func.func @k(%arg0: i32, %arg1: i32, %arg2: memref<32x200x128xi32, #tpu.memory_space<hbm>>, %arg3: memref<2000000x64xf32, #tpu.memory_space<hbm>>, %arg4: memref<6400x128x128xf32, #tpu.memory_space<hbm>>, %arg5: memref<200x128xi32, #tpu.memory_space<vmem>>, %arg6: memref<2x4x128x64xf32, #tpu.memory_space<vmem>>, %arg7: memref<!tpu.dma_semaphore, #tpu.memory_space<semaphore_mem>>, %arg8: memref<!tpu.dma_semaphore, #tpu.memory_space<semaphore_mem>>, %arg9: memref<!tpu.dma_semaphore, #tpu.memory_space<semaphore_mem>>, %arg10: memref<!tpu.dma_semaphore, #tpu.memory_space<semaphore_mem>>) attributes {dimension_semantics = [#tpu.dimension_semantics<core_parallel>, #tpu.dimension_semantics<subcore_parallel>], iteration_bounds = array<i64: 2, 16>, scalar_prefetch = 0 : i64, scratch_operands = 6 : i64, tpu.core_type = #tpu.core_type<sc_vector_subcore>, window_params = [{transform_indices = #map}, {transform_indices = #map1}, {transform_indices = #map}]} {
    %mul3A = arith.constant 2 : i32
    %mul3A_0 = arith.muli %arg1, %mul3A : i32
    %add3A = arith.addi %mul3A_0, %arg0 : i32
    %mul3A_1 = arith.constant 200 : i32
    %mul3A_2 = arith.muli %add3A, %mul3A_1 : i32
    "tpu.region"() ({
      %run_scoped3A = tpu.sem_alloc : memref<!tpu.dma_semaphore, #tpu.memory_space<semaphore_mem>>
      %dma_start3A_1078 = arith.constant 0 : i32
      %dma_start3A_1079 = arith.constant 0 : i32
      %dma_start3A_1080 = tpu.memref_slice %arg2[%add3A, %dma_start3A_1078, %dma_start3A_1079] : memref<32x200x128xi32, #tpu.memory_space<hbm>> -> memref<1x200x128xi32, #tpu.memory_space<hbm>>
      %dma_start3A_1081 = tpu.memref_squeeze %dma_start3A_1080 : memref<1x200x128xi32, #tpu.memory_space<hbm>> -> memref<200x128xi32, #tpu.memory_space<hbm>>
      %dma_start3A_1082 = arith.constant 0 : i32
      %dma_start3A_1083 = arith.constant 0 : i32
      %dma_start3A_1084 = tpu.memref_slice %arg2[%add3A, %dma_start3A_1082, %dma_start3A_1083] : memref<32x200x128xi32, #tpu.memory_space<hbm>> -> memref<1x200x128xi32, #tpu.memory_space<hbm>>
      %dma_start3A_1085 = tpu.memref_squeeze %dma_start3A_1084 : memref<1x200x128xi32, #tpu.memory_space<hbm>> -> memref<200x128xi32, #tpu.memory_space<hbm>>
      tpu.enqueue_dma source(%dma_start3A_1085 : memref<200x128xi32, #tpu.memory_space<hbm>>) target(%arg5 : memref<200x128xi32, #tpu.memory_space<vmem>>) target_semaphore(%run_scoped3A : memref<!tpu.dma_semaphore, #tpu.memory_space<semaphore_mem>>)
      %dma_wait3A_1086 = arith.constant 0 : i32
      %dma_wait3A_1087 = arith.constant 0 : i32
      %dma_wait3A_1088 = tpu.memref_slice %arg2[%add3A, %dma_wait3A_1086, %dma_wait3A_1087] : memref<32x200x128xi32, #tpu.memory_space<hbm>> -> memref<1x200x128xi32, #tpu.memory_space<hbm>>
      %dma_wait3A_1089 = tpu.memref_squeeze %dma_wait3A_1088 : memref<1x200x128xi32, #tpu.memory_space<hbm>> -> memref<200x128xi32, #tpu.memory_space<hbm>>
      %dma_wait3A_1090 = arith.constant 0 : i32
      %dma_wait3A_1091 = arith.constant 0 : i32
      %dma_wait3A_1092 = tpu.memref_slice %arg2[%add3A, %dma_wait3A_1090, %dma_wait3A_1091] : memref<32x200x128xi32, #tpu.memory_space<hbm>> -> memref<1x200x128xi32, #tpu.memory_space<hbm>>
      %dma_wait3A_1093 = tpu.memref_squeeze %dma_wait3A_1092 : memref<1x200x128xi32, #tpu.memory_space<hbm>> -> memref<200x128xi32, #tpu.memory_space<hbm>>
      tpu.wait_dma2 semaphore(%run_scoped3A : memref<!tpu.dma_semaphore, #tpu.memory_space<semaphore_mem>>) src(%dma_wait3A_1093 : memref<200x128xi32, #tpu.memory_space<hbm>>) dst(%arg5 : memref<200x128xi32, #tpu.memory_space<vmem>>)
      tpu.yield
    }) : () -> ()
    %dma_start3A = arith.constant 0 : i32
    %dma_start3A_3 = arith.constant 0 : i32
    %dma_start3A_4 = arith.constant 0 : i32
    %dma_start3A_5 = arith.constant 0 : i32
    %dma_start3A_6 = arith.constant 0 : i32
    %dma_start3A_7 = tpu.memref_slice %arg6[%dma_start3A_3, %dma_start3A_4, %dma_start3A_5, %dma_start3A_6] : memref<2x4x128x64xf32, #tpu.memory_space<vmem>> -> memref<1x1x128x64xf32, #tpu.memory_space<vmem>>
    %dma_start3A_8 = tpu.memref_squeeze %dma_start3A_7 : memref<1x1x128x64xf32, #tpu.memory_space<vmem>> -> memref<128x64xf32, #tpu.memory_space<vmem>>
    %dma_start3A_9 = arith.constant 0 : i32
    %dma_start3A_10 = tpu.memref_slice %arg5[%dma_start3A, %dma_start3A_9] : memref<200x128xi32, #tpu.memory_space<vmem>> -> memref<1x128xi32, #tpu.memory_space<vmem>>
    %dma_start3A_11 = tpu.memref_squeeze %dma_start3A_10 : memref<1x128xi32, #tpu.memory_space<vmem>> -> memref<128xi32, #tpu.memory_space<vmem>>
    %dma_start3A_12 = arith.constant 0 : i32
    %dma_start3A_13 = arith.constant 0 : i32
    %dma_start3A_14 = tpu.memref_slice %arg3[%dma_start3A_12, %dma_start3A_13] : memref<2000000x64xf32, #tpu.memory_space<hbm>> -> memref<2000000x64xf32, #tpu.memory_space<hbm>>
    tpu.enqueue_indirect_dma source(%dma_start3A_14 : memref<2000000x64xf32, #tpu.memory_space<hbm>>) target(%dma_start3A_8 : memref<128x64xf32, #tpu.memory_space<vmem>>) offsets(%dma_start3A_11 : memref<128xi32, #tpu.memory_space<vmem>>) semaphore(%arg7 : memref<!tpu.dma_semaphore, #tpu.memory_space<semaphore_mem>>)
    %dma_start3A_15 = arith.constant 1 : i32
    %dma_start3A_16 = arith.constant 0 : i32
    %dma_start3A_17 = arith.constant 1 : i32
    %dma_start3A_18 = arith.constant 0 : i32
    %dma_start3A_19 = arith.constant 0 : i32
    %dma_start3A_20 = tpu.memref_slice %arg6[%dma_start3A_16, %dma_start3A_17, %dma_start3A_18, %dma_start3A_19] : memref<2x4x128x64xf32, #tpu.memory_space<vmem>> -> memref<1x1x128x64xf32, #tpu.memory_space<vmem>>
    %dma_start3A_21 = tpu.memref_squeeze %dma_start3A_20 : memref<1x1x128x64xf32, #tpu.memory_space<vmem>> -> memref<128x64xf32, #tpu.memory_space<vmem>>
    %dma_start3A_22 = arith.constant 0 : i32
    %dma_start3A_23 = tpu.memref_slice %arg5[%dma_start3A_15, %dma_start3A_22] : memref<200x128xi32, #tpu.memory_space<vmem>> -> memref<1x128xi32, #tpu.memory_space<vmem>>
    %dma_start3A_24 = tpu.memref_squeeze %dma_start3A_23 : memref<1x128xi32, #tpu.memory_space<vmem>> -> memref<128xi32, #tpu.memory_space<vmem>>
    %dma_start3A_25 = arith.constant 0 : i32
    %dma_start3A_26 = arith.constant 0 : i32
    %dma_start3A_27 = tpu.memref_slice %arg3[%dma_start3A_25, %dma_start3A_26] : memref<2000000x64xf32, #tpu.memory_space<hbm>> -> memref<2000000x64xf32, #tpu.memory_space<hbm>>
    tpu.enqueue_indirect_dma source(%dma_start3A_27 : memref<2000000x64xf32, #tpu.memory_space<hbm>>) target(%dma_start3A_21 : memref<128x64xf32, #tpu.memory_space<vmem>>) offsets(%dma_start3A_24 : memref<128xi32, #tpu.memory_space<vmem>>) semaphore(%arg7 : memref<!tpu.dma_semaphore, #tpu.memory_space<semaphore_mem>>)
    %dma_start3A_28 = arith.constant 2 : i32
    %dma_start3A_29 = arith.constant 0 : i32
    %dma_start3A_30 = arith.constant 2 : i32
    %dma_start3A_31 = arith.constant 0 : i32
    %dma_start3A_32 = arith.constant 0 : i32
    %dma_start3A_33 = tpu.memref_slice %arg6[%dma_start3A_29, %dma_start3A_30, %dma_start3A_31, %dma_start3A_32] : memref<2x4x128x64xf32, #tpu.memory_space<vmem>> -> memref<1x1x128x64xf32, #tpu.memory_space<vmem>>
    %dma_start3A_34 = tpu.memref_squeeze %dma_start3A_33 : memref<1x1x128x64xf32, #tpu.memory_space<vmem>> -> memref<128x64xf32, #tpu.memory_space<vmem>>
    %dma_start3A_35 = arith.constant 0 : i32
    %dma_start3A_36 = tpu.memref_slice %arg5[%dma_start3A_28, %dma_start3A_35] : memref<200x128xi32, #tpu.memory_space<vmem>> -> memref<1x128xi32, #tpu.memory_space<vmem>>
    %dma_start3A_37 = tpu.memref_squeeze %dma_start3A_36 : memref<1x128xi32, #tpu.memory_space<vmem>> -> memref<128xi32, #tpu.memory_space<vmem>>
    %dma_start3A_38 = arith.constant 0 : i32
    %dma_start3A_39 = arith.constant 0 : i32
    %dma_start3A_40 = tpu.memref_slice %arg3[%dma_start3A_38, %dma_start3A_39] : memref<2000000x64xf32, #tpu.memory_space<hbm>> -> memref<2000000x64xf32, #tpu.memory_space<hbm>>
    tpu.enqueue_indirect_dma source(%dma_start3A_40 : memref<2000000x64xf32, #tpu.memory_space<hbm>>) target(%dma_start3A_34 : memref<128x64xf32, #tpu.memory_space<vmem>>) offsets(%dma_start3A_37 : memref<128xi32, #tpu.memory_space<vmem>>) semaphore(%arg7 : memref<!tpu.dma_semaphore, #tpu.memory_space<semaphore_mem>>)
    %dma_start3A_41 = arith.constant 3 : i32
    %dma_start3A_42 = arith.constant 0 : i32
    %dma_start3A_43 = arith.constant 3 : i32
    %dma_start3A_44 = arith.constant 0 : i32
    %dma_start3A_45 = arith.constant 0 : i32
    %dma_start3A_46 = tpu.memref_slice %arg6[%dma_start3A_42, %dma_start3A_43, %dma_start3A_44, %dma_start3A_45] : memref<2x4x128x64xf32, #tpu.memory_space<vmem>> -> memref<1x1x128x64xf32, #tpu.memory_space<vmem>>
    %dma_start3A_47 = tpu.memref_squeeze %dma_start3A_46 : memref<1x1x128x64xf32, #tpu.memory_space<vmem>> -> memref<128x64xf32, #tpu.memory_space<vmem>>
    %dma_start3A_48 = arith.constant 0 : i32
    %dma_start3A_49 = tpu.memref_slice %arg5[%dma_start3A_41, %dma_start3A_48] : memref<200x128xi32, #tpu.memory_space<vmem>> -> memref<1x128xi32, #tpu.memory_space<vmem>>
    %dma_start3A_50 = tpu.memref_squeeze %dma_start3A_49 : memref<1x128xi32, #tpu.memory_space<vmem>> -> memref<128xi32, #tpu.memory_space<vmem>>
    %dma_start3A_51 = arith.constant 0 : i32
    %dma_start3A_52 = arith.constant 0 : i32
    %dma_start3A_53 = tpu.memref_slice %arg3[%dma_start3A_51, %dma_start3A_52] : memref<2000000x64xf32, #tpu.memory_space<hbm>> -> memref<2000000x64xf32, #tpu.memory_space<hbm>>
    tpu.enqueue_indirect_dma source(%dma_start3A_53 : memref<2000000x64xf32, #tpu.memory_space<hbm>>) target(%dma_start3A_47 : memref<128x64xf32, #tpu.memory_space<vmem>>) offsets(%dma_start3A_50 : memref<128xi32, #tpu.memory_space<vmem>>) semaphore(%arg7 : memref<!tpu.dma_semaphore, #tpu.memory_space<semaphore_mem>>)
    %dma_wait3A = arith.constant 0 : i32
    %dma_wait3A_54 = arith.constant 0 : i32
    %dma_wait3A_55 = arith.constant 0 : i32
    %dma_wait3A_56 = arith.constant 0 : i32
    %dma_wait3A_57 = tpu.memref_slice %arg6[%dma_wait3A, %dma_wait3A_54, %dma_wait3A_55, %dma_wait3A_56] : memref<2x4x128x64xf32, #tpu.memory_space<vmem>> -> memref<1x1x128x64xf32, #tpu.memory_space<vmem>>
    %dma_wait3A_58 = tpu.memref_squeeze %dma_wait3A_57 : memref<1x1x128x64xf32, #tpu.memory_space<vmem>> -> memref<128x64xf32, #tpu.memory_space<vmem>>
    %dma_wait3A_59 = arith.constant 0 : i32
    %dma_wait3A_60 = arith.constant 0 : i32
    %dma_wait3A_61 = tpu.memref_slice %arg3[%dma_wait3A_59, %dma_wait3A_60] : memref<2000000x64xf32, #tpu.memory_space<hbm>> -> memref<128x64xf32, #tpu.memory_space<hbm>>
    %dma_wait3A_62 = arith.constant 0 : i32
    %dma_wait3A_63 = arith.constant 0 : i32
    %dma_wait3A_64 = tpu.memref_slice %arg6[%dma_wait3A, %dma_wait3A_54, %dma_wait3A_62, %dma_wait3A_63] : memref<2x4x128x64xf32, #tpu.memory_space<vmem>> -> memref<1x1x128x64xf32, #tpu.memory_space<vmem>>
    %dma_wait3A_65 = tpu.memref_squeeze %dma_wait3A_64 : memref<1x1x128x64xf32, #tpu.memory_space<vmem>> -> memref<128x64xf32, #tpu.memory_space<vmem>>
    %dma_wait3A_66 = arith.constant 0 : i32
    %dma_wait3A_67 = arith.constant 0 : i32
    %dma_wait3A_68 = tpu.memref_slice %arg3[%dma_wait3A_66, %dma_wait3A_67] : memref<2000000x64xf32, #tpu.memory_space<hbm>> -> memref<128x64xf32, #tpu.memory_space<hbm>>
    tpu.wait_dma2 semaphore(%arg7 : memref<!tpu.dma_semaphore, #tpu.memory_space<semaphore_mem>>) src(%dma_wait3A_68 : memref<128x64xf32, #tpu.memory_space<hbm>>) dst(%dma_wait3A_65 : memref<128x64xf32, #tpu.memory_space<vmem>>)
    %dma_wait3A_69 = arith.constant 0 : i32
    %dma_wait3A_70 = arith.constant 1 : i32
    %dma_wait3A_71 = arith.constant 0 : i32
    %dma_wait3A_72 = arith.constant 0 : i32
    %dma_wait3A_73 = tpu.memref_slice %arg6[%dma_wait3A_69, %dma_wait3A_70, %dma_wait3A_71, %dma_wait3A_72] : memref<2x4x128x64xf32, #tpu.memory_space<vmem>> -> memref<1x1x128x64xf32, #tpu.memory_space<vmem>>
    %dma_wait3A_74 = tpu.memref_squeeze %dma_wait3A_73 : memref<1x1x128x64xf32, #tpu.memory_space<vmem>> -> memref<128x64xf32, #tpu.memory_space<vmem>>
    %dma_wait3A_75 = arith.constant 0 : i32
    %dma_wait3A_76 = arith.constant 0 : i32
    %dma_wait3A_77 = tpu.memref_slice %arg3[%dma_wait3A_75, %dma_wait3A_76] : memref<2000000x64xf32, #tpu.memory_space<hbm>> -> memref<128x64xf32, #tpu.memory_space<hbm>>
    %dma_wait3A_78 = arith.constant 0 : i32
    %dma_wait3A_79 = arith.constant 0 : i32
    %dma_wait3A_80 = tpu.memref_slice %arg6[%dma_wait3A_69, %dma_wait3A_70, %dma_wait3A_78, %dma_wait3A_79] : memref<2x4x128x64xf32, #tpu.memory_space<vmem>> -> memref<1x1x128x64xf32, #tpu.memory_space<vmem>>
    %dma_wait3A_81 = tpu.memref_squeeze %dma_wait3A_80 : memref<1x1x128x64xf32, #tpu.memory_space<vmem>> -> memref<128x64xf32, #tpu.memory_space<vmem>>
    %dma_wait3A_82 = arith.constant 0 : i32
    %dma_wait3A_83 = arith.constant 0 : i32
    %dma_wait3A_84 = tpu.memref_slice %arg3[%dma_wait3A_82, %dma_wait3A_83] : memref<2000000x64xf32, #tpu.memory_space<hbm>> -> memref<128x64xf32, #tpu.memory_space<hbm>>
    tpu.wait_dma2 semaphore(%arg7 : memref<!tpu.dma_semaphore, #tpu.memory_space<semaphore_mem>>) src(%dma_wait3A_84 : memref<128x64xf32, #tpu.memory_space<hbm>>) dst(%dma_wait3A_81 : memref<128x64xf32, #tpu.memory_space<vmem>>)
    %dma_wait3A_85 = arith.constant 0 : i32
    %dma_wait3A_86 = arith.constant 2 : i32
    %dma_wait3A_87 = arith.constant 0 : i32
    %dma_wait3A_88 = arith.constant 0 : i32
    %dma_wait3A_89 = tpu.memref_slice %arg6[%dma_wait3A_85, %dma_wait3A_86, %dma_wait3A_87, %dma_wait3A_88] : memref<2x4x128x64xf32, #tpu.memory_space<vmem>> -> memref<1x1x128x64xf32, #tpu.memory_space<vmem>>
    %dma_wait3A_90 = tpu.memref_squeeze %dma_wait3A_89 : memref<1x1x128x64xf32, #tpu.memory_space<vmem>> -> memref<128x64xf32, #tpu.memory_space<vmem>>
    %dma_wait3A_91 = arith.constant 0 : i32
    %dma_wait3A_92 = arith.constant 0 : i32
    %dma_wait3A_93 = tpu.memref_slice %arg3[%dma_wait3A_91, %dma_wait3A_92] : memref<2000000x64xf32, #tpu.memory_space<hbm>> -> memref<128x64xf32, #tpu.memory_space<hbm>>
    %dma_wait3A_94 = arith.constant 0 : i32
    %dma_wait3A_95 = arith.constant 0 : i32
    %dma_wait3A_96 = tpu.memref_slice %arg6[%dma_wait3A_85, %dma_wait3A_86, %dma_wait3A_94, %dma_wait3A_95] : memref<2x4x128x64xf32, #tpu.memory_space<vmem>> -> memref<1x1x128x64xf32, #tpu.memory_space<vmem>>
    %dma_wait3A_97 = tpu.memref_squeeze %dma_wait3A_96 : memref<1x1x128x64xf32, #tpu.memory_space<vmem>> -> memref<128x64xf32, #tpu.memory_space<vmem>>
    %dma_wait3A_98 = arith.constant 0 : i32
    %dma_wait3A_99 = arith.constant 0 : i32
    %dma_wait3A_100 = tpu.memref_slice %arg3[%dma_wait3A_98, %dma_wait3A_99] : memref<2000000x64xf32, #tpu.memory_space<hbm>> -> memref<128x64xf32, #tpu.memory_space<hbm>>
    tpu.wait_dma2 semaphore(%arg7 : memref<!tpu.dma_semaphore, #tpu.memory_space<semaphore_mem>>) src(%dma_wait3A_100 : memref<128x64xf32, #tpu.memory_space<hbm>>) dst(%dma_wait3A_97 : memref<128x64xf32, #tpu.memory_space<vmem>>)
    %dma_wait3A_101 = arith.constant 0 : i32
    %dma_wait3A_102 = arith.constant 3 : i32
    %dma_wait3A_103 = arith.constant 0 : i32
    %dma_wait3A_104 = arith.constant 0 : i32
    %dma_wait3A_105 = tpu.memref_slice %arg6[%dma_wait3A_101, %dma_wait3A_102, %dma_wait3A_103, %dma_wait3A_104] : memref<2x4x128x64xf32, #tpu.memory_space<vmem>> -> memref<1x1x128x64xf32, #tpu.memory_space<vmem>>
    %dma_wait3A_106 = tpu.memref_squeeze %dma_wait3A_105 : memref<1x1x128x64xf32, #tpu.memory_space<vmem>> -> memref<128x64xf32, #tpu.memory_space<vmem>>
    %dma_wait3A_107 = arith.constant 0 : i32
    %dma_wait3A_108 = arith.constant 0 : i32
    %dma_wait3A_109 = tpu.memref_slice %arg3[%dma_wait3A_107, %dma_wait3A_108] : memref<2000000x64xf32, #tpu.memory_space<hbm>> -> memref<128x64xf32, #tpu.memory_space<hbm>>
    %dma_wait3A_110 = arith.constant 0 : i32
    %dma_wait3A_111 = arith.constant 0 : i32
    %dma_wait3A_112 = tpu.memref_slice %arg6[%dma_wait3A_101, %dma_wait3A_102, %dma_wait3A_110, %dma_wait3A_111] : memref<2x4x128x64xf32, #tpu.memory_space<vmem>> -> memref<1x1x128x64xf32, #tpu.memory_space<vmem>>
    %dma_wait3A_113 = tpu.memref_squeeze %dma_wait3A_112 : memref<1x1x128x64xf32, #tpu.memory_space<vmem>> -> memref<128x64xf32, #tpu.memory_space<vmem>>
    %dma_wait3A_114 = arith.constant 0 : i32
    %dma_wait3A_115 = arith.constant 0 : i32
    %dma_wait3A_116 = tpu.memref_slice %arg3[%dma_wait3A_114, %dma_wait3A_115] : memref<2000000x64xf32, #tpu.memory_space<hbm>> -> memref<128x64xf32, #tpu.memory_space<hbm>>
    tpu.wait_dma2 semaphore(%arg7 : memref<!tpu.dma_semaphore, #tpu.memory_space<semaphore_mem>>) src(%dma_wait3A_116 : memref<128x64xf32, #tpu.memory_space<hbm>>) dst(%dma_wait3A_113 : memref<128x64xf32, #tpu.memory_space<vmem>>)
    %dma_start3A_117 = arith.constant 4 : i32
    %dma_start3A_118 = arith.constant 1 : i32
    %dma_start3A_119 = arith.constant 0 : i32
    %dma_start3A_120 = arith.constant 0 : i32
    %dma_start3A_121 = arith.constant 0 : i32
    %dma_start3A_122 = tpu.memref_slice %arg6[%dma_start3A_118, %dma_start3A_119, %dma_start3A_120, %dma_start3A_121] : memref<2x4x128x64xf32, #tpu.memory_space<vmem>> -> memref<1x1x128x64xf32, #tpu.memory_space<vmem>>
    %dma_start3A_123 = tpu.memref_squeeze %dma_start3A_122 : memref<1x1x128x64xf32, #tpu.memory_space<vmem>> -> memref<128x64xf32, #tpu.memory_space<vmem>>
    %dma_start3A_124 = arith.constant 0 : i32
    %dma_start3A_125 = tpu.memref_slice %arg5[%dma_start3A_117, %dma_start3A_124] : memref<200x128xi32, #tpu.memory_space<vmem>> -> memref<1x128xi32, #tpu.memory_space<vmem>>
    %dma_start3A_126 = tpu.memref_squeeze %dma_start3A_125 : memref<1x128xi32, #tpu.memory_space<vmem>> -> memref<128xi32, #tpu.memory_space<vmem>>
    %dma_start3A_127 = arith.constant 0 : i32
    %dma_start3A_128 = arith.constant 0 : i32
    %dma_start3A_129 = tpu.memref_slice %arg3[%dma_start3A_127, %dma_start3A_128] : memref<2000000x64xf32, #tpu.memory_space<hbm>> -> memref<2000000x64xf32, #tpu.memory_space<hbm>>
    tpu.enqueue_indirect_dma source(%dma_start3A_129 : memref<2000000x64xf32, #tpu.memory_space<hbm>>) target(%dma_start3A_123 : memref<128x64xf32, #tpu.memory_space<vmem>>) offsets(%dma_start3A_126 : memref<128xi32, #tpu.memory_space<vmem>>) semaphore(%arg8 : memref<!tpu.dma_semaphore, #tpu.memory_space<semaphore_mem>>)
    %dma_start3A_130 = arith.constant 5 : i32
    %dma_start3A_131 = arith.constant 1 : i32
    %dma_start3A_132 = arith.constant 1 : i32
    %dma_start3A_133 = arith.constant 0 : i32
    %dma_start3A_134 = arith.constant 0 : i32
    %dma_start3A_135 = tpu.memref_slice %arg6[%dma_start3A_131, %dma_start3A_132, %dma_start3A_133, %dma_start3A_134] : memref<2x4x128x64xf32, #tpu.memory_space<vmem>> -> memref<1x1x128x64xf32, #tpu.memory_space<vmem>>
    %dma_start3A_136 = tpu.memref_squeeze %dma_start3A_135 : memref<1x1x128x64xf32, #tpu.memory_space<vmem>> -> memref<128x64xf32, #tpu.memory_space<vmem>>
    %dma_start3A_137 = arith.constant 0 : i32
    %dma_start3A_138 = tpu.memref_slice %arg5[%dma_start3A_130, %dma_start3A_137] : memref<200x128xi32, #tpu.memory_space<vmem>> -> memref<1x128xi32, #tpu.memory_space<vmem>>
    %dma_start3A_139 = tpu.memref_squeeze %dma_start3A_138 : memref<1x128xi32, #tpu.memory_space<vmem>> -> memref<128xi32, #tpu.memory_space<vmem>>
    %dma_start3A_140 = arith.constant 0 : i32
    %dma_start3A_141 = arith.constant 0 : i32
    %dma_start3A_142 = tpu.memref_slice %arg3[%dma_start3A_140, %dma_start3A_141] : memref<2000000x64xf32, #tpu.memory_space<hbm>> -> memref<2000000x64xf32, #tpu.memory_space<hbm>>
    tpu.enqueue_indirect_dma source(%dma_start3A_142 : memref<2000000x64xf32, #tpu.memory_space<hbm>>) target(%dma_start3A_136 : memref<128x64xf32, #tpu.memory_space<vmem>>) offsets(%dma_start3A_139 : memref<128xi32, #tpu.memory_space<vmem>>) semaphore(%arg8 : memref<!tpu.dma_semaphore, #tpu.memory_space<semaphore_mem>>)
    %dma_start3A_143 = arith.constant 6 : i32
    %dma_start3A_144 = arith.constant 1 : i32
    %dma_start3A_145 = arith.constant 2 : i32
    %dma_start3A_146 = arith.constant 0 : i32
    %dma_start3A_147 = arith.constant 0 : i32
    %dma_start3A_148 = tpu.memref_slice %arg6[%dma_start3A_144, %dma_start3A_145, %dma_start3A_146, %dma_start3A_147] : memref<2x4x128x64xf32, #tpu.memory_space<vmem>> -> memref<1x1x128x64xf32, #tpu.memory_space<vmem>>
    %dma_start3A_149 = tpu.memref_squeeze %dma_start3A_148 : memref<1x1x128x64xf32, #tpu.memory_space<vmem>> -> memref<128x64xf32, #tpu.memory_space<vmem>>
    %dma_start3A_150 = arith.constant 0 : i32
    %dma_start3A_151 = tpu.memref_slice %arg5[%dma_start3A_143, %dma_start3A_150] : memref<200x128xi32, #tpu.memory_space<vmem>> -> memref<1x128xi32, #tpu.memory_space<vmem>>
    %dma_start3A_152 = tpu.memref_squeeze %dma_start3A_151 : memref<1x128xi32, #tpu.memory_space<vmem>> -> memref<128xi32, #tpu.memory_space<vmem>>
    %dma_start3A_153 = arith.constant 0 : i32
    %dma_start3A_154 = arith.constant 0 : i32
    %dma_start3A_155 = tpu.memref_slice %arg3[%dma_start3A_153, %dma_start3A_154] : memref<2000000x64xf32, #tpu.memory_space<hbm>> -> memref<2000000x64xf32, #tpu.memory_space<hbm>>
    tpu.enqueue_indirect_dma source(%dma_start3A_155 : memref<2000000x64xf32, #tpu.memory_space<hbm>>) target(%dma_start3A_149 : memref<128x64xf32, #tpu.memory_space<vmem>>) offsets(%dma_start3A_152 : memref<128xi32, #tpu.memory_space<vmem>>) semaphore(%arg8 : memref<!tpu.dma_semaphore, #tpu.memory_space<semaphore_mem>>)
    %dma_start3A_156 = arith.constant 7 : i32
    %dma_start3A_157 = arith.constant 1 : i32
    %dma_start3A_158 = arith.constant 3 : i32
    %dma_start3A_159 = arith.constant 0 : i32
    %dma_start3A_160 = arith.constant 0 : i32
    %dma_start3A_161 = tpu.memref_slice %arg6[%dma_start3A_157, %dma_start3A_158, %dma_start3A_159, %dma_start3A_160] : memref<2x4x128x64xf32, #tpu.memory_space<vmem>> -> memref<1x1x128x64xf32, #tpu.memory_space<vmem>>
    %dma_start3A_162 = tpu.memref_squeeze %dma_start3A_161 : memref<1x1x128x64xf32, #tpu.memory_space<vmem>> -> memref<128x64xf32, #tpu.memory_space<vmem>>
    %dma_start3A_163 = arith.constant 0 : i32
    %dma_start3A_164 = tpu.memref_slice %arg5[%dma_start3A_156, %dma_start3A_163] : memref<200x128xi32, #tpu.memory_space<vmem>> -> memref<1x128xi32, #tpu.memory_space<vmem>>
    %dma_start3A_165 = tpu.memref_squeeze %dma_start3A_164 : memref<1x128xi32, #tpu.memory_space<vmem>> -> memref<128xi32, #tpu.memory_space<vmem>>
    %dma_start3A_166 = arith.constant 0 : i32
    %dma_start3A_167 = arith.constant 0 : i32
    %dma_start3A_168 = tpu.memref_slice %arg3[%dma_start3A_166, %dma_start3A_167] : memref<2000000x64xf32, #tpu.memory_space<hbm>> -> memref<2000000x64xf32, #tpu.memory_space<hbm>>
    tpu.enqueue_indirect_dma source(%dma_start3A_168 : memref<2000000x64xf32, #tpu.memory_space<hbm>>) target(%dma_start3A_162 : memref<128x64xf32, #tpu.memory_space<vmem>>) offsets(%dma_start3A_165 : memref<128xi32, #tpu.memory_space<vmem>>) semaphore(%arg8 : memref<!tpu.dma_semaphore, #tpu.memory_space<semaphore_mem>>)
    %add3A_169 = arith.constant 0 : i32
    %add3A_170 = arith.addi %mul3A_2, %add3A_169 : i32
    %dma_start3A_171 = arith.constant 0 : i32
    %dma_start3A_172 = arith.constant 0 : i32
    %dma_start3A_173 = arith.constant 0 : i32
    %dma_start3A_174 = arith.constant 0 : i32
    %dma_start3A_175 = tpu.memref_slice %arg6[%dma_start3A_171, %dma_start3A_172, %dma_start3A_173, %dma_start3A_174] : memref<2x4x128x64xf32, #tpu.memory_space<vmem>> -> memref<1x1x128x64xf32, #tpu.memory_space<vmem>>
    %dma_start3A_176 = tpu.memref_squeeze %dma_start3A_175 : memref<1x1x128x64xf32, #tpu.memory_space<vmem>> -> memref<128x64xf32, #tpu.memory_space<vmem>>
    %dma_start3A_177 = arith.constant 0 : i32
    %dma_start3A_178 = arith.constant 0 : i32
    %dma_start3A_179 = tpu.memref_slice %arg4[%add3A_170, %dma_start3A_177, %dma_start3A_178] : memref<6400x128x128xf32, #tpu.memory_space<hbm>> -> memref<1x128x64xf32, #tpu.memory_space<hbm>>
    %dma_start3A_180 = tpu.memref_squeeze %dma_start3A_179 : memref<1x128x64xf32, #tpu.memory_space<hbm>> -> memref<128x64xf32, #tpu.memory_space<hbm>>
    %dma_start3A_181 = arith.constant 0 : i32
    %dma_start3A_182 = arith.constant 0 : i32
    %dma_start3A_183 = tpu.memref_slice %arg4[%add3A_170, %dma_start3A_181, %dma_start3A_182] : memref<6400x128x128xf32, #tpu.memory_space<hbm>> -> memref<1x128x64xf32, #tpu.memory_space<hbm>>
    %dma_start3A_184 = tpu.memref_squeeze %dma_start3A_183 : memref<1x128x64xf32, #tpu.memory_space<hbm>> -> memref<128x64xf32, #tpu.memory_space<hbm>>
    %dma_start3A_185 = arith.constant 0 : i32
    %dma_start3A_186 = arith.constant 0 : i32
    %dma_start3A_187 = tpu.memref_slice %arg6[%dma_start3A_171, %dma_start3A_172, %dma_start3A_185, %dma_start3A_186] : memref<2x4x128x64xf32, #tpu.memory_space<vmem>> -> memref<1x1x128x64xf32, #tpu.memory_space<vmem>>
    %dma_start3A_188 = tpu.memref_squeeze %dma_start3A_187 : memref<1x1x128x64xf32, #tpu.memory_space<vmem>> -> memref<128x64xf32, #tpu.memory_space<vmem>>
    tpu.enqueue_dma source(%dma_start3A_188 : memref<128x64xf32, #tpu.memory_space<vmem>>) target(%dma_start3A_184 : memref<128x64xf32, #tpu.memory_space<hbm>>) target_semaphore(%arg9 : memref<!tpu.dma_semaphore, #tpu.memory_space<semaphore_mem>>)
    %add3A_189 = arith.constant 1 : i32
    %add3A_190 = arith.addi %mul3A_2, %add3A_189 : i32
    %dma_start3A_191 = arith.constant 0 : i32
    %dma_start3A_192 = arith.constant 1 : i32
    %dma_start3A_193 = arith.constant 0 : i32
    %dma_start3A_194 = arith.constant 0 : i32
    %dma_start3A_195 = tpu.memref_slice %arg6[%dma_start3A_191, %dma_start3A_192, %dma_start3A_193, %dma_start3A_194] : memref<2x4x128x64xf32, #tpu.memory_space<vmem>> -> memref<1x1x128x64xf32, #tpu.memory_space<vmem>>
    %dma_start3A_196 = tpu.memref_squeeze %dma_start3A_195 : memref<1x1x128x64xf32, #tpu.memory_space<vmem>> -> memref<128x64xf32, #tpu.memory_space<vmem>>
    %dma_start3A_197 = arith.constant 0 : i32
    %dma_start3A_198 = arith.constant 0 : i32
    %dma_start3A_199 = tpu.memref_slice %arg4[%add3A_190, %dma_start3A_197, %dma_start3A_198] : memref<6400x128x128xf32, #tpu.memory_space<hbm>> -> memref<1x128x64xf32, #tpu.memory_space<hbm>>
    %dma_start3A_200 = tpu.memref_squeeze %dma_start3A_199 : memref<1x128x64xf32, #tpu.memory_space<hbm>> -> memref<128x64xf32, #tpu.memory_space<hbm>>
    %dma_start3A_201 = arith.constant 0 : i32
    %dma_start3A_202 = arith.constant 0 : i32
    %dma_start3A_203 = tpu.memref_slice %arg4[%add3A_190, %dma_start3A_201, %dma_start3A_202] : memref<6400x128x128xf32, #tpu.memory_space<hbm>> -> memref<1x128x64xf32, #tpu.memory_space<hbm>>
    %dma_start3A_204 = tpu.memref_squeeze %dma_start3A_203 : memref<1x128x64xf32, #tpu.memory_space<hbm>> -> memref<128x64xf32, #tpu.memory_space<hbm>>
    %dma_start3A_205 = arith.constant 0 : i32
    %dma_start3A_206 = arith.constant 0 : i32
    %dma_start3A_207 = tpu.memref_slice %arg6[%dma_start3A_191, %dma_start3A_192, %dma_start3A_205, %dma_start3A_206] : memref<2x4x128x64xf32, #tpu.memory_space<vmem>> -> memref<1x1x128x64xf32, #tpu.memory_space<vmem>>
    %dma_start3A_208 = tpu.memref_squeeze %dma_start3A_207 : memref<1x1x128x64xf32, #tpu.memory_space<vmem>> -> memref<128x64xf32, #tpu.memory_space<vmem>>
    tpu.enqueue_dma source(%dma_start3A_208 : memref<128x64xf32, #tpu.memory_space<vmem>>) target(%dma_start3A_204 : memref<128x64xf32, #tpu.memory_space<hbm>>) target_semaphore(%arg9 : memref<!tpu.dma_semaphore, #tpu.memory_space<semaphore_mem>>)
    %add3A_209 = arith.constant 2 : i32
    %add3A_210 = arith.addi %mul3A_2, %add3A_209 : i32
    %dma_start3A_211 = arith.constant 0 : i32
    %dma_start3A_212 = arith.constant 2 : i32
    %dma_start3A_213 = arith.constant 0 : i32
    %dma_start3A_214 = arith.constant 0 : i32
    %dma_start3A_215 = tpu.memref_slice %arg6[%dma_start3A_211, %dma_start3A_212, %dma_start3A_213, %dma_start3A_214] : memref<2x4x128x64xf32, #tpu.memory_space<vmem>> -> memref<1x1x128x64xf32, #tpu.memory_space<vmem>>
    %dma_start3A_216 = tpu.memref_squeeze %dma_start3A_215 : memref<1x1x128x64xf32, #tpu.memory_space<vmem>> -> memref<128x64xf32, #tpu.memory_space<vmem>>
    %dma_start3A_217 = arith.constant 0 : i32
    %dma_start3A_218 = arith.constant 0 : i32
    %dma_start3A_219 = tpu.memref_slice %arg4[%add3A_210, %dma_start3A_217, %dma_start3A_218] : memref<6400x128x128xf32, #tpu.memory_space<hbm>> -> memref<1x128x64xf32, #tpu.memory_space<hbm>>
    %dma_start3A_220 = tpu.memref_squeeze %dma_start3A_219 : memref<1x128x64xf32, #tpu.memory_space<hbm>> -> memref<128x64xf32, #tpu.memory_space<hbm>>
    %dma_start3A_221 = arith.constant 0 : i32
    %dma_start3A_222 = arith.constant 0 : i32
    %dma_start3A_223 = tpu.memref_slice %arg4[%add3A_210, %dma_start3A_221, %dma_start3A_222] : memref<6400x128x128xf32, #tpu.memory_space<hbm>> -> memref<1x128x64xf32, #tpu.memory_space<hbm>>
    %dma_start3A_224 = tpu.memref_squeeze %dma_start3A_223 : memref<1x128x64xf32, #tpu.memory_space<hbm>> -> memref<128x64xf32, #tpu.memory_space<hbm>>
    %dma_start3A_225 = arith.constant 0 : i32
    %dma_start3A_226 = arith.constant 0 : i32
    %dma_start3A_227 = tpu.memref_slice %arg6[%dma_start3A_211, %dma_start3A_212, %dma_start3A_225, %dma_start3A_226] : memref<2x4x128x64xf32, #tpu.memory_space<vmem>> -> memref<1x1x128x64xf32, #tpu.memory_space<vmem>>
    %dma_start3A_228 = tpu.memref_squeeze %dma_start3A_227 : memref<1x1x128x64xf32, #tpu.memory_space<vmem>> -> memref<128x64xf32, #tpu.memory_space<vmem>>
    tpu.enqueue_dma source(%dma_start3A_228 : memref<128x64xf32, #tpu.memory_space<vmem>>) target(%dma_start3A_224 : memref<128x64xf32, #tpu.memory_space<hbm>>) target_semaphore(%arg9 : memref<!tpu.dma_semaphore, #tpu.memory_space<semaphore_mem>>)
    %add3A_229 = arith.constant 3 : i32
    %add3A_230 = arith.addi %mul3A_2, %add3A_229 : i32
    %dma_start3A_231 = arith.constant 0 : i32
    %dma_start3A_232 = arith.constant 3 : i32
    %dma_start3A_233 = arith.constant 0 : i32
    %dma_start3A_234 = arith.constant 0 : i32
    %dma_start3A_235 = tpu.memref_slice %arg6[%dma_start3A_231, %dma_start3A_232, %dma_start3A_233, %dma_start3A_234] : memref<2x4x128x64xf32, #tpu.memory_space<vmem>> -> memref<1x1x128x64xf32, #tpu.memory_space<vmem>>
    %dma_start3A_236 = tpu.memref_squeeze %dma_start3A_235 : memref<1x1x128x64xf32, #tpu.memory_space<vmem>> -> memref<128x64xf32, #tpu.memory_space<vmem>>
    %dma_start3A_237 = arith.constant 0 : i32
    %dma_start3A_238 = arith.constant 0 : i32
    %dma_start3A_239 = tpu.memref_slice %arg4[%add3A_230, %dma_start3A_237, %dma_start3A_238] : memref<6400x128x128xf32, #tpu.memory_space<hbm>> -> memref<1x128x64xf32, #tpu.memory_space<hbm>>
    %dma_start3A_240 = tpu.memref_squeeze %dma_start3A_239 : memref<1x128x64xf32, #tpu.memory_space<hbm>> -> memref<128x64xf32, #tpu.memory_space<hbm>>
    %dma_start3A_241 = arith.constant 0 : i32
    %dma_start3A_242 = arith.constant 0 : i32
    %dma_start3A_243 = tpu.memref_slice %arg4[%add3A_230, %dma_start3A_241, %dma_start3A_242] : memref<6400x128x128xf32, #tpu.memory_space<hbm>> -> memref<1x128x64xf32, #tpu.memory_space<hbm>>
    %dma_start3A_244 = tpu.memref_squeeze %dma_start3A_243 : memref<1x128x64xf32, #tpu.memory_space<hbm>> -> memref<128x64xf32, #tpu.memory_space<hbm>>
    %dma_start3A_245 = arith.constant 0 : i32
    %dma_start3A_246 = arith.constant 0 : i32
    %dma_start3A_247 = tpu.memref_slice %arg6[%dma_start3A_231, %dma_start3A_232, %dma_start3A_245, %dma_start3A_246] : memref<2x4x128x64xf32, #tpu.memory_space<vmem>> -> memref<1x1x128x64xf32, #tpu.memory_space<vmem>>
    %dma_start3A_248 = tpu.memref_squeeze %dma_start3A_247 : memref<1x1x128x64xf32, #tpu.memory_space<vmem>> -> memref<128x64xf32, #tpu.memory_space<vmem>>
    tpu.enqueue_dma source(%dma_start3A_248 : memref<128x64xf32, #tpu.memory_space<vmem>>) target(%dma_start3A_244 : memref<128x64xf32, #tpu.memory_space<hbm>>) target_semaphore(%arg9 : memref<!tpu.dma_semaphore, #tpu.memory_space<semaphore_mem>>)
    %dma_wait3A_249 = arith.constant 1 : i32
    %dma_wait3A_250 = arith.constant 0 : i32
    %dma_wait3A_251 = arith.constant 0 : i32
    %dma_wait3A_252 = arith.constant 0 : i32
    %dma_wait3A_253 = tpu.memref_slice %arg6[%dma_wait3A_249, %dma_wait3A_250, %dma_wait3A_251, %dma_wait3A_252] : memref<2x4x128x64xf32, #tpu.memory_space<vmem>> -> memref<1x1x128x64xf32, #tpu.memory_space<vmem>>
    %dma_wait3A_254 = tpu.memref_squeeze %dma_wait3A_253 : memref<1x1x128x64xf32, #tpu.memory_space<vmem>> -> memref<128x64xf32, #tpu.memory_space<vmem>>
    %dma_wait3A_255 = arith.constant 0 : i32
    %dma_wait3A_256 = arith.constant 0 : i32
    %dma_wait3A_257 = tpu.memref_slice %arg3[%dma_wait3A_255, %dma_wait3A_256] : memref<2000000x64xf32, #tpu.memory_space<hbm>> -> memref<128x64xf32, #tpu.memory_space<hbm>>
    %dma_wait3A_258 = arith.constant 0 : i32
    %dma_wait3A_259 = arith.constant 0 : i32
    %dma_wait3A_260 = tpu.memref_slice %arg6[%dma_wait3A_249, %dma_wait3A_250, %dma_wait3A_258, %dma_wait3A_259] : memref<2x4x128x64xf32, #tpu.memory_space<vmem>> -> memref<1x1x128x64xf32, #tpu.memory_space<vmem>>
    %dma_wait3A_261 = tpu.memref_squeeze %dma_wait3A_260 : memref<1x1x128x64xf32, #tpu.memory_space<vmem>> -> memref<128x64xf32, #tpu.memory_space<vmem>>
    %dma_wait3A_262 = arith.constant 0 : i32
    %dma_wait3A_263 = arith.constant 0 : i32
    %dma_wait3A_264 = tpu.memref_slice %arg3[%dma_wait3A_262, %dma_wait3A_263] : memref<2000000x64xf32, #tpu.memory_space<hbm>> -> memref<128x64xf32, #tpu.memory_space<hbm>>
    tpu.wait_dma2 semaphore(%arg8 : memref<!tpu.dma_semaphore, #tpu.memory_space<semaphore_mem>>) src(%dma_wait3A_264 : memref<128x64xf32, #tpu.memory_space<hbm>>) dst(%dma_wait3A_261 : memref<128x64xf32, #tpu.memory_space<vmem>>)
    %dma_wait3A_265 = arith.constant 1 : i32
    %dma_wait3A_266 = arith.constant 1 : i32
    %dma_wait3A_267 = arith.constant 0 : i32
    %dma_wait3A_268 = arith.constant 0 : i32
    %dma_wait3A_269 = tpu.memref_slice %arg6[%dma_wait3A_265, %dma_wait3A_266, %dma_wait3A_267, %dma_wait3A_268] : memref<2x4x128x64xf32, #tpu.memory_space<vmem>> -> memref<1x1x128x64xf32, #tpu.memory_space<vmem>>
    %dma_wait3A_270 = tpu.memref_squeeze %dma_wait3A_269 : memref<1x1x128x64xf32, #tpu.memory_space<vmem>> -> memref<128x64xf32, #tpu.memory_space<vmem>>
    %dma_wait3A_271 = arith.constant 0 : i32
    %dma_wait3A_272 = arith.constant 0 : i32
    %dma_wait3A_273 = tpu.memref_slice %arg3[%dma_wait3A_271, %dma_wait3A_272] : memref<2000000x64xf32, #tpu.memory_space<hbm>> -> memref<128x64xf32, #tpu.memory_space<hbm>>
    %dma_wait3A_274 = arith.constant 0 : i32
    %dma_wait3A_275 = arith.constant 0 : i32
    %dma_wait3A_276 = tpu.memref_slice %arg6[%dma_wait3A_265, %dma_wait3A_266, %dma_wait3A_274, %dma_wait3A_275] : memref<2x4x128x64xf32, #tpu.memory_space<vmem>> -> memref<1x1x128x64xf32, #tpu.memory_space<vmem>>
    %dma_wait3A_277 = tpu.memref_squeeze %dma_wait3A_276 : memref<1x1x128x64xf32, #tpu.memory_space<vmem>> -> memref<128x64xf32, #tpu.memory_space<vmem>>
    %dma_wait3A_278 = arith.constant 0 : i32
    %dma_wait3A_279 = arith.constant 0 : i32
    %dma_wait3A_280 = tpu.memref_slice %arg3[%dma_wait3A_278, %dma_wait3A_279] : memref<2000000x64xf32, #tpu.memory_space<hbm>> -> memref<128x64xf32, #tpu.memory_space<hbm>>
    tpu.wait_dma2 semaphore(%arg8 : memref<!tpu.dma_semaphore, #tpu.memory_space<semaphore_mem>>) src(%dma_wait3A_280 : memref<128x64xf32, #tpu.memory_space<hbm>>) dst(%dma_wait3A_277 : memref<128x64xf32, #tpu.memory_space<vmem>>)
    %dma_wait3A_281 = arith.constant 1 : i32
    %dma_wait3A_282 = arith.constant 2 : i32
    %dma_wait3A_283 = arith.constant 0 : i32
    %dma_wait3A_284 = arith.constant 0 : i32
    %dma_wait3A_285 = tpu.memref_slice %arg6[%dma_wait3A_281, %dma_wait3A_282, %dma_wait3A_283, %dma_wait3A_284] : memref<2x4x128x64xf32, #tpu.memory_space<vmem>> -> memref<1x1x128x64xf32, #tpu.memory_space<vmem>>
    %dma_wait3A_286 = tpu.memref_squeeze %dma_wait3A_285 : memref<1x1x128x64xf32, #tpu.memory_space<vmem>> -> memref<128x64xf32, #tpu.memory_space<vmem>>
    %dma_wait3A_287 = arith.constant 0 : i32
    %dma_wait3A_288 = arith.constant 0 : i32
    %dma_wait3A_289 = tpu.memref_slice %arg3[%dma_wait3A_287, %dma_wait3A_288] : memref<2000000x64xf32, #tpu.memory_space<hbm>> -> memref<128x64xf32, #tpu.memory_space<hbm>>
    %dma_wait3A_290 = arith.constant 0 : i32
    %dma_wait3A_291 = arith.constant 0 : i32
    %dma_wait3A_292 = tpu.memref_slice %arg6[%dma_wait3A_281, %dma_wait3A_282, %dma_wait3A_290, %dma_wait3A_291] : memref<2x4x128x64xf32, #tpu.memory_space<vmem>> -> memref<1x1x128x64xf32, #tpu.memory_space<vmem>>
    %dma_wait3A_293 = tpu.memref_squeeze %dma_wait3A_292 : memref<1x1x128x64xf32, #tpu.memory_space<vmem>> -> memref<128x64xf32, #tpu.memory_space<vmem>>
    %dma_wait3A_294 = arith.constant 0 : i32
    %dma_wait3A_295 = arith.constant 0 : i32
    %dma_wait3A_296 = tpu.memref_slice %arg3[%dma_wait3A_294, %dma_wait3A_295] : memref<2000000x64xf32, #tpu.memory_space<hbm>> -> memref<128x64xf32, #tpu.memory_space<hbm>>
    tpu.wait_dma2 semaphore(%arg8 : memref<!tpu.dma_semaphore, #tpu.memory_space<semaphore_mem>>) src(%dma_wait3A_296 : memref<128x64xf32, #tpu.memory_space<hbm>>) dst(%dma_wait3A_293 : memref<128x64xf32, #tpu.memory_space<vmem>>)
    %dma_wait3A_297 = arith.constant 1 : i32
    %dma_wait3A_298 = arith.constant 3 : i32
    %dma_wait3A_299 = arith.constant 0 : i32
    %dma_wait3A_300 = arith.constant 0 : i32
    %dma_wait3A_301 = tpu.memref_slice %arg6[%dma_wait3A_297, %dma_wait3A_298, %dma_wait3A_299, %dma_wait3A_300] : memref<2x4x128x64xf32, #tpu.memory_space<vmem>> -> memref<1x1x128x64xf32, #tpu.memory_space<vmem>>
    %dma_wait3A_302 = tpu.memref_squeeze %dma_wait3A_301 : memref<1x1x128x64xf32, #tpu.memory_space<vmem>> -> memref<128x64xf32, #tpu.memory_space<vmem>>
    %dma_wait3A_303 = arith.constant 0 : i32
    %dma_wait3A_304 = arith.constant 0 : i32
    %dma_wait3A_305 = tpu.memref_slice %arg3[%dma_wait3A_303, %dma_wait3A_304] : memref<2000000x64xf32, #tpu.memory_space<hbm>> -> memref<128x64xf32, #tpu.memory_space<hbm>>
    %dma_wait3A_306 = arith.constant 0 : i32
    %dma_wait3A_307 = arith.constant 0 : i32
    %dma_wait3A_308 = tpu.memref_slice %arg6[%dma_wait3A_297, %dma_wait3A_298, %dma_wait3A_306, %dma_wait3A_307] : memref<2x4x128x64xf32, #tpu.memory_space<vmem>> -> memref<1x1x128x64xf32, #tpu.memory_space<vmem>>
    %dma_wait3A_309 = tpu.memref_squeeze %dma_wait3A_308 : memref<1x1x128x64xf32, #tpu.memory_space<vmem>> -> memref<128x64xf32, #tpu.memory_space<vmem>>
    %dma_wait3A_310 = arith.constant 0 : i32
    %dma_wait3A_311 = arith.constant 0 : i32
    %dma_wait3A_312 = tpu.memref_slice %arg3[%dma_wait3A_310, %dma_wait3A_311] : memref<2000000x64xf32, #tpu.memory_space<hbm>> -> memref<128x64xf32, #tpu.memory_space<hbm>>
    tpu.wait_dma2 semaphore(%arg8 : memref<!tpu.dma_semaphore, #tpu.memory_space<semaphore_mem>>) src(%dma_wait3A_312 : memref<128x64xf32, #tpu.memory_space<hbm>>) dst(%dma_wait3A_309 : memref<128x64xf32, #tpu.memory_space<vmem>>)
    %dma_wait3A_313 = arith.constant 0 : i32
    %dma_wait3A_314 = arith.constant 0 : i32
    %dma_wait3A_315 = arith.constant 0 : i32
    %dma_wait3A_316 = arith.constant 0 : i32
    %dma_wait3A_317 = tpu.memref_slice %arg6[%dma_wait3A_313, %dma_wait3A_314, %dma_wait3A_315, %dma_wait3A_316] : memref<2x4x128x64xf32, #tpu.memory_space<vmem>> -> memref<1x1x128x64xf32, #tpu.memory_space<vmem>>
    %dma_wait3A_318 = tpu.memref_squeeze %dma_wait3A_317 : memref<1x1x128x64xf32, #tpu.memory_space<vmem>> -> memref<128x64xf32, #tpu.memory_space<vmem>>
    %dma_wait3A_319 = arith.constant 0 : i32
    %dma_wait3A_320 = arith.constant 0 : i32
    %dma_wait3A_321 = tpu.memref_slice %arg4[%mul3A_2, %dma_wait3A_319, %dma_wait3A_320] : memref<6400x128x128xf32, #tpu.memory_space<hbm>> -> memref<1x128x64xf32, #tpu.memory_space<hbm>>
    %dma_wait3A_322 = tpu.memref_squeeze %dma_wait3A_321 : memref<1x128x64xf32, #tpu.memory_space<hbm>> -> memref<128x64xf32, #tpu.memory_space<hbm>>
    %dma_wait3A_323 = arith.constant 0 : i32
    %dma_wait3A_324 = arith.constant 0 : i32
    %dma_wait3A_325 = tpu.memref_slice %arg4[%mul3A_2, %dma_wait3A_323, %dma_wait3A_324] : memref<6400x128x128xf32, #tpu.memory_space<hbm>> -> memref<1x128x64xf32, #tpu.memory_space<hbm>>
    %dma_wait3A_326 = tpu.memref_squeeze %dma_wait3A_325 : memref<1x128x64xf32, #tpu.memory_space<hbm>> -> memref<128x64xf32, #tpu.memory_space<hbm>>
    %dma_wait3A_327 = arith.constant 0 : i32
    %dma_wait3A_328 = arith.constant 0 : i32
    %dma_wait3A_329 = tpu.memref_slice %arg6[%dma_wait3A_313, %dma_wait3A_314, %dma_wait3A_327, %dma_wait3A_328] : memref<2x4x128x64xf32, #tpu.memory_space<vmem>> -> memref<1x1x128x64xf32, #tpu.memory_space<vmem>>
    %dma_wait3A_330 = tpu.memref_squeeze %dma_wait3A_329 : memref<1x1x128x64xf32, #tpu.memory_space<vmem>> -> memref<128x64xf32, #tpu.memory_space<vmem>>
    tpu.wait_dma2 semaphore(%arg9 : memref<!tpu.dma_semaphore, #tpu.memory_space<semaphore_mem>>) src(%dma_wait3A_330 : memref<128x64xf32, #tpu.memory_space<vmem>>) dst(%dma_wait3A_326 : memref<128x64xf32, #tpu.memory_space<hbm>>)
    %dma_wait3A_331 = arith.constant 0 : i32
    %dma_wait3A_332 = arith.constant 1 : i32
    %dma_wait3A_333 = arith.constant 0 : i32
    %dma_wait3A_334 = arith.constant 0 : i32
    %dma_wait3A_335 = tpu.memref_slice %arg6[%dma_wait3A_331, %dma_wait3A_332, %dma_wait3A_333, %dma_wait3A_334] : memref<2x4x128x64xf32, #tpu.memory_space<vmem>> -> memref<1x1x128x64xf32, #tpu.memory_space<vmem>>
    %dma_wait3A_336 = tpu.memref_squeeze %dma_wait3A_335 : memref<1x1x128x64xf32, #tpu.memory_space<vmem>> -> memref<128x64xf32, #tpu.memory_space<vmem>>
    %dma_wait3A_337 = arith.constant 0 : i32
    %dma_wait3A_338 = arith.constant 0 : i32
    %dma_wait3A_339 = tpu.memref_slice %arg4[%mul3A_2, %dma_wait3A_337, %dma_wait3A_338] : memref<6400x128x128xf32, #tpu.memory_space<hbm>> -> memref<1x128x64xf32, #tpu.memory_space<hbm>>
    %dma_wait3A_340 = tpu.memref_squeeze %dma_wait3A_339 : memref<1x128x64xf32, #tpu.memory_space<hbm>> -> memref<128x64xf32, #tpu.memory_space<hbm>>
    %dma_wait3A_341 = arith.constant 0 : i32
    %dma_wait3A_342 = arith.constant 0 : i32
    %dma_wait3A_343 = tpu.memref_slice %arg4[%mul3A_2, %dma_wait3A_341, %dma_wait3A_342] : memref<6400x128x128xf32, #tpu.memory_space<hbm>> -> memref<1x128x64xf32, #tpu.memory_space<hbm>>
    %dma_wait3A_344 = tpu.memref_squeeze %dma_wait3A_343 : memref<1x128x64xf32, #tpu.memory_space<hbm>> -> memref<128x64xf32, #tpu.memory_space<hbm>>
    %dma_wait3A_345 = arith.constant 0 : i32
    %dma_wait3A_346 = arith.constant 0 : i32
    %dma_wait3A_347 = tpu.memref_slice %arg6[%dma_wait3A_331, %dma_wait3A_332, %dma_wait3A_345, %dma_wait3A_346] : memref<2x4x128x64xf32, #tpu.memory_space<vmem>> -> memref<1x1x128x64xf32, #tpu.memory_space<vmem>>
    %dma_wait3A_348 = tpu.memref_squeeze %dma_wait3A_347 : memref<1x1x128x64xf32, #tpu.memory_space<vmem>> -> memref<128x64xf32, #tpu.memory_space<vmem>>
    tpu.wait_dma2 semaphore(%arg9 : memref<!tpu.dma_semaphore, #tpu.memory_space<semaphore_mem>>) src(%dma_wait3A_348 : memref<128x64xf32, #tpu.memory_space<vmem>>) dst(%dma_wait3A_344 : memref<128x64xf32, #tpu.memory_space<hbm>>)
    %dma_wait3A_349 = arith.constant 0 : i32
    %dma_wait3A_350 = arith.constant 2 : i32
    %dma_wait3A_351 = arith.constant 0 : i32
    %dma_wait3A_352 = arith.constant 0 : i32
    %dma_wait3A_353 = tpu.memref_slice %arg6[%dma_wait3A_349, %dma_wait3A_350, %dma_wait3A_351, %dma_wait3A_352] : memref<2x4x128x64xf32, #tpu.memory_space<vmem>> -> memref<1x1x128x64xf32, #tpu.memory_space<vmem>>
    %dma_wait3A_354 = tpu.memref_squeeze %dma_wait3A_353 : memref<1x1x128x64xf32, #tpu.memory_space<vmem>> -> memref<128x64xf32, #tpu.memory_space<vmem>>
    %dma_wait3A_355 = arith.constant 0 : i32
    %dma_wait3A_356 = arith.constant 0 : i32
    %dma_wait3A_357 = tpu.memref_slice %arg4[%mul3A_2, %dma_wait3A_355, %dma_wait3A_356] : memref<6400x128x128xf32, #tpu.memory_space<hbm>> -> memref<1x128x64xf32, #tpu.memory_space<hbm>>
    %dma_wait3A_358 = tpu.memref_squeeze %dma_wait3A_357 : memref<1x128x64xf32, #tpu.memory_space<hbm>> -> memref<128x64xf32, #tpu.memory_space<hbm>>
    %dma_wait3A_359 = arith.constant 0 : i32
    %dma_wait3A_360 = arith.constant 0 : i32
    %dma_wait3A_361 = tpu.memref_slice %arg4[%mul3A_2, %dma_wait3A_359, %dma_wait3A_360] : memref<6400x128x128xf32, #tpu.memory_space<hbm>> -> memref<1x128x64xf32, #tpu.memory_space<hbm>>
    %dma_wait3A_362 = tpu.memref_squeeze %dma_wait3A_361 : memref<1x128x64xf32, #tpu.memory_space<hbm>> -> memref<128x64xf32, #tpu.memory_space<hbm>>
    %dma_wait3A_363 = arith.constant 0 : i32
    %dma_wait3A_364 = arith.constant 0 : i32
    %dma_wait3A_365 = tpu.memref_slice %arg6[%dma_wait3A_349, %dma_wait3A_350, %dma_wait3A_363, %dma_wait3A_364] : memref<2x4x128x64xf32, #tpu.memory_space<vmem>> -> memref<1x1x128x64xf32, #tpu.memory_space<vmem>>
    %dma_wait3A_366 = tpu.memref_squeeze %dma_wait3A_365 : memref<1x1x128x64xf32, #tpu.memory_space<vmem>> -> memref<128x64xf32, #tpu.memory_space<vmem>>
    tpu.wait_dma2 semaphore(%arg9 : memref<!tpu.dma_semaphore, #tpu.memory_space<semaphore_mem>>) src(%dma_wait3A_366 : memref<128x64xf32, #tpu.memory_space<vmem>>) dst(%dma_wait3A_362 : memref<128x64xf32, #tpu.memory_space<hbm>>)
    %dma_wait3A_367 = arith.constant 0 : i32
    %dma_wait3A_368 = arith.constant 3 : i32
    %dma_wait3A_369 = arith.constant 0 : i32
    %dma_wait3A_370 = arith.constant 0 : i32
    %dma_wait3A_371 = tpu.memref_slice %arg6[%dma_wait3A_367, %dma_wait3A_368, %dma_wait3A_369, %dma_wait3A_370] : memref<2x4x128x64xf32, #tpu.memory_space<vmem>> -> memref<1x1x128x64xf32, #tpu.memory_space<vmem>>
    %dma_wait3A_372 = tpu.memref_squeeze %dma_wait3A_371 : memref<1x1x128x64xf32, #tpu.memory_space<vmem>> -> memref<128x64xf32, #tpu.memory_space<vmem>>
    %dma_wait3A_373 = arith.constant 0 : i32
    %dma_wait3A_374 = arith.constant 0 : i32
    %dma_wait3A_375 = tpu.memref_slice %arg4[%mul3A_2, %dma_wait3A_373, %dma_wait3A_374] : memref<6400x128x128xf32, #tpu.memory_space<hbm>> -> memref<1x128x64xf32, #tpu.memory_space<hbm>>
    %dma_wait3A_376 = tpu.memref_squeeze %dma_wait3A_375 : memref<1x128x64xf32, #tpu.memory_space<hbm>> -> memref<128x64xf32, #tpu.memory_space<hbm>>
    %dma_wait3A_377 = arith.constant 0 : i32
    %dma_wait3A_378 = arith.constant 0 : i32
    %dma_wait3A_379 = tpu.memref_slice %arg4[%mul3A_2, %dma_wait3A_377, %dma_wait3A_378] : memref<6400x128x128xf32, #tpu.memory_space<hbm>> -> memref<1x128x64xf32, #tpu.memory_space<hbm>>
    %dma_wait3A_380 = tpu.memref_squeeze %dma_wait3A_379 : memref<1x128x64xf32, #tpu.memory_space<hbm>> -> memref<128x64xf32, #tpu.memory_space<hbm>>
    %dma_wait3A_381 = arith.constant 0 : i32
    %dma_wait3A_382 = arith.constant 0 : i32
    %dma_wait3A_383 = tpu.memref_slice %arg6[%dma_wait3A_367, %dma_wait3A_368, %dma_wait3A_381, %dma_wait3A_382] : memref<2x4x128x64xf32, #tpu.memory_space<vmem>> -> memref<1x1x128x64xf32, #tpu.memory_space<vmem>>
    %dma_wait3A_384 = tpu.memref_squeeze %dma_wait3A_383 : memref<1x1x128x64xf32, #tpu.memory_space<vmem>> -> memref<128x64xf32, #tpu.memory_space<vmem>>
    tpu.wait_dma2 semaphore(%arg9 : memref<!tpu.dma_semaphore, #tpu.memory_space<semaphore_mem>>) src(%dma_wait3A_384 : memref<128x64xf32, #tpu.memory_space<vmem>>) dst(%dma_wait3A_380 : memref<128x64xf32, #tpu.memory_space<hbm>>)
    %dma_start3A_385 = arith.constant 8 : i32
    %dma_start3A_386 = arith.constant 0 : i32
    %dma_start3A_387 = arith.constant 0 : i32
    %dma_start3A_388 = arith.constant 0 : i32
    %dma_start3A_389 = arith.constant 0 : i32
    %dma_start3A_390 = tpu.memref_slice %arg6[%dma_start3A_386, %dma_start3A_387, %dma_start3A_388, %dma_start3A_389] : memref<2x4x128x64xf32, #tpu.memory_space<vmem>> -> memref<1x1x128x64xf32, #tpu.memory_space<vmem>>
    %dma_start3A_391 = tpu.memref_squeeze %dma_start3A_390 : memref<1x1x128x64xf32, #tpu.memory_space<vmem>> -> memref<128x64xf32, #tpu.memory_space<vmem>>
    %dma_start3A_392 = arith.constant 0 : i32
    %dma_start3A_393 = tpu.memref_slice %arg5[%dma_start3A_385, %dma_start3A_392] : memref<200x128xi32, #tpu.memory_space<vmem>> -> memref<1x128xi32, #tpu.memory_space<vmem>>
    %dma_start3A_394 = tpu.memref_squeeze %dma_start3A_393 : memref<1x128xi32, #tpu.memory_space<vmem>> -> memref<128xi32, #tpu.memory_space<vmem>>
    %dma_start3A_395 = arith.constant 0 : i32
    %dma_start3A_396 = arith.constant 0 : i32
    %dma_start3A_397 = tpu.memref_slice %arg3[%dma_start3A_395, %dma_start3A_396] : memref<2000000x64xf32, #tpu.memory_space<hbm>> -> memref<2000000x64xf32, #tpu.memory_space<hbm>>
    tpu.enqueue_indirect_dma source(%dma_start3A_397 : memref<2000000x64xf32, #tpu.memory_space<hbm>>) target(%dma_start3A_391 : memref<128x64xf32, #tpu.memory_space<vmem>>) offsets(%dma_start3A_394 : memref<128xi32, #tpu.memory_space<vmem>>) semaphore(%arg7 : memref<!tpu.dma_semaphore, #tpu.memory_space<semaphore_mem>>)
    %dma_start3A_398 = arith.constant 9 : i32
    %dma_start3A_399 = arith.constant 0 : i32
    %dma_start3A_400 = arith.constant 1 : i32
    %dma_start3A_401 = arith.constant 0 : i32
    %dma_start3A_402 = arith.constant 0 : i32
    %dma_start3A_403 = tpu.memref_slice %arg6[%dma_start3A_399, %dma_start3A_400, %dma_start3A_401, %dma_start3A_402] : memref<2x4x128x64xf32, #tpu.memory_space<vmem>> -> memref<1x1x128x64xf32, #tpu.memory_space<vmem>>
    %dma_start3A_404 = tpu.memref_squeeze %dma_start3A_403 : memref<1x1x128x64xf32, #tpu.memory_space<vmem>> -> memref<128x64xf32, #tpu.memory_space<vmem>>
    %dma_start3A_405 = arith.constant 0 : i32
    %dma_start3A_406 = tpu.memref_slice %arg5[%dma_start3A_398, %dma_start3A_405] : memref<200x128xi32, #tpu.memory_space<vmem>> -> memref<1x128xi32, #tpu.memory_space<vmem>>
    %dma_start3A_407 = tpu.memref_squeeze %dma_start3A_406 : memref<1x128xi32, #tpu.memory_space<vmem>> -> memref<128xi32, #tpu.memory_space<vmem>>
    %dma_start3A_408 = arith.constant 0 : i32
    %dma_start3A_409 = arith.constant 0 : i32
    %dma_start3A_410 = tpu.memref_slice %arg3[%dma_start3A_408, %dma_start3A_409] : memref<2000000x64xf32, #tpu.memory_space<hbm>> -> memref<2000000x64xf32, #tpu.memory_space<hbm>>
    tpu.enqueue_indirect_dma source(%dma_start3A_410 : memref<2000000x64xf32, #tpu.memory_space<hbm>>) target(%dma_start3A_404 : memref<128x64xf32, #tpu.memory_space<vmem>>) offsets(%dma_start3A_407 : memref<128xi32, #tpu.memory_space<vmem>>) semaphore(%arg7 : memref<!tpu.dma_semaphore, #tpu.memory_space<semaphore_mem>>)
    %dma_start3A_411 = arith.constant 10 : i32
    %dma_start3A_412 = arith.constant 0 : i32
    %dma_start3A_413 = arith.constant 2 : i32
    %dma_start3A_414 = arith.constant 0 : i32
    %dma_start3A_415 = arith.constant 0 : i32
    %dma_start3A_416 = tpu.memref_slice %arg6[%dma_start3A_412, %dma_start3A_413, %dma_start3A_414, %dma_start3A_415] : memref<2x4x128x64xf32, #tpu.memory_space<vmem>> -> memref<1x1x128x64xf32, #tpu.memory_space<vmem>>
    %dma_start3A_417 = tpu.memref_squeeze %dma_start3A_416 : memref<1x1x128x64xf32, #tpu.memory_space<vmem>> -> memref<128x64xf32, #tpu.memory_space<vmem>>
    %dma_start3A_418 = arith.constant 0 : i32
    %dma_start3A_419 = tpu.memref_slice %arg5[%dma_start3A_411, %dma_start3A_418] : memref<200x128xi32, #tpu.memory_space<vmem>> -> memref<1x128xi32, #tpu.memory_space<vmem>>
    %dma_start3A_420 = tpu.memref_squeeze %dma_start3A_419 : memref<1x128xi32, #tpu.memory_space<vmem>> -> memref<128xi32, #tpu.memory_space<vmem>>
    %dma_start3A_421 = arith.constant 0 : i32
    %dma_start3A_422 = arith.constant 0 : i32
    %dma_start3A_423 = tpu.memref_slice %arg3[%dma_start3A_421, %dma_start3A_422] : memref<2000000x64xf32, #tpu.memory_space<hbm>> -> memref<2000000x64xf32, #tpu.memory_space<hbm>>
    tpu.enqueue_indirect_dma source(%dma_start3A_423 : memref<2000000x64xf32, #tpu.memory_space<hbm>>) target(%dma_start3A_417 : memref<128x64xf32, #tpu.memory_space<vmem>>) offsets(%dma_start3A_420 : memref<128xi32, #tpu.memory_space<vmem>>) semaphore(%arg7 : memref<!tpu.dma_semaphore, #tpu.memory_space<semaphore_mem>>)
    %dma_start3A_424 = arith.constant 11 : i32
    %dma_start3A_425 = arith.constant 0 : i32
    %dma_start3A_426 = arith.constant 3 : i32
    %dma_start3A_427 = arith.constant 0 : i32
    %dma_start3A_428 = arith.constant 0 : i32
    %dma_start3A_429 = tpu.memref_slice %arg6[%dma_start3A_425, %dma_start3A_426, %dma_start3A_427, %dma_start3A_428] : memref<2x4x128x64xf32, #tpu.memory_space<vmem>> -> memref<1x1x128x64xf32, #tpu.memory_space<vmem>>
    %dma_start3A_430 = tpu.memref_squeeze %dma_start3A_429 : memref<1x1x128x64xf32, #tpu.memory_space<vmem>> -> memref<128x64xf32, #tpu.memory_space<vmem>>
    %dma_start3A_431 = arith.constant 0 : i32
    %dma_start3A_432 = tpu.memref_slice %arg5[%dma_start3A_424, %dma_start3A_431] : memref<200x128xi32, #tpu.memory_space<vmem>> -> memref<1x128xi32, #tpu.memory_space<vmem>>
    %dma_start3A_433 = tpu.memref_squeeze %dma_start3A_432 : memref<1x128xi32, #tpu.memory_space<vmem>> -> memref<128xi32, #tpu.memory_space<vmem>>
    %dma_start3A_434 = arith.constant 0 : i32
    %dma_start3A_435 = arith.constant 0 : i32
    %dma_start3A_436 = tpu.memref_slice %arg3[%dma_start3A_434, %dma_start3A_435] : memref<2000000x64xf32, #tpu.memory_space<hbm>> -> memref<2000000x64xf32, #tpu.memory_space<hbm>>
    tpu.enqueue_indirect_dma source(%dma_start3A_436 : memref<2000000x64xf32, #tpu.memory_space<hbm>>) target(%dma_start3A_430 : memref<128x64xf32, #tpu.memory_space<vmem>>) offsets(%dma_start3A_433 : memref<128xi32, #tpu.memory_space<vmem>>) semaphore(%arg7 : memref<!tpu.dma_semaphore, #tpu.memory_space<semaphore_mem>>)
    %add3A_437 = arith.constant 4 : i32
    %add3A_438 = arith.addi %mul3A_2, %add3A_437 : i32
    %dma_start3A_439 = arith.constant 1 : i32
    %dma_start3A_440 = arith.constant 0 : i32
    %dma_start3A_441 = arith.constant 0 : i32
    %dma_start3A_442 = arith.constant 0 : i32
    %dma_start3A_443 = tpu.memref_slice %arg6[%dma_start3A_439, %dma_start3A_440, %dma_start3A_441, %dma_start3A_442] : memref<2x4x128x64xf32, #tpu.memory_space<vmem>> -> memref<1x1x128x64xf32, #tpu.memory_space<vmem>>
    %dma_start3A_444 = tpu.memref_squeeze %dma_start3A_443 : memref<1x1x128x64xf32, #tpu.memory_space<vmem>> -> memref<128x64xf32, #tpu.memory_space<vmem>>
    %dma_start3A_445 = arith.constant 0 : i32
    %dma_start3A_446 = arith.constant 0 : i32
    %dma_start3A_447 = tpu.memref_slice %arg4[%add3A_438, %dma_start3A_445, %dma_start3A_446] : memref<6400x128x128xf32, #tpu.memory_space<hbm>> -> memref<1x128x64xf32, #tpu.memory_space<hbm>>
    %dma_start3A_448 = tpu.memref_squeeze %dma_start3A_447 : memref<1x128x64xf32, #tpu.memory_space<hbm>> -> memref<128x64xf32, #tpu.memory_space<hbm>>
    %dma_start3A_449 = arith.constant 0 : i32
    %dma_start3A_450 = arith.constant 0 : i32
    %dma_start3A_451 = tpu.memref_slice %arg4[%add3A_438, %dma_start3A_449, %dma_start3A_450] : memref<6400x128x128xf32, #tpu.memory_space<hbm>> -> memref<1x128x64xf32, #tpu.memory_space<hbm>>
    %dma_start3A_452 = tpu.memref_squeeze %dma_start3A_451 : memref<1x128x64xf32, #tpu.memory_space<hbm>> -> memref<128x64xf32, #tpu.memory_space<hbm>>
    %dma_start3A_453 = arith.constant 0 : i32
    %dma_start3A_454 = arith.constant 0 : i32
    %dma_start3A_455 = tpu.memref_slice %arg6[%dma_start3A_439, %dma_start3A_440, %dma_start3A_453, %dma_start3A_454] : memref<2x4x128x64xf32, #tpu.memory_space<vmem>> -> memref<1x1x128x64xf32, #tpu.memory_space<vmem>>
    %dma_start3A_456 = tpu.memref_squeeze %dma_start3A_455 : memref<1x1x128x64xf32, #tpu.memory_space<vmem>> -> memref<128x64xf32, #tpu.memory_space<vmem>>
    tpu.enqueue_dma source(%dma_start3A_456 : memref<128x64xf32, #tpu.memory_space<vmem>>) target(%dma_start3A_452 : memref<128x64xf32, #tpu.memory_space<hbm>>) target_semaphore(%arg10 : memref<!tpu.dma_semaphore, #tpu.memory_space<semaphore_mem>>)
    %add3A_457 = arith.constant 5 : i32
    %add3A_458 = arith.addi %mul3A_2, %add3A_457 : i32
    %dma_start3A_459 = arith.constant 1 : i32
    %dma_start3A_460 = arith.constant 1 : i32
    %dma_start3A_461 = arith.constant 0 : i32
    %dma_start3A_462 = arith.constant 0 : i32
    %dma_start3A_463 = tpu.memref_slice %arg6[%dma_start3A_459, %dma_start3A_460, %dma_start3A_461, %dma_start3A_462] : memref<2x4x128x64xf32, #tpu.memory_space<vmem>> -> memref<1x1x128x64xf32, #tpu.memory_space<vmem>>
    %dma_start3A_464 = tpu.memref_squeeze %dma_start3A_463 : memref<1x1x128x64xf32, #tpu.memory_space<vmem>> -> memref<128x64xf32, #tpu.memory_space<vmem>>
    %dma_start3A_465 = arith.constant 0 : i32
    %dma_start3A_466 = arith.constant 0 : i32
    %dma_start3A_467 = tpu.memref_slice %arg4[%add3A_458, %dma_start3A_465, %dma_start3A_466] : memref<6400x128x128xf32, #tpu.memory_space<hbm>> -> memref<1x128x64xf32, #tpu.memory_space<hbm>>
    %dma_start3A_468 = tpu.memref_squeeze %dma_start3A_467 : memref<1x128x64xf32, #tpu.memory_space<hbm>> -> memref<128x64xf32, #tpu.memory_space<hbm>>
    %dma_start3A_469 = arith.constant 0 : i32
    %dma_start3A_470 = arith.constant 0 : i32
    %dma_start3A_471 = tpu.memref_slice %arg4[%add3A_458, %dma_start3A_469, %dma_start3A_470] : memref<6400x128x128xf32, #tpu.memory_space<hbm>> -> memref<1x128x64xf32, #tpu.memory_space<hbm>>
    %dma_start3A_472 = tpu.memref_squeeze %dma_start3A_471 : memref<1x128x64xf32, #tpu.memory_space<hbm>> -> memref<128x64xf32, #tpu.memory_space<hbm>>
    %dma_start3A_473 = arith.constant 0 : i32
    %dma_start3A_474 = arith.constant 0 : i32
    %dma_start3A_475 = tpu.memref_slice %arg6[%dma_start3A_459, %dma_start3A_460, %dma_start3A_473, %dma_start3A_474] : memref<2x4x128x64xf32, #tpu.memory_space<vmem>> -> memref<1x1x128x64xf32, #tpu.memory_space<vmem>>
    %dma_start3A_476 = tpu.memref_squeeze %dma_start3A_475 : memref<1x1x128x64xf32, #tpu.memory_space<vmem>> -> memref<128x64xf32, #tpu.memory_space<vmem>>
    tpu.enqueue_dma source(%dma_start3A_476 : memref<128x64xf32, #tpu.memory_space<vmem>>) target(%dma_start3A_472 : memref<128x64xf32, #tpu.memory_space<hbm>>) target_semaphore(%arg10 : memref<!tpu.dma_semaphore, #tpu.memory_space<semaphore_mem>>)
    %add3A_477 = arith.constant 6 : i32
    %add3A_478 = arith.addi %mul3A_2, %add3A_477 : i32
    %dma_start3A_479 = arith.constant 1 : i32
    %dma_start3A_480 = arith.constant 2 : i32
    %dma_start3A_481 = arith.constant 0 : i32
    %dma_start3A_482 = arith.constant 0 : i32
    %dma_start3A_483 = tpu.memref_slice %arg6[%dma_start3A_479, %dma_start3A_480, %dma_start3A_481, %dma_start3A_482] : memref<2x4x128x64xf32, #tpu.memory_space<vmem>> -> memref<1x1x128x64xf32, #tpu.memory_space<vmem>>
    %dma_start3A_484 = tpu.memref_squeeze %dma_start3A_483 : memref<1x1x128x64xf32, #tpu.memory_space<vmem>> -> memref<128x64xf32, #tpu.memory_space<vmem>>
    %dma_start3A_485 = arith.constant 0 : i32
    %dma_start3A_486 = arith.constant 0 : i32
    %dma_start3A_487 = tpu.memref_slice %arg4[%add3A_478, %dma_start3A_485, %dma_start3A_486] : memref<6400x128x128xf32, #tpu.memory_space<hbm>> -> memref<1x128x64xf32, #tpu.memory_space<hbm>>
    %dma_start3A_488 = tpu.memref_squeeze %dma_start3A_487 : memref<1x128x64xf32, #tpu.memory_space<hbm>> -> memref<128x64xf32, #tpu.memory_space<hbm>>
    %dma_start3A_489 = arith.constant 0 : i32
    %dma_start3A_490 = arith.constant 0 : i32
    %dma_start3A_491 = tpu.memref_slice %arg4[%add3A_478, %dma_start3A_489, %dma_start3A_490] : memref<6400x128x128xf32, #tpu.memory_space<hbm>> -> memref<1x128x64xf32, #tpu.memory_space<hbm>>
    %dma_start3A_492 = tpu.memref_squeeze %dma_start3A_491 : memref<1x128x64xf32, #tpu.memory_space<hbm>> -> memref<128x64xf32, #tpu.memory_space<hbm>>
    %dma_start3A_493 = arith.constant 0 : i32
    %dma_start3A_494 = arith.constant 0 : i32
    %dma_start3A_495 = tpu.memref_slice %arg6[%dma_start3A_479, %dma_start3A_480, %dma_start3A_493, %dma_start3A_494] : memref<2x4x128x64xf32, #tpu.memory_space<vmem>> -> memref<1x1x128x64xf32, #tpu.memory_space<vmem>>
    %dma_start3A_496 = tpu.memref_squeeze %dma_start3A_495 : memref<1x1x128x64xf32, #tpu.memory_space<vmem>> -> memref<128x64xf32, #tpu.memory_space<vmem>>
    tpu.enqueue_dma source(%dma_start3A_496 : memref<128x64xf32, #tpu.memory_space<vmem>>) target(%dma_start3A_492 : memref<128x64xf32, #tpu.memory_space<hbm>>) target_semaphore(%arg10 : memref<!tpu.dma_semaphore, #tpu.memory_space<semaphore_mem>>)
    %add3A_497 = arith.constant 7 : i32
    %add3A_498 = arith.addi %mul3A_2, %add3A_497 : i32
    %dma_start3A_499 = arith.constant 1 : i32
    %dma_start3A_500 = arith.constant 3 : i32
    %dma_start3A_501 = arith.constant 0 : i32
    %dma_start3A_502 = arith.constant 0 : i32
    %dma_start3A_503 = tpu.memref_slice %arg6[%dma_start3A_499, %dma_start3A_500, %dma_start3A_501, %dma_start3A_502] : memref<2x4x128x64xf32, #tpu.memory_space<vmem>> -> memref<1x1x128x64xf32, #tpu.memory_space<vmem>>
    %dma_start3A_504 = tpu.memref_squeeze %dma_start3A_503 : memref<1x1x128x64xf32, #tpu.memory_space<vmem>> -> memref<128x64xf32, #tpu.memory_space<vmem>>
    %dma_start3A_505 = arith.constant 0 : i32
    %dma_start3A_506 = arith.constant 0 : i32
    %dma_start3A_507 = tpu.memref_slice %arg4[%add3A_498, %dma_start3A_505, %dma_start3A_506] : memref<6400x128x128xf32, #tpu.memory_space<hbm>> -> memref<1x128x64xf32, #tpu.memory_space<hbm>>
    %dma_start3A_508 = tpu.memref_squeeze %dma_start3A_507 : memref<1x128x64xf32, #tpu.memory_space<hbm>> -> memref<128x64xf32, #tpu.memory_space<hbm>>
    %dma_start3A_509 = arith.constant 0 : i32
    %dma_start3A_510 = arith.constant 0 : i32
    %dma_start3A_511 = tpu.memref_slice %arg4[%add3A_498, %dma_start3A_509, %dma_start3A_510] : memref<6400x128x128xf32, #tpu.memory_space<hbm>> -> memref<1x128x64xf32, #tpu.memory_space<hbm>>
    %dma_start3A_512 = tpu.memref_squeeze %dma_start3A_511 : memref<1x128x64xf32, #tpu.memory_space<hbm>> -> memref<128x64xf32, #tpu.memory_space<hbm>>
    %dma_start3A_513 = arith.constant 0 : i32
    %dma_start3A_514 = arith.constant 0 : i32
    %dma_start3A_515 = tpu.memref_slice %arg6[%dma_start3A_499, %dma_start3A_500, %dma_start3A_513, %dma_start3A_514] : memref<2x4x128x64xf32, #tpu.memory_space<vmem>> -> memref<1x1x128x64xf32, #tpu.memory_space<vmem>>
    %dma_start3A_516 = tpu.memref_squeeze %dma_start3A_515 : memref<1x1x128x64xf32, #tpu.memory_space<vmem>> -> memref<128x64xf32, #tpu.memory_space<vmem>>
    tpu.enqueue_dma source(%dma_start3A_516 : memref<128x64xf32, #tpu.memory_space<vmem>>) target(%dma_start3A_512 : memref<128x64xf32, #tpu.memory_space<hbm>>) target_semaphore(%arg10 : memref<!tpu.dma_semaphore, #tpu.memory_space<semaphore_mem>>)
    %scan3A = arith.constant 0 : i32
    %scan3A_517 = arith.constant 1 : i32
    %scan3A_518 = arith.constant 23 : i32
    %scan3A_519 = arith.addi %scan3A_517, %scan3A_518 : i32
    %scan3A_520 = arith.constant 1 : i32
    scf.for %scan3A_1078 = %scan3A_517 to %scan3A_519 step %scan3A_520  : i32 {
      %mul3A_1079 = arith.constant 2 : i32
      %mul3A_1080 = arith.muli %mul3A_1079, %scan3A_1078 : i32
      %dma_wait3A_1081 = arith.constant 0 : i32
      %dma_wait3A_1082 = arith.constant 0 : i32
      %dma_wait3A_1083 = arith.constant 0 : i32
      %dma_wait3A_1084 = arith.constant 0 : i32
      %dma_wait3A_1085 = tpu.memref_slice %arg6[%dma_wait3A_1081, %dma_wait3A_1082, %dma_wait3A_1083, %dma_wait3A_1084] : memref<2x4x128x64xf32, #tpu.memory_space<vmem>> -> memref<1x1x128x64xf32, #tpu.memory_space<vmem>>
      %dma_wait3A_1086 = tpu.memref_squeeze %dma_wait3A_1085 : memref<1x1x128x64xf32, #tpu.memory_space<vmem>> -> memref<128x64xf32, #tpu.memory_space<vmem>>
      %dma_wait3A_1087 = arith.constant 0 : i32
      %dma_wait3A_1088 = arith.constant 0 : i32
      %dma_wait3A_1089 = tpu.memref_slice %arg3[%dma_wait3A_1087, %dma_wait3A_1088] : memref<2000000x64xf32, #tpu.memory_space<hbm>> -> memref<128x64xf32, #tpu.memory_space<hbm>>
      %dma_wait3A_1090 = arith.constant 0 : i32
      %dma_wait3A_1091 = arith.constant 0 : i32
      %dma_wait3A_1092 = tpu.memref_slice %arg6[%dma_wait3A_1081, %dma_wait3A_1082, %dma_wait3A_1090, %dma_wait3A_1091] : memref<2x4x128x64xf32, #tpu.memory_space<vmem>> -> memref<1x1x128x64xf32, #tpu.memory_space<vmem>>
      %dma_wait3A_1093 = tpu.memref_squeeze %dma_wait3A_1092 : memref<1x1x128x64xf32, #tpu.memory_space<vmem>> -> memref<128x64xf32, #tpu.memory_space<vmem>>
      %dma_wait3A_1094 = arith.constant 0 : i32
      %dma_wait3A_1095 = arith.constant 0 : i32
      %dma_wait3A_1096 = tpu.memref_slice %arg3[%dma_wait3A_1094, %dma_wait3A_1095] : memref<2000000x64xf32, #tpu.memory_space<hbm>> -> memref<128x64xf32, #tpu.memory_space<hbm>>
      tpu.wait_dma2 semaphore(%arg7 : memref<!tpu.dma_semaphore, #tpu.memory_space<semaphore_mem>>) src(%dma_wait3A_1096 : memref<128x64xf32, #tpu.memory_space<hbm>>) dst(%dma_wait3A_1093 : memref<128x64xf32, #tpu.memory_space<vmem>>)
      %dma_wait3A_1097 = arith.constant 0 : i32
      %dma_wait3A_1098 = arith.constant 1 : i32
      %dma_wait3A_1099 = arith.constant 0 : i32
      %dma_wait3A_1100 = arith.constant 0 : i32
      %dma_wait3A_1101 = tpu.memref_slice %arg6[%dma_wait3A_1097, %dma_wait3A_1098, %dma_wait3A_1099, %dma_wait3A_1100] : memref<2x4x128x64xf32, #tpu.memory_space<vmem>> -> memref<1x1x128x64xf32, #tpu.memory_space<vmem>>
      %dma_wait3A_1102 = tpu.memref_squeeze %dma_wait3A_1101 : memref<1x1x128x64xf32, #tpu.memory_space<vmem>> -> memref<128x64xf32, #tpu.memory_space<vmem>>
      %dma_wait3A_1103 = arith.constant 0 : i32
      %dma_wait3A_1104 = arith.constant 0 : i32
      %dma_wait3A_1105 = tpu.memref_slice %arg3[%dma_wait3A_1103, %dma_wait3A_1104] : memref<2000000x64xf32, #tpu.memory_space<hbm>> -> memref<128x64xf32, #tpu.memory_space<hbm>>
      %dma_wait3A_1106 = arith.constant 0 : i32
      %dma_wait3A_1107 = arith.constant 0 : i32
      %dma_wait3A_1108 = tpu.memref_slice %arg6[%dma_wait3A_1097, %dma_wait3A_1098, %dma_wait3A_1106, %dma_wait3A_1107] : memref<2x4x128x64xf32, #tpu.memory_space<vmem>> -> memref<1x1x128x64xf32, #tpu.memory_space<vmem>>
      %dma_wait3A_1109 = tpu.memref_squeeze %dma_wait3A_1108 : memref<1x1x128x64xf32, #tpu.memory_space<vmem>> -> memref<128x64xf32, #tpu.memory_space<vmem>>
      %dma_wait3A_1110 = arith.constant 0 : i32
      %dma_wait3A_1111 = arith.constant 0 : i32
      %dma_wait3A_1112 = tpu.memref_slice %arg3[%dma_wait3A_1110, %dma_wait3A_1111] : memref<2000000x64xf32, #tpu.memory_space<hbm>> -> memref<128x64xf32, #tpu.memory_space<hbm>>
      tpu.wait_dma2 semaphore(%arg7 : memref<!tpu.dma_semaphore, #tpu.memory_space<semaphore_mem>>) src(%dma_wait3A_1112 : memref<128x64xf32, #tpu.memory_space<hbm>>) dst(%dma_wait3A_1109 : memref<128x64xf32, #tpu.memory_space<vmem>>)
      %dma_wait3A_1113 = arith.constant 0 : i32
      %dma_wait3A_1114 = arith.constant 2 : i32
      %dma_wait3A_1115 = arith.constant 0 : i32
      %dma_wait3A_1116 = arith.constant 0 : i32
      %dma_wait3A_1117 = tpu.memref_slice %arg6[%dma_wait3A_1113, %dma_wait3A_1114, %dma_wait3A_1115, %dma_wait3A_1116] : memref<2x4x128x64xf32, #tpu.memory_space<vmem>> -> memref<1x1x128x64xf32, #tpu.memory_space<vmem>>
      %dma_wait3A_1118 = tpu.memref_squeeze %dma_wait3A_1117 : memref<1x1x128x64xf32, #tpu.memory_space<vmem>> -> memref<128x64xf32, #tpu.memory_space<vmem>>
      %dma_wait3A_1119 = arith.constant 0 : i32
      %dma_wait3A_1120 = arith.constant 0 : i32
      %dma_wait3A_1121 = tpu.memref_slice %arg3[%dma_wait3A_1119, %dma_wait3A_1120] : memref<2000000x64xf32, #tpu.memory_space<hbm>> -> memref<128x64xf32, #tpu.memory_space<hbm>>
      %dma_wait3A_1122 = arith.constant 0 : i32
      %dma_wait3A_1123 = arith.constant 0 : i32
      %dma_wait3A_1124 = tpu.memref_slice %arg6[%dma_wait3A_1113, %dma_wait3A_1114, %dma_wait3A_1122, %dma_wait3A_1123] : memref<2x4x128x64xf32, #tpu.memory_space<vmem>> -> memref<1x1x128x64xf32, #tpu.memory_space<vmem>>
      %dma_wait3A_1125 = tpu.memref_squeeze %dma_wait3A_1124 : memref<1x1x128x64xf32, #tpu.memory_space<vmem>> -> memref<128x64xf32, #tpu.memory_space<vmem>>
      %dma_wait3A_1126 = arith.constant 0 : i32
      %dma_wait3A_1127 = arith.constant 0 : i32
      %dma_wait3A_1128 = tpu.memref_slice %arg3[%dma_wait3A_1126, %dma_wait3A_1127] : memref<2000000x64xf32, #tpu.memory_space<hbm>> -> memref<128x64xf32, #tpu.memory_space<hbm>>
      tpu.wait_dma2 semaphore(%arg7 : memref<!tpu.dma_semaphore, #tpu.memory_space<semaphore_mem>>) src(%dma_wait3A_1128 : memref<128x64xf32, #tpu.memory_space<hbm>>) dst(%dma_wait3A_1125 : memref<128x64xf32, #tpu.memory_space<vmem>>)
      %dma_wait3A_1129 = arith.constant 0 : i32
      %dma_wait3A_1130 = arith.constant 3 : i32
      %dma_wait3A_1131 = arith.constant 0 : i32
      %dma_wait3A_1132 = arith.constant 0 : i32
      %dma_wait3A_1133 = tpu.memref_slice %arg6[%dma_wait3A_1129, %dma_wait3A_1130, %dma_wait3A_1131, %dma_wait3A_1132] : memref<2x4x128x64xf32, #tpu.memory_space<vmem>> -> memref<1x1x128x64xf32, #tpu.memory_space<vmem>>
      %dma_wait3A_1134 = tpu.memref_squeeze %dma_wait3A_1133 : memref<1x1x128x64xf32, #tpu.memory_space<vmem>> -> memref<128x64xf32, #tpu.memory_space<vmem>>
      %dma_wait3A_1135 = arith.constant 0 : i32
      %dma_wait3A_1136 = arith.constant 0 : i32
      %dma_wait3A_1137 = tpu.memref_slice %arg3[%dma_wait3A_1135, %dma_wait3A_1136] : memref<2000000x64xf32, #tpu.memory_space<hbm>> -> memref<128x64xf32, #tpu.memory_space<hbm>>
      %dma_wait3A_1138 = arith.constant 0 : i32
      %dma_wait3A_1139 = arith.constant 0 : i32
      %dma_wait3A_1140 = tpu.memref_slice %arg6[%dma_wait3A_1129, %dma_wait3A_1130, %dma_wait3A_1138, %dma_wait3A_1139] : memref<2x4x128x64xf32, #tpu.memory_space<vmem>> -> memref<1x1x128x64xf32, #tpu.memory_space<vmem>>
      %dma_wait3A_1141 = tpu.memref_squeeze %dma_wait3A_1140 : memref<1x1x128x64xf32, #tpu.memory_space<vmem>> -> memref<128x64xf32, #tpu.memory_space<vmem>>
      %dma_wait3A_1142 = arith.constant 0 : i32
      %dma_wait3A_1143 = arith.constant 0 : i32
      %dma_wait3A_1144 = tpu.memref_slice %arg3[%dma_wait3A_1142, %dma_wait3A_1143] : memref<2000000x64xf32, #tpu.memory_space<hbm>> -> memref<128x64xf32, #tpu.memory_space<hbm>>
      tpu.wait_dma2 semaphore(%arg7 : memref<!tpu.dma_semaphore, #tpu.memory_space<semaphore_mem>>) src(%dma_wait3A_1144 : memref<128x64xf32, #tpu.memory_space<hbm>>) dst(%dma_wait3A_1141 : memref<128x64xf32, #tpu.memory_space<vmem>>)
      %dma_wait3A_1145 = arith.constant 1 : i32
      %dma_wait3A_1146 = arith.constant 0 : i32
      %dma_wait3A_1147 = arith.constant 0 : i32
      %dma_wait3A_1148 = arith.constant 0 : i32
      %dma_wait3A_1149 = tpu.memref_slice %arg6[%dma_wait3A_1145, %dma_wait3A_1146, %dma_wait3A_1147, %dma_wait3A_1148] : memref<2x4x128x64xf32, #tpu.memory_space<vmem>> -> memref<1x1x128x64xf32, #tpu.memory_space<vmem>>
      %dma_wait3A_1150 = tpu.memref_squeeze %dma_wait3A_1149 : memref<1x1x128x64xf32, #tpu.memory_space<vmem>> -> memref<128x64xf32, #tpu.memory_space<vmem>>
      %dma_wait3A_1151 = arith.constant 0 : i32
      %dma_wait3A_1152 = arith.constant 0 : i32
      %dma_wait3A_1153 = tpu.memref_slice %arg4[%mul3A_2, %dma_wait3A_1151, %dma_wait3A_1152] : memref<6400x128x128xf32, #tpu.memory_space<hbm>> -> memref<1x128x64xf32, #tpu.memory_space<hbm>>
      %dma_wait3A_1154 = tpu.memref_squeeze %dma_wait3A_1153 : memref<1x128x64xf32, #tpu.memory_space<hbm>> -> memref<128x64xf32, #tpu.memory_space<hbm>>
      %dma_wait3A_1155 = arith.constant 0 : i32
      %dma_wait3A_1156 = arith.constant 0 : i32
      %dma_wait3A_1157 = tpu.memref_slice %arg4[%mul3A_2, %dma_wait3A_1155, %dma_wait3A_1156] : memref<6400x128x128xf32, #tpu.memory_space<hbm>> -> memref<1x128x64xf32, #tpu.memory_space<hbm>>
      %dma_wait3A_1158 = tpu.memref_squeeze %dma_wait3A_1157 : memref<1x128x64xf32, #tpu.memory_space<hbm>> -> memref<128x64xf32, #tpu.memory_space<hbm>>
      %dma_wait3A_1159 = arith.constant 0 : i32
      %dma_wait3A_1160 = arith.constant 0 : i32
      %dma_wait3A_1161 = tpu.memref_slice %arg6[%dma_wait3A_1145, %dma_wait3A_1146, %dma_wait3A_1159, %dma_wait3A_1160] : memref<2x4x128x64xf32, #tpu.memory_space<vmem>> -> memref<1x1x128x64xf32, #tpu.memory_space<vmem>>
      %dma_wait3A_1162 = tpu.memref_squeeze %dma_wait3A_1161 : memref<1x1x128x64xf32, #tpu.memory_space<vmem>> -> memref<128x64xf32, #tpu.memory_space<vmem>>
      tpu.wait_dma2 semaphore(%arg10 : memref<!tpu.dma_semaphore, #tpu.memory_space<semaphore_mem>>) src(%dma_wait3A_1162 : memref<128x64xf32, #tpu.memory_space<vmem>>) dst(%dma_wait3A_1158 : memref<128x64xf32, #tpu.memory_space<hbm>>)
      %dma_wait3A_1163 = arith.constant 1 : i32
      %dma_wait3A_1164 = arith.constant 1 : i32
      %dma_wait3A_1165 = arith.constant 0 : i32
      %dma_wait3A_1166 = arith.constant 0 : i32
      %dma_wait3A_1167 = tpu.memref_slice %arg6[%dma_wait3A_1163, %dma_wait3A_1164, %dma_wait3A_1165, %dma_wait3A_1166] : memref<2x4x128x64xf32, #tpu.memory_space<vmem>> -> memref<1x1x128x64xf32, #tpu.memory_space<vmem>>
      %dma_wait3A_1168 = tpu.memref_squeeze %dma_wait3A_1167 : memref<1x1x128x64xf32, #tpu.memory_space<vmem>> -> memref<128x64xf32, #tpu.memory_space<vmem>>
      %dma_wait3A_1169 = arith.constant 0 : i32
      %dma_wait3A_1170 = arith.constant 0 : i32
      %dma_wait3A_1171 = tpu.memref_slice %arg4[%mul3A_2, %dma_wait3A_1169, %dma_wait3A_1170] : memref<6400x128x128xf32, #tpu.memory_space<hbm>> -> memref<1x128x64xf32, #tpu.memory_space<hbm>>
      %dma_wait3A_1172 = tpu.memref_squeeze %dma_wait3A_1171 : memref<1x128x64xf32, #tpu.memory_space<hbm>> -> memref<128x64xf32, #tpu.memory_space<hbm>>
      %dma_wait3A_1173 = arith.constant 0 : i32
      %dma_wait3A_1174 = arith.constant 0 : i32
      %dma_wait3A_1175 = tpu.memref_slice %arg4[%mul3A_2, %dma_wait3A_1173, %dma_wait3A_1174] : memref<6400x128x128xf32, #tpu.memory_space<hbm>> -> memref<1x128x64xf32, #tpu.memory_space<hbm>>
      %dma_wait3A_1176 = tpu.memref_squeeze %dma_wait3A_1175 : memref<1x128x64xf32, #tpu.memory_space<hbm>> -> memref<128x64xf32, #tpu.memory_space<hbm>>
      %dma_wait3A_1177 = arith.constant 0 : i32
      %dma_wait3A_1178 = arith.constant 0 : i32
      %dma_wait3A_1179 = tpu.memref_slice %arg6[%dma_wait3A_1163, %dma_wait3A_1164, %dma_wait3A_1177, %dma_wait3A_1178] : memref<2x4x128x64xf32, #tpu.memory_space<vmem>> -> memref<1x1x128x64xf32, #tpu.memory_space<vmem>>
      %dma_wait3A_1180 = tpu.memref_squeeze %dma_wait3A_1179 : memref<1x1x128x64xf32, #tpu.memory_space<vmem>> -> memref<128x64xf32, #tpu.memory_space<vmem>>
      tpu.wait_dma2 semaphore(%arg10 : memref<!tpu.dma_semaphore, #tpu.memory_space<semaphore_mem>>) src(%dma_wait3A_1180 : memref<128x64xf32, #tpu.memory_space<vmem>>) dst(%dma_wait3A_1176 : memref<128x64xf32, #tpu.memory_space<hbm>>)
      %dma_wait3A_1181 = arith.constant 1 : i32
      %dma_wait3A_1182 = arith.constant 2 : i32
      %dma_wait3A_1183 = arith.constant 0 : i32
      %dma_wait3A_1184 = arith.constant 0 : i32
      %dma_wait3A_1185 = tpu.memref_slice %arg6[%dma_wait3A_1181, %dma_wait3A_1182, %dma_wait3A_1183, %dma_wait3A_1184] : memref<2x4x128x64xf32, #tpu.memory_space<vmem>> -> memref<1x1x128x64xf32, #tpu.memory_space<vmem>>
      %dma_wait3A_1186 = tpu.memref_squeeze %dma_wait3A_1185 : memref<1x1x128x64xf32, #tpu.memory_space<vmem>> -> memref<128x64xf32, #tpu.memory_space<vmem>>
      %dma_wait3A_1187 = arith.constant 0 : i32
      %dma_wait3A_1188 = arith.constant 0 : i32
      %dma_wait3A_1189 = tpu.memref_slice %arg4[%mul3A_2, %dma_wait3A_1187, %dma_wait3A_1188] : memref<6400x128x128xf32, #tpu.memory_space<hbm>> -> memref<1x128x64xf32, #tpu.memory_space<hbm>>
      %dma_wait3A_1190 = tpu.memref_squeeze %dma_wait3A_1189 : memref<1x128x64xf32, #tpu.memory_space<hbm>> -> memref<128x64xf32, #tpu.memory_space<hbm>>
      %dma_wait3A_1191 = arith.constant 0 : i32
      %dma_wait3A_1192 = arith.constant 0 : i32
      %dma_wait3A_1193 = tpu.memref_slice %arg4[%mul3A_2, %dma_wait3A_1191, %dma_wait3A_1192] : memref<6400x128x128xf32, #tpu.memory_space<hbm>> -> memref<1x128x64xf32, #tpu.memory_space<hbm>>
      %dma_wait3A_1194 = tpu.memref_squeeze %dma_wait3A_1193 : memref<1x128x64xf32, #tpu.memory_space<hbm>> -> memref<128x64xf32, #tpu.memory_space<hbm>>
      %dma_wait3A_1195 = arith.constant 0 : i32
      %dma_wait3A_1196 = arith.constant 0 : i32
      %dma_wait3A_1197 = tpu.memref_slice %arg6[%dma_wait3A_1181, %dma_wait3A_1182, %dma_wait3A_1195, %dma_wait3A_1196] : memref<2x4x128x64xf32, #tpu.memory_space<vmem>> -> memref<1x1x128x64xf32, #tpu.memory_space<vmem>>
      %dma_wait3A_1198 = tpu.memref_squeeze %dma_wait3A_1197 : memref<1x1x128x64xf32, #tpu.memory_space<vmem>> -> memref<128x64xf32, #tpu.memory_space<vmem>>
      tpu.wait_dma2 semaphore(%arg10 : memref<!tpu.dma_semaphore, #tpu.memory_space<semaphore_mem>>) src(%dma_wait3A_1198 : memref<128x64xf32, #tpu.memory_space<vmem>>) dst(%dma_wait3A_1194 : memref<128x64xf32, #tpu.memory_space<hbm>>)
      %dma_wait3A_1199 = arith.constant 1 : i32
      %dma_wait3A_1200 = arith.constant 3 : i32
      %dma_wait3A_1201 = arith.constant 0 : i32
      %dma_wait3A_1202 = arith.constant 0 : i32
      %dma_wait3A_1203 = tpu.memref_slice %arg6[%dma_wait3A_1199, %dma_wait3A_1200, %dma_wait3A_1201, %dma_wait3A_1202] : memref<2x4x128x64xf32, #tpu.memory_space<vmem>> -> memref<1x1x128x64xf32, #tpu.memory_space<vmem>>
      %dma_wait3A_1204 = tpu.memref_squeeze %dma_wait3A_1203 : memref<1x1x128x64xf32, #tpu.memory_space<vmem>> -> memref<128x64xf32, #tpu.memory_space<vmem>>
      %dma_wait3A_1205 = arith.constant 0 : i32
      %dma_wait3A_1206 = arith.constant 0 : i32
      %dma_wait3A_1207 = tpu.memref_slice %arg4[%mul3A_2, %dma_wait3A_1205, %dma_wait3A_1206] : memref<6400x128x128xf32, #tpu.memory_space<hbm>> -> memref<1x128x64xf32, #tpu.memory_space<hbm>>
      %dma_wait3A_1208 = tpu.memref_squeeze %dma_wait3A_1207 : memref<1x128x64xf32, #tpu.memory_space<hbm>> -> memref<128x64xf32, #tpu.memory_space<hbm>>
      %dma_wait3A_1209 = arith.constant 0 : i32
      %dma_wait3A_1210 = arith.constant 0 : i32
      %dma_wait3A_1211 = tpu.memref_slice %arg4[%mul3A_2, %dma_wait3A_1209, %dma_wait3A_1210] : memref<6400x128x128xf32, #tpu.memory_space<hbm>> -> memref<1x128x64xf32, #tpu.memory_space<hbm>>
      %dma_wait3A_1212 = tpu.memref_squeeze %dma_wait3A_1211 : memref<1x128x64xf32, #tpu.memory_space<hbm>> -> memref<128x64xf32, #tpu.memory_space<hbm>>
      %dma_wait3A_1213 = arith.constant 0 : i32
      %dma_wait3A_1214 = arith.constant 0 : i32
      %dma_wait3A_1215 = tpu.memref_slice %arg6[%dma_wait3A_1199, %dma_wait3A_1200, %dma_wait3A_1213, %dma_wait3A_1214] : memref<2x4x128x64xf32, #tpu.memory_space<vmem>> -> memref<1x1x128x64xf32, #tpu.memory_space<vmem>>
      %dma_wait3A_1216 = tpu.memref_squeeze %dma_wait3A_1215 : memref<1x1x128x64xf32, #tpu.memory_space<vmem>> -> memref<128x64xf32, #tpu.memory_space<vmem>>
      tpu.wait_dma2 semaphore(%arg10 : memref<!tpu.dma_semaphore, #tpu.memory_space<semaphore_mem>>) src(%dma_wait3A_1216 : memref<128x64xf32, #tpu.memory_space<vmem>>) dst(%dma_wait3A_1212 : memref<128x64xf32, #tpu.memory_space<hbm>>)
      %add3A_1217 = arith.constant 1 : i32
      %add3A_1218 = arith.addi %mul3A_1080, %add3A_1217 : i32
      %mul3A_1219 = arith.constant 4 : i32
      %mul3A_1220 = arith.muli %add3A_1218, %mul3A_1219 : i32
      %add3A_1221 = arith.constant 0 : i32
      %add3A_1222 = arith.addi %mul3A_1220, %add3A_1221 : i32
      %dma_start3A_1223 = arith.constant 1 : i32
      %dma_start3A_1224 = arith.constant 0 : i32
      %dma_start3A_1225 = arith.constant 0 : i32
      %dma_start3A_1226 = arith.constant 0 : i32
      %dma_start3A_1227 = tpu.memref_slice %arg6[%dma_start3A_1223, %dma_start3A_1224, %dma_start3A_1225, %dma_start3A_1226] : memref<2x4x128x64xf32, #tpu.memory_space<vmem>> -> memref<1x1x128x64xf32, #tpu.memory_space<vmem>>
      %dma_start3A_1228 = tpu.memref_squeeze %dma_start3A_1227 : memref<1x1x128x64xf32, #tpu.memory_space<vmem>> -> memref<128x64xf32, #tpu.memory_space<vmem>>
      %dma_start3A_1229 = arith.constant 0 : i32
      %dma_start3A_1230 = tpu.memref_slice %arg5[%add3A_1222, %dma_start3A_1229] : memref<200x128xi32, #tpu.memory_space<vmem>> -> memref<1x128xi32, #tpu.memory_space<vmem>>
      %dma_start3A_1231 = tpu.memref_squeeze %dma_start3A_1230 : memref<1x128xi32, #tpu.memory_space<vmem>> -> memref<128xi32, #tpu.memory_space<vmem>>
      %dma_start3A_1232 = arith.constant 0 : i32
      %dma_start3A_1233 = arith.constant 0 : i32
      %dma_start3A_1234 = tpu.memref_slice %arg3[%dma_start3A_1232, %dma_start3A_1233] : memref<2000000x64xf32, #tpu.memory_space<hbm>> -> memref<2000000x64xf32, #tpu.memory_space<hbm>>
      tpu.enqueue_indirect_dma source(%dma_start3A_1234 : memref<2000000x64xf32, #tpu.memory_space<hbm>>) target(%dma_start3A_1228 : memref<128x64xf32, #tpu.memory_space<vmem>>) offsets(%dma_start3A_1231 : memref<128xi32, #tpu.memory_space<vmem>>) semaphore(%arg8 : memref<!tpu.dma_semaphore, #tpu.memory_space<semaphore_mem>>)
      %add3A_1235 = arith.constant 1 : i32
      %add3A_1236 = arith.addi %mul3A_1080, %add3A_1235 : i32
      %mul3A_1237 = arith.constant 4 : i32
      %mul3A_1238 = arith.muli %add3A_1236, %mul3A_1237 : i32
      %add3A_1239 = arith.constant 1 : i32
      %add3A_1240 = arith.addi %mul3A_1238, %add3A_1239 : i32
      %dma_start3A_1241 = arith.constant 1 : i32
      %dma_start3A_1242 = arith.constant 1 : i32
      %dma_start3A_1243 = arith.constant 0 : i32
      %dma_start3A_1244 = arith.constant 0 : i32
      %dma_start3A_1245 = tpu.memref_slice %arg6[%dma_start3A_1241, %dma_start3A_1242, %dma_start3A_1243, %dma_start3A_1244] : memref<2x4x128x64xf32, #tpu.memory_space<vmem>> -> memref<1x1x128x64xf32, #tpu.memory_space<vmem>>
      %dma_start3A_1246 = tpu.memref_squeeze %dma_start3A_1245 : memref<1x1x128x64xf32, #tpu.memory_space<vmem>> -> memref<128x64xf32, #tpu.memory_space<vmem>>
      %dma_start3A_1247 = arith.constant 0 : i32
      %dma_start3A_1248 = tpu.memref_slice %arg5[%add3A_1240, %dma_start3A_1247] : memref<200x128xi32, #tpu.memory_space<vmem>> -> memref<1x128xi32, #tpu.memory_space<vmem>>
      %dma_start3A_1249 = tpu.memref_squeeze %dma_start3A_1248 : memref<1x128xi32, #tpu.memory_space<vmem>> -> memref<128xi32, #tpu.memory_space<vmem>>
      %dma_start3A_1250 = arith.constant 0 : i32
      %dma_start3A_1251 = arith.constant 0 : i32
      %dma_start3A_1252 = tpu.memref_slice %arg3[%dma_start3A_1250, %dma_start3A_1251] : memref<2000000x64xf32, #tpu.memory_space<hbm>> -> memref<2000000x64xf32, #tpu.memory_space<hbm>>
      tpu.enqueue_indirect_dma source(%dma_start3A_1252 : memref<2000000x64xf32, #tpu.memory_space<hbm>>) target(%dma_start3A_1246 : memref<128x64xf32, #tpu.memory_space<vmem>>) offsets(%dma_start3A_1249 : memref<128xi32, #tpu.memory_space<vmem>>) semaphore(%arg8 : memref<!tpu.dma_semaphore, #tpu.memory_space<semaphore_mem>>)
      %add3A_1253 = arith.constant 1 : i32
      %add3A_1254 = arith.addi %mul3A_1080, %add3A_1253 : i32
      %mul3A_1255 = arith.constant 4 : i32
      %mul3A_1256 = arith.muli %add3A_1254, %mul3A_1255 : i32
      %add3A_1257 = arith.constant 2 : i32
      %add3A_1258 = arith.addi %mul3A_1256, %add3A_1257 : i32
      %dma_start3A_1259 = arith.constant 1 : i32
      %dma_start3A_1260 = arith.constant 2 : i32
      %dma_start3A_1261 = arith.constant 0 : i32
      %dma_start3A_1262 = arith.constant 0 : i32
      %dma_start3A_1263 = tpu.memref_slice %arg6[%dma_start3A_1259, %dma_start3A_1260, %dma_start3A_1261, %dma_start3A_1262] : memref<2x4x128x64xf32, #tpu.memory_space<vmem>> -> memref<1x1x128x64xf32, #tpu.memory_space<vmem>>
      %dma_start3A_1264 = tpu.memref_squeeze %dma_start3A_1263 : memref<1x1x128x64xf32, #tpu.memory_space<vmem>> -> memref<128x64xf32, #tpu.memory_space<vmem>>
      %dma_start3A_1265 = arith.constant 0 : i32
      %dma_start3A_1266 = tpu.memref_slice %arg5[%add3A_1258, %dma_start3A_1265] : memref<200x128xi32, #tpu.memory_space<vmem>> -> memref<1x128xi32, #tpu.memory_space<vmem>>
      %dma_start3A_1267 = tpu.memref_squeeze %dma_start3A_1266 : memref<1x128xi32, #tpu.memory_space<vmem>> -> memref<128xi32, #tpu.memory_space<vmem>>
      %dma_start3A_1268 = arith.constant 0 : i32
      %dma_start3A_1269 = arith.constant 0 : i32
      %dma_start3A_1270 = tpu.memref_slice %arg3[%dma_start3A_1268, %dma_start3A_1269] : memref<2000000x64xf32, #tpu.memory_space<hbm>> -> memref<2000000x64xf32, #tpu.memory_space<hbm>>
      tpu.enqueue_indirect_dma source(%dma_start3A_1270 : memref<2000000x64xf32, #tpu.memory_space<hbm>>) target(%dma_start3A_1264 : memref<128x64xf32, #tpu.memory_space<vmem>>) offsets(%dma_start3A_1267 : memref<128xi32, #tpu.memory_space<vmem>>) semaphore(%arg8 : memref<!tpu.dma_semaphore, #tpu.memory_space<semaphore_mem>>)
      %add3A_1271 = arith.constant 1 : i32
      %add3A_1272 = arith.addi %mul3A_1080, %add3A_1271 : i32
      %mul3A_1273 = arith.constant 4 : i32
      %mul3A_1274 = arith.muli %add3A_1272, %mul3A_1273 : i32
      %add3A_1275 = arith.constant 3 : i32
      %add3A_1276 = arith.addi %mul3A_1274, %add3A_1275 : i32
      %dma_start3A_1277 = arith.constant 1 : i32
      %dma_start3A_1278 = arith.constant 3 : i32
      %dma_start3A_1279 = arith.constant 0 : i32
      %dma_start3A_1280 = arith.constant 0 : i32
      %dma_start3A_1281 = tpu.memref_slice %arg6[%dma_start3A_1277, %dma_start3A_1278, %dma_start3A_1279, %dma_start3A_1280] : memref<2x4x128x64xf32, #tpu.memory_space<vmem>> -> memref<1x1x128x64xf32, #tpu.memory_space<vmem>>
      %dma_start3A_1282 = tpu.memref_squeeze %dma_start3A_1281 : memref<1x1x128x64xf32, #tpu.memory_space<vmem>> -> memref<128x64xf32, #tpu.memory_space<vmem>>
      %dma_start3A_1283 = arith.constant 0 : i32
      %dma_start3A_1284 = tpu.memref_slice %arg5[%add3A_1276, %dma_start3A_1283] : memref<200x128xi32, #tpu.memory_space<vmem>> -> memref<1x128xi32, #tpu.memory_space<vmem>>
      %dma_start3A_1285 = tpu.memref_squeeze %dma_start3A_1284 : memref<1x128xi32, #tpu.memory_space<vmem>> -> memref<128xi32, #tpu.memory_space<vmem>>
      %dma_start3A_1286 = arith.constant 0 : i32
      %dma_start3A_1287 = arith.constant 0 : i32
      %dma_start3A_1288 = tpu.memref_slice %arg3[%dma_start3A_1286, %dma_start3A_1287] : memref<2000000x64xf32, #tpu.memory_space<hbm>> -> memref<2000000x64xf32, #tpu.memory_space<hbm>>
      tpu.enqueue_indirect_dma source(%dma_start3A_1288 : memref<2000000x64xf32, #tpu.memory_space<hbm>>) target(%dma_start3A_1282 : memref<128x64xf32, #tpu.memory_space<vmem>>) offsets(%dma_start3A_1285 : memref<128xi32, #tpu.memory_space<vmem>>) semaphore(%arg8 : memref<!tpu.dma_semaphore, #tpu.memory_space<semaphore_mem>>)
      %mul3A_1289 = arith.constant 4 : i32
      %mul3A_1290 = arith.muli %mul3A_1080, %mul3A_1289 : i32
      %add3A_1291 = arith.constant 0 : i32
      %add3A_1292 = arith.addi %mul3A_1290, %add3A_1291 : i32
      %add3A_1293 = arith.addi %mul3A_2, %add3A_1292 : i32
      %dma_start3A_1294 = arith.constant 0 : i32
      %dma_start3A_1295 = arith.constant 0 : i32
      %dma_start3A_1296 = arith.constant 0 : i32
      %dma_start3A_1297 = arith.constant 0 : i32
      %dma_start3A_1298 = tpu.memref_slice %arg6[%dma_start3A_1294, %dma_start3A_1295, %dma_start3A_1296, %dma_start3A_1297] : memref<2x4x128x64xf32, #tpu.memory_space<vmem>> -> memref<1x1x128x64xf32, #tpu.memory_space<vmem>>
      %dma_start3A_1299 = tpu.memref_squeeze %dma_start3A_1298 : memref<1x1x128x64xf32, #tpu.memory_space<vmem>> -> memref<128x64xf32, #tpu.memory_space<vmem>>
      %dma_start3A_1300 = arith.constant 0 : i32
      %dma_start3A_1301 = arith.constant 0 : i32
      %dma_start3A_1302 = tpu.memref_slice %arg4[%add3A_1293, %dma_start3A_1300, %dma_start3A_1301] : memref<6400x128x128xf32, #tpu.memory_space<hbm>> -> memref<1x128x64xf32, #tpu.memory_space<hbm>>
      %dma_start3A_1303 = tpu.memref_squeeze %dma_start3A_1302 : memref<1x128x64xf32, #tpu.memory_space<hbm>> -> memref<128x64xf32, #tpu.memory_space<hbm>>
      %dma_start3A_1304 = arith.constant 0 : i32
      %dma_start3A_1305 = arith.constant 0 : i32
      %dma_start3A_1306 = tpu.memref_slice %arg4[%add3A_1293, %dma_start3A_1304, %dma_start3A_1305] : memref<6400x128x128xf32, #tpu.memory_space<hbm>> -> memref<1x128x64xf32, #tpu.memory_space<hbm>>
      %dma_start3A_1307 = tpu.memref_squeeze %dma_start3A_1306 : memref<1x128x64xf32, #tpu.memory_space<hbm>> -> memref<128x64xf32, #tpu.memory_space<hbm>>
      %dma_start3A_1308 = arith.constant 0 : i32
      %dma_start3A_1309 = arith.constant 0 : i32
      %dma_start3A_1310 = tpu.memref_slice %arg6[%dma_start3A_1294, %dma_start3A_1295, %dma_start3A_1308, %dma_start3A_1309] : memref<2x4x128x64xf32, #tpu.memory_space<vmem>> -> memref<1x1x128x64xf32, #tpu.memory_space<vmem>>
      %dma_start3A_1311 = tpu.memref_squeeze %dma_start3A_1310 : memref<1x1x128x64xf32, #tpu.memory_space<vmem>> -> memref<128x64xf32, #tpu.memory_space<vmem>>
      tpu.enqueue_dma source(%dma_start3A_1311 : memref<128x64xf32, #tpu.memory_space<vmem>>) target(%dma_start3A_1307 : memref<128x64xf32, #tpu.memory_space<hbm>>) target_semaphore(%arg9 : memref<!tpu.dma_semaphore, #tpu.memory_space<semaphore_mem>>)
      %mul3A_1312 = arith.constant 4 : i32
      %mul3A_1313 = arith.muli %mul3A_1080, %mul3A_1312 : i32
      %add3A_1314 = arith.constant 1 : i32
      %add3A_1315 = arith.addi %mul3A_1313, %add3A_1314 : i32
      %add3A_1316 = arith.addi %mul3A_2, %add3A_1315 : i32
      %dma_start3A_1317 = arith.constant 0 : i32
      %dma_start3A_1318 = arith.constant 1 : i32
      %dma_start3A_1319 = arith.constant 0 : i32
      %dma_start3A_1320 = arith.constant 0 : i32
      %dma_start3A_1321 = tpu.memref_slice %arg6[%dma_start3A_1317, %dma_start3A_1318, %dma_start3A_1319, %dma_start3A_1320] : memref<2x4x128x64xf32, #tpu.memory_space<vmem>> -> memref<1x1x128x64xf32, #tpu.memory_space<vmem>>
      %dma_start3A_1322 = tpu.memref_squeeze %dma_start3A_1321 : memref<1x1x128x64xf32, #tpu.memory_space<vmem>> -> memref<128x64xf32, #tpu.memory_space<vmem>>
      %dma_start3A_1323 = arith.constant 0 : i32
      %dma_start3A_1324 = arith.constant 0 : i32
      %dma_start3A_1325 = tpu.memref_slice %arg4[%add3A_1316, %dma_start3A_1323, %dma_start3A_1324] : memref<6400x128x128xf32, #tpu.memory_space<hbm>> -> memref<1x128x64xf32, #tpu.memory_space<hbm>>
      %dma_start3A_1326 = tpu.memref_squeeze %dma_start3A_1325 : memref<1x128x64xf32, #tpu.memory_space<hbm>> -> memref<128x64xf32, #tpu.memory_space<hbm>>
      %dma_start3A_1327 = arith.constant 0 : i32
      %dma_start3A_1328 = arith.constant 0 : i32
      %dma_start3A_1329 = tpu.memref_slice %arg4[%add3A_1316, %dma_start3A_1327, %dma_start3A_1328] : memref<6400x128x128xf32, #tpu.memory_space<hbm>> -> memref<1x128x64xf32, #tpu.memory_space<hbm>>
      %dma_start3A_1330 = tpu.memref_squeeze %dma_start3A_1329 : memref<1x128x64xf32, #tpu.memory_space<hbm>> -> memref<128x64xf32, #tpu.memory_space<hbm>>
      %dma_start3A_1331 = arith.constant 0 : i32
      %dma_start3A_1332 = arith.constant 0 : i32
      %dma_start3A_1333 = tpu.memref_slice %arg6[%dma_start3A_1317, %dma_start3A_1318, %dma_start3A_1331, %dma_start3A_1332] : memref<2x4x128x64xf32, #tpu.memory_space<vmem>> -> memref<1x1x128x64xf32, #tpu.memory_space<vmem>>
      %dma_start3A_1334 = tpu.memref_squeeze %dma_start3A_1333 : memref<1x1x128x64xf32, #tpu.memory_space<vmem>> -> memref<128x64xf32, #tpu.memory_space<vmem>>
      tpu.enqueue_dma source(%dma_start3A_1334 : memref<128x64xf32, #tpu.memory_space<vmem>>) target(%dma_start3A_1330 : memref<128x64xf32, #tpu.memory_space<hbm>>) target_semaphore(%arg9 : memref<!tpu.dma_semaphore, #tpu.memory_space<semaphore_mem>>)
      %mul3A_1335 = arith.constant 4 : i32
      %mul3A_1336 = arith.muli %mul3A_1080, %mul3A_1335 : i32
      %add3A_1337 = arith.constant 2 : i32
      %add3A_1338 = arith.addi %mul3A_1336, %add3A_1337 : i32
      %add3A_1339 = arith.addi %mul3A_2, %add3A_1338 : i32
      %dma_start3A_1340 = arith.constant 0 : i32
      %dma_start3A_1341 = arith.constant 2 : i32
      %dma_start3A_1342 = arith.constant 0 : i32
      %dma_start3A_1343 = arith.constant 0 : i32
      %dma_start3A_1344 = tpu.memref_slice %arg6[%dma_start3A_1340, %dma_start3A_1341, %dma_start3A_1342, %dma_start3A_1343] : memref<2x4x128x64xf32, #tpu.memory_space<vmem>> -> memref<1x1x128x64xf32, #tpu.memory_space<vmem>>
      %dma_start3A_1345 = tpu.memref_squeeze %dma_start3A_1344 : memref<1x1x128x64xf32, #tpu.memory_space<vmem>> -> memref<128x64xf32, #tpu.memory_space<vmem>>
      %dma_start3A_1346 = arith.constant 0 : i32
      %dma_start3A_1347 = arith.constant 0 : i32
      %dma_start3A_1348 = tpu.memref_slice %arg4[%add3A_1339, %dma_start3A_1346, %dma_start3A_1347] : memref<6400x128x128xf32, #tpu.memory_space<hbm>> -> memref<1x128x64xf32, #tpu.memory_space<hbm>>
      %dma_start3A_1349 = tpu.memref_squeeze %dma_start3A_1348 : memref<1x128x64xf32, #tpu.memory_space<hbm>> -> memref<128x64xf32, #tpu.memory_space<hbm>>
      %dma_start3A_1350 = arith.constant 0 : i32
      %dma_start3A_1351 = arith.constant 0 : i32
      %dma_start3A_1352 = tpu.memref_slice %arg4[%add3A_1339, %dma_start3A_1350, %dma_start3A_1351] : memref<6400x128x128xf32, #tpu.memory_space<hbm>> -> memref<1x128x64xf32, #tpu.memory_space<hbm>>
      %dma_start3A_1353 = tpu.memref_squeeze %dma_start3A_1352 : memref<1x128x64xf32, #tpu.memory_space<hbm>> -> memref<128x64xf32, #tpu.memory_space<hbm>>
      %dma_start3A_1354 = arith.constant 0 : i32
      %dma_start3A_1355 = arith.constant 0 : i32
      %dma_start3A_1356 = tpu.memref_slice %arg6[%dma_start3A_1340, %dma_start3A_1341, %dma_start3A_1354, %dma_start3A_1355] : memref<2x4x128x64xf32, #tpu.memory_space<vmem>> -> memref<1x1x128x64xf32, #tpu.memory_space<vmem>>
      %dma_start3A_1357 = tpu.memref_squeeze %dma_start3A_1356 : memref<1x1x128x64xf32, #tpu.memory_space<vmem>> -> memref<128x64xf32, #tpu.memory_space<vmem>>
      tpu.enqueue_dma source(%dma_start3A_1357 : memref<128x64xf32, #tpu.memory_space<vmem>>) target(%dma_start3A_1353 : memref<128x64xf32, #tpu.memory_space<hbm>>) target_semaphore(%arg9 : memref<!tpu.dma_semaphore, #tpu.memory_space<semaphore_mem>>)
      %mul3A_1358 = arith.constant 4 : i32
      %mul3A_1359 = arith.muli %mul3A_1080, %mul3A_1358 : i32
      %add3A_1360 = arith.constant 3 : i32
      %add3A_1361 = arith.addi %mul3A_1359, %add3A_1360 : i32
      %add3A_1362 = arith.addi %mul3A_2, %add3A_1361 : i32
      %dma_start3A_1363 = arith.constant 0 : i32
      %dma_start3A_1364 = arith.constant 3 : i32
      %dma_start3A_1365 = arith.constant 0 : i32
      %dma_start3A_1366 = arith.constant 0 : i32
      %dma_start3A_1367 = tpu.memref_slice %arg6[%dma_start3A_1363, %dma_start3A_1364, %dma_start3A_1365, %dma_start3A_1366] : memref<2x4x128x64xf32, #tpu.memory_space<vmem>> -> memref<1x1x128x64xf32, #tpu.memory_space<vmem>>
      %dma_start3A_1368 = tpu.memref_squeeze %dma_start3A_1367 : memref<1x1x128x64xf32, #tpu.memory_space<vmem>> -> memref<128x64xf32, #tpu.memory_space<vmem>>
      %dma_start3A_1369 = arith.constant 0 : i32
      %dma_start3A_1370 = arith.constant 0 : i32
      %dma_start3A_1371 = tpu.memref_slice %arg4[%add3A_1362, %dma_start3A_1369, %dma_start3A_1370] : memref<6400x128x128xf32, #tpu.memory_space<hbm>> -> memref<1x128x64xf32, #tpu.memory_space<hbm>>
      %dma_start3A_1372 = tpu.memref_squeeze %dma_start3A_1371 : memref<1x128x64xf32, #tpu.memory_space<hbm>> -> memref<128x64xf32, #tpu.memory_space<hbm>>
      %dma_start3A_1373 = arith.constant 0 : i32
      %dma_start3A_1374 = arith.constant 0 : i32
      %dma_start3A_1375 = tpu.memref_slice %arg4[%add3A_1362, %dma_start3A_1373, %dma_start3A_1374] : memref<6400x128x128xf32, #tpu.memory_space<hbm>> -> memref<1x128x64xf32, #tpu.memory_space<hbm>>
      %dma_start3A_1376 = tpu.memref_squeeze %dma_start3A_1375 : memref<1x128x64xf32, #tpu.memory_space<hbm>> -> memref<128x64xf32, #tpu.memory_space<hbm>>
      %dma_start3A_1377 = arith.constant 0 : i32
      %dma_start3A_1378 = arith.constant 0 : i32
      %dma_start3A_1379 = tpu.memref_slice %arg6[%dma_start3A_1363, %dma_start3A_1364, %dma_start3A_1377, %dma_start3A_1378] : memref<2x4x128x64xf32, #tpu.memory_space<vmem>> -> memref<1x1x128x64xf32, #tpu.memory_space<vmem>>
      %dma_start3A_1380 = tpu.memref_squeeze %dma_start3A_1379 : memref<1x1x128x64xf32, #tpu.memory_space<vmem>> -> memref<128x64xf32, #tpu.memory_space<vmem>>
      tpu.enqueue_dma source(%dma_start3A_1380 : memref<128x64xf32, #tpu.memory_space<vmem>>) target(%dma_start3A_1376 : memref<128x64xf32, #tpu.memory_space<hbm>>) target_semaphore(%arg9 : memref<!tpu.dma_semaphore, #tpu.memory_space<semaphore_mem>>)
      %dma_wait3A_1381 = arith.constant 1 : i32
      %dma_wait3A_1382 = arith.constant 0 : i32
      %dma_wait3A_1383 = arith.constant 0 : i32
      %dma_wait3A_1384 = arith.constant 0 : i32
      %dma_wait3A_1385 = tpu.memref_slice %arg6[%dma_wait3A_1381, %dma_wait3A_1382, %dma_wait3A_1383, %dma_wait3A_1384] : memref<2x4x128x64xf32, #tpu.memory_space<vmem>> -> memref<1x1x128x64xf32, #tpu.memory_space<vmem>>
      %dma_wait3A_1386 = tpu.memref_squeeze %dma_wait3A_1385 : memref<1x1x128x64xf32, #tpu.memory_space<vmem>> -> memref<128x64xf32, #tpu.memory_space<vmem>>
      %dma_wait3A_1387 = arith.constant 0 : i32
      %dma_wait3A_1388 = arith.constant 0 : i32
      %dma_wait3A_1389 = tpu.memref_slice %arg3[%dma_wait3A_1387, %dma_wait3A_1388] : memref<2000000x64xf32, #tpu.memory_space<hbm>> -> memref<128x64xf32, #tpu.memory_space<hbm>>
      %dma_wait3A_1390 = arith.constant 0 : i32
      %dma_wait3A_1391 = arith.constant 0 : i32
      %dma_wait3A_1392 = tpu.memref_slice %arg6[%dma_wait3A_1381, %dma_wait3A_1382, %dma_wait3A_1390, %dma_wait3A_1391] : memref<2x4x128x64xf32, #tpu.memory_space<vmem>> -> memref<1x1x128x64xf32, #tpu.memory_space<vmem>>
      %dma_wait3A_1393 = tpu.memref_squeeze %dma_wait3A_1392 : memref<1x1x128x64xf32, #tpu.memory_space<vmem>> -> memref<128x64xf32, #tpu.memory_space<vmem>>
      %dma_wait3A_1394 = arith.constant 0 : i32
      %dma_wait3A_1395 = arith.constant 0 : i32
      %dma_wait3A_1396 = tpu.memref_slice %arg3[%dma_wait3A_1394, %dma_wait3A_1395] : memref<2000000x64xf32, #tpu.memory_space<hbm>> -> memref<128x64xf32, #tpu.memory_space<hbm>>
      tpu.wait_dma2 semaphore(%arg8 : memref<!tpu.dma_semaphore, #tpu.memory_space<semaphore_mem>>) src(%dma_wait3A_1396 : memref<128x64xf32, #tpu.memory_space<hbm>>) dst(%dma_wait3A_1393 : memref<128x64xf32, #tpu.memory_space<vmem>>)
      %dma_wait3A_1397 = arith.constant 1 : i32
      %dma_wait3A_1398 = arith.constant 1 : i32
      %dma_wait3A_1399 = arith.constant 0 : i32
      %dma_wait3A_1400 = arith.constant 0 : i32
      %dma_wait3A_1401 = tpu.memref_slice %arg6[%dma_wait3A_1397, %dma_wait3A_1398, %dma_wait3A_1399, %dma_wait3A_1400] : memref<2x4x128x64xf32, #tpu.memory_space<vmem>> -> memref<1x1x128x64xf32, #tpu.memory_space<vmem>>
      %dma_wait3A_1402 = tpu.memref_squeeze %dma_wait3A_1401 : memref<1x1x128x64xf32, #tpu.memory_space<vmem>> -> memref<128x64xf32, #tpu.memory_space<vmem>>
      %dma_wait3A_1403 = arith.constant 0 : i32
      %dma_wait3A_1404 = arith.constant 0 : i32
      %dma_wait3A_1405 = tpu.memref_slice %arg3[%dma_wait3A_1403, %dma_wait3A_1404] : memref<2000000x64xf32, #tpu.memory_space<hbm>> -> memref<128x64xf32, #tpu.memory_space<hbm>>
      %dma_wait3A_1406 = arith.constant 0 : i32
      %dma_wait3A_1407 = arith.constant 0 : i32
      %dma_wait3A_1408 = tpu.memref_slice %arg6[%dma_wait3A_1397, %dma_wait3A_1398, %dma_wait3A_1406, %dma_wait3A_1407] : memref<2x4x128x64xf32, #tpu.memory_space<vmem>> -> memref<1x1x128x64xf32, #tpu.memory_space<vmem>>
      %dma_wait3A_1409 = tpu.memref_squeeze %dma_wait3A_1408 : memref<1x1x128x64xf32, #tpu.memory_space<vmem>> -> memref<128x64xf32, #tpu.memory_space<vmem>>
      %dma_wait3A_1410 = arith.constant 0 : i32
      %dma_wait3A_1411 = arith.constant 0 : i32
      %dma_wait3A_1412 = tpu.memref_slice %arg3[%dma_wait3A_1410, %dma_wait3A_1411] : memref<2000000x64xf32, #tpu.memory_space<hbm>> -> memref<128x64xf32, #tpu.memory_space<hbm>>
      tpu.wait_dma2 semaphore(%arg8 : memref<!tpu.dma_semaphore, #tpu.memory_space<semaphore_mem>>) src(%dma_wait3A_1412 : memref<128x64xf32, #tpu.memory_space<hbm>>) dst(%dma_wait3A_1409 : memref<128x64xf32, #tpu.memory_space<vmem>>)
      %dma_wait3A_1413 = arith.constant 1 : i32
      %dma_wait3A_1414 = arith.constant 2 : i32
      %dma_wait3A_1415 = arith.constant 0 : i32
      %dma_wait3A_1416 = arith.constant 0 : i32
      %dma_wait3A_1417 = tpu.memref_slice %arg6[%dma_wait3A_1413, %dma_wait3A_1414, %dma_wait3A_1415, %dma_wait3A_1416] : memref<2x4x128x64xf32, #tpu.memory_space<vmem>> -> memref<1x1x128x64xf32, #tpu.memory_space<vmem>>
      %dma_wait3A_1418 = tpu.memref_squeeze %dma_wait3A_1417 : memref<1x1x128x64xf32, #tpu.memory_space<vmem>> -> memref<128x64xf32, #tpu.memory_space<vmem>>
      %dma_wait3A_1419 = arith.constant 0 : i32
      %dma_wait3A_1420 = arith.constant 0 : i32
      %dma_wait3A_1421 = tpu.memref_slice %arg3[%dma_wait3A_1419, %dma_wait3A_1420] : memref<2000000x64xf32, #tpu.memory_space<hbm>> -> memref<128x64xf32, #tpu.memory_space<hbm>>
      %dma_wait3A_1422 = arith.constant 0 : i32
      %dma_wait3A_1423 = arith.constant 0 : i32
      %dma_wait3A_1424 = tpu.memref_slice %arg6[%dma_wait3A_1413, %dma_wait3A_1414, %dma_wait3A_1422, %dma_wait3A_1423] : memref<2x4x128x64xf32, #tpu.memory_space<vmem>> -> memref<1x1x128x64xf32, #tpu.memory_space<vmem>>
      %dma_wait3A_1425 = tpu.memref_squeeze %dma_wait3A_1424 : memref<1x1x128x64xf32, #tpu.memory_space<vmem>> -> memref<128x64xf32, #tpu.memory_space<vmem>>
      %dma_wait3A_1426 = arith.constant 0 : i32
      %dma_wait3A_1427 = arith.constant 0 : i32
      %dma_wait3A_1428 = tpu.memref_slice %arg3[%dma_wait3A_1426, %dma_wait3A_1427] : memref<2000000x64xf32, #tpu.memory_space<hbm>> -> memref<128x64xf32, #tpu.memory_space<hbm>>
      tpu.wait_dma2 semaphore(%arg8 : memref<!tpu.dma_semaphore, #tpu.memory_space<semaphore_mem>>) src(%dma_wait3A_1428 : memref<128x64xf32, #tpu.memory_space<hbm>>) dst(%dma_wait3A_1425 : memref<128x64xf32, #tpu.memory_space<vmem>>)
      %dma_wait3A_1429 = arith.constant 1 : i32
      %dma_wait3A_1430 = arith.constant 3 : i32
      %dma_wait3A_1431 = arith.constant 0 : i32
      %dma_wait3A_1432 = arith.constant 0 : i32
      %dma_wait3A_1433 = tpu.memref_slice %arg6[%dma_wait3A_1429, %dma_wait3A_1430, %dma_wait3A_1431, %dma_wait3A_1432] : memref<2x4x128x64xf32, #tpu.memory_space<vmem>> -> memref<1x1x128x64xf32, #tpu.memory_space<vmem>>
      %dma_wait3A_1434 = tpu.memref_squeeze %dma_wait3A_1433 : memref<1x1x128x64xf32, #tpu.memory_space<vmem>> -> memref<128x64xf32, #tpu.memory_space<vmem>>
      %dma_wait3A_1435 = arith.constant 0 : i32
      %dma_wait3A_1436 = arith.constant 0 : i32
      %dma_wait3A_1437 = tpu.memref_slice %arg3[%dma_wait3A_1435, %dma_wait3A_1436] : memref<2000000x64xf32, #tpu.memory_space<hbm>> -> memref<128x64xf32, #tpu.memory_space<hbm>>
      %dma_wait3A_1438 = arith.constant 0 : i32
      %dma_wait3A_1439 = arith.constant 0 : i32
      %dma_wait3A_1440 = tpu.memref_slice %arg6[%dma_wait3A_1429, %dma_wait3A_1430, %dma_wait3A_1438, %dma_wait3A_1439] : memref<2x4x128x64xf32, #tpu.memory_space<vmem>> -> memref<1x1x128x64xf32, #tpu.memory_space<vmem>>
      %dma_wait3A_1441 = tpu.memref_squeeze %dma_wait3A_1440 : memref<1x1x128x64xf32, #tpu.memory_space<vmem>> -> memref<128x64xf32, #tpu.memory_space<vmem>>
      %dma_wait3A_1442 = arith.constant 0 : i32
      %dma_wait3A_1443 = arith.constant 0 : i32
      %dma_wait3A_1444 = tpu.memref_slice %arg3[%dma_wait3A_1442, %dma_wait3A_1443] : memref<2000000x64xf32, #tpu.memory_space<hbm>> -> memref<128x64xf32, #tpu.memory_space<hbm>>
      tpu.wait_dma2 semaphore(%arg8 : memref<!tpu.dma_semaphore, #tpu.memory_space<semaphore_mem>>) src(%dma_wait3A_1444 : memref<128x64xf32, #tpu.memory_space<hbm>>) dst(%dma_wait3A_1441 : memref<128x64xf32, #tpu.memory_space<vmem>>)
      %dma_wait3A_1445 = arith.constant 0 : i32
      %dma_wait3A_1446 = arith.constant 0 : i32
      %dma_wait3A_1447 = arith.constant 0 : i32
      %dma_wait3A_1448 = arith.constant 0 : i32
      %dma_wait3A_1449 = tpu.memref_slice %arg6[%dma_wait3A_1445, %dma_wait3A_1446, %dma_wait3A_1447, %dma_wait3A_1448] : memref<2x4x128x64xf32, #tpu.memory_space<vmem>> -> memref<1x1x128x64xf32, #tpu.memory_space<vmem>>
      %dma_wait3A_1450 = tpu.memref_squeeze %dma_wait3A_1449 : memref<1x1x128x64xf32, #tpu.memory_space<vmem>> -> memref<128x64xf32, #tpu.memory_space<vmem>>
      %dma_wait3A_1451 = arith.constant 0 : i32
      %dma_wait3A_1452 = arith.constant 0 : i32
      %dma_wait3A_1453 = tpu.memref_slice %arg4[%mul3A_2, %dma_wait3A_1451, %dma_wait3A_1452] : memref<6400x128x128xf32, #tpu.memory_space<hbm>> -> memref<1x128x64xf32, #tpu.memory_space<hbm>>
      %dma_wait3A_1454 = tpu.memref_squeeze %dma_wait3A_1453 : memref<1x128x64xf32, #tpu.memory_space<hbm>> -> memref<128x64xf32, #tpu.memory_space<hbm>>
      %dma_wait3A_1455 = arith.constant 0 : i32
      %dma_wait3A_1456 = arith.constant 0 : i32
      %dma_wait3A_1457 = tpu.memref_slice %arg4[%mul3A_2, %dma_wait3A_1455, %dma_wait3A_1456] : memref<6400x128x128xf32, #tpu.memory_space<hbm>> -> memref<1x128x64xf32, #tpu.memory_space<hbm>>
      %dma_wait3A_1458 = tpu.memref_squeeze %dma_wait3A_1457 : memref<1x128x64xf32, #tpu.memory_space<hbm>> -> memref<128x64xf32, #tpu.memory_space<hbm>>
      %dma_wait3A_1459 = arith.constant 0 : i32
      %dma_wait3A_1460 = arith.constant 0 : i32
      %dma_wait3A_1461 = tpu.memref_slice %arg6[%dma_wait3A_1445, %dma_wait3A_1446, %dma_wait3A_1459, %dma_wait3A_1460] : memref<2x4x128x64xf32, #tpu.memory_space<vmem>> -> memref<1x1x128x64xf32, #tpu.memory_space<vmem>>
      %dma_wait3A_1462 = tpu.memref_squeeze %dma_wait3A_1461 : memref<1x1x128x64xf32, #tpu.memory_space<vmem>> -> memref<128x64xf32, #tpu.memory_space<vmem>>
      tpu.wait_dma2 semaphore(%arg9 : memref<!tpu.dma_semaphore, #tpu.memory_space<semaphore_mem>>) src(%dma_wait3A_1462 : memref<128x64xf32, #tpu.memory_space<vmem>>) dst(%dma_wait3A_1458 : memref<128x64xf32, #tpu.memory_space<hbm>>)
      %dma_wait3A_1463 = arith.constant 0 : i32
      %dma_wait3A_1464 = arith.constant 1 : i32
      %dma_wait3A_1465 = arith.constant 0 : i32
      %dma_wait3A_1466 = arith.constant 0 : i32
      %dma_wait3A_1467 = tpu.memref_slice %arg6[%dma_wait3A_1463, %dma_wait3A_1464, %dma_wait3A_1465, %dma_wait3A_1466] : memref<2x4x128x64xf32, #tpu.memory_space<vmem>> -> memref<1x1x128x64xf32, #tpu.memory_space<vmem>>
      %dma_wait3A_1468 = tpu.memref_squeeze %dma_wait3A_1467 : memref<1x1x128x64xf32, #tpu.memory_space<vmem>> -> memref<128x64xf32, #tpu.memory_space<vmem>>
      %dma_wait3A_1469 = arith.constant 0 : i32
      %dma_wait3A_1470 = arith.constant 0 : i32
      %dma_wait3A_1471 = tpu.memref_slice %arg4[%mul3A_2, %dma_wait3A_1469, %dma_wait3A_1470] : memref<6400x128x128xf32, #tpu.memory_space<hbm>> -> memref<1x128x64xf32, #tpu.memory_space<hbm>>
      %dma_wait3A_1472 = tpu.memref_squeeze %dma_wait3A_1471 : memref<1x128x64xf32, #tpu.memory_space<hbm>> -> memref<128x64xf32, #tpu.memory_space<hbm>>
      %dma_wait3A_1473 = arith.constant 0 : i32
      %dma_wait3A_1474 = arith.constant 0 : i32
      %dma_wait3A_1475 = tpu.memref_slice %arg4[%mul3A_2, %dma_wait3A_1473, %dma_wait3A_1474] : memref<6400x128x128xf32, #tpu.memory_space<hbm>> -> memref<1x128x64xf32, #tpu.memory_space<hbm>>
      %dma_wait3A_1476 = tpu.memref_squeeze %dma_wait3A_1475 : memref<1x128x64xf32, #tpu.memory_space<hbm>> -> memref<128x64xf32, #tpu.memory_space<hbm>>
      %dma_wait3A_1477 = arith.constant 0 : i32
      %dma_wait3A_1478 = arith.constant 0 : i32
      %dma_wait3A_1479 = tpu.memref_slice %arg6[%dma_wait3A_1463, %dma_wait3A_1464, %dma_wait3A_1477, %dma_wait3A_1478] : memref<2x4x128x64xf32, #tpu.memory_space<vmem>> -> memref<1x1x128x64xf32, #tpu.memory_space<vmem>>
      %dma_wait3A_1480 = tpu.memref_squeeze %dma_wait3A_1479 : memref<1x1x128x64xf32, #tpu.memory_space<vmem>> -> memref<128x64xf32, #tpu.memory_space<vmem>>
      tpu.wait_dma2 semaphore(%arg9 : memref<!tpu.dma_semaphore, #tpu.memory_space<semaphore_mem>>) src(%dma_wait3A_1480 : memref<128x64xf32, #tpu.memory_space<vmem>>) dst(%dma_wait3A_1476 : memref<128x64xf32, #tpu.memory_space<hbm>>)
      %dma_wait3A_1481 = arith.constant 0 : i32
      %dma_wait3A_1482 = arith.constant 2 : i32
      %dma_wait3A_1483 = arith.constant 0 : i32
      %dma_wait3A_1484 = arith.constant 0 : i32
      %dma_wait3A_1485 = tpu.memref_slice %arg6[%dma_wait3A_1481, %dma_wait3A_1482, %dma_wait3A_1483, %dma_wait3A_1484] : memref<2x4x128x64xf32, #tpu.memory_space<vmem>> -> memref<1x1x128x64xf32, #tpu.memory_space<vmem>>
      %dma_wait3A_1486 = tpu.memref_squeeze %dma_wait3A_1485 : memref<1x1x128x64xf32, #tpu.memory_space<vmem>> -> memref<128x64xf32, #tpu.memory_space<vmem>>
      %dma_wait3A_1487 = arith.constant 0 : i32
      %dma_wait3A_1488 = arith.constant 0 : i32
      %dma_wait3A_1489 = tpu.memref_slice %arg4[%mul3A_2, %dma_wait3A_1487, %dma_wait3A_1488] : memref<6400x128x128xf32, #tpu.memory_space<hbm>> -> memref<1x128x64xf32, #tpu.memory_space<hbm>>
      %dma_wait3A_1490 = tpu.memref_squeeze %dma_wait3A_1489 : memref<1x128x64xf32, #tpu.memory_space<hbm>> -> memref<128x64xf32, #tpu.memory_space<hbm>>
      %dma_wait3A_1491 = arith.constant 0 : i32
      %dma_wait3A_1492 = arith.constant 0 : i32
      %dma_wait3A_1493 = tpu.memref_slice %arg4[%mul3A_2, %dma_wait3A_1491, %dma_wait3A_1492] : memref<6400x128x128xf32, #tpu.memory_space<hbm>> -> memref<1x128x64xf32, #tpu.memory_space<hbm>>
      %dma_wait3A_1494 = tpu.memref_squeeze %dma_wait3A_1493 : memref<1x128x64xf32, #tpu.memory_space<hbm>> -> memref<128x64xf32, #tpu.memory_space<hbm>>
      %dma_wait3A_1495 = arith.constant 0 : i32
      %dma_wait3A_1496 = arith.constant 0 : i32
      %dma_wait3A_1497 = tpu.memref_slice %arg6[%dma_wait3A_1481, %dma_wait3A_1482, %dma_wait3A_1495, %dma_wait3A_1496] : memref<2x4x128x64xf32, #tpu.memory_space<vmem>> -> memref<1x1x128x64xf32, #tpu.memory_space<vmem>>
      %dma_wait3A_1498 = tpu.memref_squeeze %dma_wait3A_1497 : memref<1x1x128x64xf32, #tpu.memory_space<vmem>> -> memref<128x64xf32, #tpu.memory_space<vmem>>
      tpu.wait_dma2 semaphore(%arg9 : memref<!tpu.dma_semaphore, #tpu.memory_space<semaphore_mem>>) src(%dma_wait3A_1498 : memref<128x64xf32, #tpu.memory_space<vmem>>) dst(%dma_wait3A_1494 : memref<128x64xf32, #tpu.memory_space<hbm>>)
      %dma_wait3A_1499 = arith.constant 0 : i32
      %dma_wait3A_1500 = arith.constant 3 : i32
      %dma_wait3A_1501 = arith.constant 0 : i32
      %dma_wait3A_1502 = arith.constant 0 : i32
      %dma_wait3A_1503 = tpu.memref_slice %arg6[%dma_wait3A_1499, %dma_wait3A_1500, %dma_wait3A_1501, %dma_wait3A_1502] : memref<2x4x128x64xf32, #tpu.memory_space<vmem>> -> memref<1x1x128x64xf32, #tpu.memory_space<vmem>>
      %dma_wait3A_1504 = tpu.memref_squeeze %dma_wait3A_1503 : memref<1x1x128x64xf32, #tpu.memory_space<vmem>> -> memref<128x64xf32, #tpu.memory_space<vmem>>
      %dma_wait3A_1505 = arith.constant 0 : i32
      %dma_wait3A_1506 = arith.constant 0 : i32
      %dma_wait3A_1507 = tpu.memref_slice %arg4[%mul3A_2, %dma_wait3A_1505, %dma_wait3A_1506] : memref<6400x128x128xf32, #tpu.memory_space<hbm>> -> memref<1x128x64xf32, #tpu.memory_space<hbm>>
      %dma_wait3A_1508 = tpu.memref_squeeze %dma_wait3A_1507 : memref<1x128x64xf32, #tpu.memory_space<hbm>> -> memref<128x64xf32, #tpu.memory_space<hbm>>
      %dma_wait3A_1509 = arith.constant 0 : i32
      %dma_wait3A_1510 = arith.constant 0 : i32
      %dma_wait3A_1511 = tpu.memref_slice %arg4[%mul3A_2, %dma_wait3A_1509, %dma_wait3A_1510] : memref<6400x128x128xf32, #tpu.memory_space<hbm>> -> memref<1x128x64xf32, #tpu.memory_space<hbm>>
      %dma_wait3A_1512 = tpu.memref_squeeze %dma_wait3A_1511 : memref<1x128x64xf32, #tpu.memory_space<hbm>> -> memref<128x64xf32, #tpu.memory_space<hbm>>
      %dma_wait3A_1513 = arith.constant 0 : i32
      %dma_wait3A_1514 = arith.constant 0 : i32
      %dma_wait3A_1515 = tpu.memref_slice %arg6[%dma_wait3A_1499, %dma_wait3A_1500, %dma_wait3A_1513, %dma_wait3A_1514] : memref<2x4x128x64xf32, #tpu.memory_space<vmem>> -> memref<1x1x128x64xf32, #tpu.memory_space<vmem>>
      %dma_wait3A_1516 = tpu.memref_squeeze %dma_wait3A_1515 : memref<1x1x128x64xf32, #tpu.memory_space<vmem>> -> memref<128x64xf32, #tpu.memory_space<vmem>>
      tpu.wait_dma2 semaphore(%arg9 : memref<!tpu.dma_semaphore, #tpu.memory_space<semaphore_mem>>) src(%dma_wait3A_1516 : memref<128x64xf32, #tpu.memory_space<vmem>>) dst(%dma_wait3A_1512 : memref<128x64xf32, #tpu.memory_space<hbm>>)
      %add3A_1517 = arith.constant 2 : i32
      %add3A_1518 = arith.addi %mul3A_1080, %add3A_1517 : i32
      %mul3A_1519 = arith.constant 4 : i32
      %mul3A_1520 = arith.muli %add3A_1518, %mul3A_1519 : i32
      %add3A_1521 = arith.constant 0 : i32
      %add3A_1522 = arith.addi %mul3A_1520, %add3A_1521 : i32
      %dma_start3A_1523 = arith.constant 0 : i32
      %dma_start3A_1524 = arith.constant 0 : i32
      %dma_start3A_1525 = arith.constant 0 : i32
      %dma_start3A_1526 = arith.constant 0 : i32
      %dma_start3A_1527 = tpu.memref_slice %arg6[%dma_start3A_1523, %dma_start3A_1524, %dma_start3A_1525, %dma_start3A_1526] : memref<2x4x128x64xf32, #tpu.memory_space<vmem>> -> memref<1x1x128x64xf32, #tpu.memory_space<vmem>>
      %dma_start3A_1528 = tpu.memref_squeeze %dma_start3A_1527 : memref<1x1x128x64xf32, #tpu.memory_space<vmem>> -> memref<128x64xf32, #tpu.memory_space<vmem>>
      %dma_start3A_1529 = arith.constant 0 : i32
      %dma_start3A_1530 = tpu.memref_slice %arg5[%add3A_1522, %dma_start3A_1529] : memref<200x128xi32, #tpu.memory_space<vmem>> -> memref<1x128xi32, #tpu.memory_space<vmem>>
      %dma_start3A_1531 = tpu.memref_squeeze %dma_start3A_1530 : memref<1x128xi32, #tpu.memory_space<vmem>> -> memref<128xi32, #tpu.memory_space<vmem>>
      %dma_start3A_1532 = arith.constant 0 : i32
      %dma_start3A_1533 = arith.constant 0 : i32
      %dma_start3A_1534 = tpu.memref_slice %arg3[%dma_start3A_1532, %dma_start3A_1533] : memref<2000000x64xf32, #tpu.memory_space<hbm>> -> memref<2000000x64xf32, #tpu.memory_space<hbm>>
      tpu.enqueue_indirect_dma source(%dma_start3A_1534 : memref<2000000x64xf32, #tpu.memory_space<hbm>>) target(%dma_start3A_1528 : memref<128x64xf32, #tpu.memory_space<vmem>>) offsets(%dma_start3A_1531 : memref<128xi32, #tpu.memory_space<vmem>>) semaphore(%arg7 : memref<!tpu.dma_semaphore, #tpu.memory_space<semaphore_mem>>)
      %add3A_1535 = arith.constant 2 : i32
      %add3A_1536 = arith.addi %mul3A_1080, %add3A_1535 : i32
      %mul3A_1537 = arith.constant 4 : i32
      %mul3A_1538 = arith.muli %add3A_1536, %mul3A_1537 : i32
      %add3A_1539 = arith.constant 1 : i32
      %add3A_1540 = arith.addi %mul3A_1538, %add3A_1539 : i32
      %dma_start3A_1541 = arith.constant 0 : i32
      %dma_start3A_1542 = arith.constant 1 : i32
      %dma_start3A_1543 = arith.constant 0 : i32
      %dma_start3A_1544 = arith.constant 0 : i32
      %dma_start3A_1545 = tpu.memref_slice %arg6[%dma_start3A_1541, %dma_start3A_1542, %dma_start3A_1543, %dma_start3A_1544] : memref<2x4x128x64xf32, #tpu.memory_space<vmem>> -> memref<1x1x128x64xf32, #tpu.memory_space<vmem>>
      %dma_start3A_1546 = tpu.memref_squeeze %dma_start3A_1545 : memref<1x1x128x64xf32, #tpu.memory_space<vmem>> -> memref<128x64xf32, #tpu.memory_space<vmem>>
      %dma_start3A_1547 = arith.constant 0 : i32
      %dma_start3A_1548 = tpu.memref_slice %arg5[%add3A_1540, %dma_start3A_1547] : memref<200x128xi32, #tpu.memory_space<vmem>> -> memref<1x128xi32, #tpu.memory_space<vmem>>
      %dma_start3A_1549 = tpu.memref_squeeze %dma_start3A_1548 : memref<1x128xi32, #tpu.memory_space<vmem>> -> memref<128xi32, #tpu.memory_space<vmem>>
      %dma_start3A_1550 = arith.constant 0 : i32
      %dma_start3A_1551 = arith.constant 0 : i32
      %dma_start3A_1552 = tpu.memref_slice %arg3[%dma_start3A_1550, %dma_start3A_1551] : memref<2000000x64xf32, #tpu.memory_space<hbm>> -> memref<2000000x64xf32, #tpu.memory_space<hbm>>
      tpu.enqueue_indirect_dma source(%dma_start3A_1552 : memref<2000000x64xf32, #tpu.memory_space<hbm>>) target(%dma_start3A_1546 : memref<128x64xf32, #tpu.memory_space<vmem>>) offsets(%dma_start3A_1549 : memref<128xi32, #tpu.memory_space<vmem>>) semaphore(%arg7 : memref<!tpu.dma_semaphore, #tpu.memory_space<semaphore_mem>>)
      %add3A_1553 = arith.constant 2 : i32
      %add3A_1554 = arith.addi %mul3A_1080, %add3A_1553 : i32
      %mul3A_1555 = arith.constant 4 : i32
      %mul3A_1556 = arith.muli %add3A_1554, %mul3A_1555 : i32
      %add3A_1557 = arith.constant 2 : i32
      %add3A_1558 = arith.addi %mul3A_1556, %add3A_1557 : i32
      %dma_start3A_1559 = arith.constant 0 : i32
      %dma_start3A_1560 = arith.constant 2 : i32
      %dma_start3A_1561 = arith.constant 0 : i32
      %dma_start3A_1562 = arith.constant 0 : i32
      %dma_start3A_1563 = tpu.memref_slice %arg6[%dma_start3A_1559, %dma_start3A_1560, %dma_start3A_1561, %dma_start3A_1562] : memref<2x4x128x64xf32, #tpu.memory_space<vmem>> -> memref<1x1x128x64xf32, #tpu.memory_space<vmem>>
      %dma_start3A_1564 = tpu.memref_squeeze %dma_start3A_1563 : memref<1x1x128x64xf32, #tpu.memory_space<vmem>> -> memref<128x64xf32, #tpu.memory_space<vmem>>
      %dma_start3A_1565 = arith.constant 0 : i32
      %dma_start3A_1566 = tpu.memref_slice %arg5[%add3A_1558, %dma_start3A_1565] : memref<200x128xi32, #tpu.memory_space<vmem>> -> memref<1x128xi32, #tpu.memory_space<vmem>>
      %dma_start3A_1567 = tpu.memref_squeeze %dma_start3A_1566 : memref<1x128xi32, #tpu.memory_space<vmem>> -> memref<128xi32, #tpu.memory_space<vmem>>
      %dma_start3A_1568 = arith.constant 0 : i32
      %dma_start3A_1569 = arith.constant 0 : i32
      %dma_start3A_1570 = tpu.memref_slice %arg3[%dma_start3A_1568, %dma_start3A_1569] : memref<2000000x64xf32, #tpu.memory_space<hbm>> -> memref<2000000x64xf32, #tpu.memory_space<hbm>>
      tpu.enqueue_indirect_dma source(%dma_start3A_1570 : memref<2000000x64xf32, #tpu.memory_space<hbm>>) target(%dma_start3A_1564 : memref<128x64xf32, #tpu.memory_space<vmem>>) offsets(%dma_start3A_1567 : memref<128xi32, #tpu.memory_space<vmem>>) semaphore(%arg7 : memref<!tpu.dma_semaphore, #tpu.memory_space<semaphore_mem>>)
      %add3A_1571 = arith.constant 2 : i32
      %add3A_1572 = arith.addi %mul3A_1080, %add3A_1571 : i32
      %mul3A_1573 = arith.constant 4 : i32
      %mul3A_1574 = arith.muli %add3A_1572, %mul3A_1573 : i32
      %add3A_1575 = arith.constant 3 : i32
      %add3A_1576 = arith.addi %mul3A_1574, %add3A_1575 : i32
      %dma_start3A_1577 = arith.constant 0 : i32
      %dma_start3A_1578 = arith.constant 3 : i32
      %dma_start3A_1579 = arith.constant 0 : i32
      %dma_start3A_1580 = arith.constant 0 : i32
      %dma_start3A_1581 = tpu.memref_slice %arg6[%dma_start3A_1577, %dma_start3A_1578, %dma_start3A_1579, %dma_start3A_1580] : memref<2x4x128x64xf32, #tpu.memory_space<vmem>> -> memref<1x1x128x64xf32, #tpu.memory_space<vmem>>
      %dma_start3A_1582 = tpu.memref_squeeze %dma_start3A_1581 : memref<1x1x128x64xf32, #tpu.memory_space<vmem>> -> memref<128x64xf32, #tpu.memory_space<vmem>>
      %dma_start3A_1583 = arith.constant 0 : i32
      %dma_start3A_1584 = tpu.memref_slice %arg5[%add3A_1576, %dma_start3A_1583] : memref<200x128xi32, #tpu.memory_space<vmem>> -> memref<1x128xi32, #tpu.memory_space<vmem>>
      %dma_start3A_1585 = tpu.memref_squeeze %dma_start3A_1584 : memref<1x128xi32, #tpu.memory_space<vmem>> -> memref<128xi32, #tpu.memory_space<vmem>>
      %dma_start3A_1586 = arith.constant 0 : i32
      %dma_start3A_1587 = arith.constant 0 : i32
      %dma_start3A_1588 = tpu.memref_slice %arg3[%dma_start3A_1586, %dma_start3A_1587] : memref<2000000x64xf32, #tpu.memory_space<hbm>> -> memref<2000000x64xf32, #tpu.memory_space<hbm>>
      tpu.enqueue_indirect_dma source(%dma_start3A_1588 : memref<2000000x64xf32, #tpu.memory_space<hbm>>) target(%dma_start3A_1582 : memref<128x64xf32, #tpu.memory_space<vmem>>) offsets(%dma_start3A_1585 : memref<128xi32, #tpu.memory_space<vmem>>) semaphore(%arg7 : memref<!tpu.dma_semaphore, #tpu.memory_space<semaphore_mem>>)
      %add3A_1589 = arith.constant 1 : i32
      %add3A_1590 = arith.addi %mul3A_1080, %add3A_1589 : i32
      %mul3A_1591 = arith.constant 4 : i32
      %mul3A_1592 = arith.muli %add3A_1590, %mul3A_1591 : i32
      %add3A_1593 = arith.constant 0 : i32
      %add3A_1594 = arith.addi %mul3A_1592, %add3A_1593 : i32
      %add3A_1595 = arith.addi %mul3A_2, %add3A_1594 : i32
      %dma_start3A_1596 = arith.constant 1 : i32
      %dma_start3A_1597 = arith.constant 0 : i32
      %dma_start3A_1598 = arith.constant 0 : i32
      %dma_start3A_1599 = arith.constant 0 : i32
      %dma_start3A_1600 = tpu.memref_slice %arg6[%dma_start3A_1596, %dma_start3A_1597, %dma_start3A_1598, %dma_start3A_1599] : memref<2x4x128x64xf32, #tpu.memory_space<vmem>> -> memref<1x1x128x64xf32, #tpu.memory_space<vmem>>
      %dma_start3A_1601 = tpu.memref_squeeze %dma_start3A_1600 : memref<1x1x128x64xf32, #tpu.memory_space<vmem>> -> memref<128x64xf32, #tpu.memory_space<vmem>>
      %dma_start3A_1602 = arith.constant 0 : i32
      %dma_start3A_1603 = arith.constant 0 : i32
      %dma_start3A_1604 = tpu.memref_slice %arg4[%add3A_1595, %dma_start3A_1602, %dma_start3A_1603] : memref<6400x128x128xf32, #tpu.memory_space<hbm>> -> memref<1x128x64xf32, #tpu.memory_space<hbm>>
      %dma_start3A_1605 = tpu.memref_squeeze %dma_start3A_1604 : memref<1x128x64xf32, #tpu.memory_space<hbm>> -> memref<128x64xf32, #tpu.memory_space<hbm>>
      %dma_start3A_1606 = arith.constant 0 : i32
      %dma_start3A_1607 = arith.constant 0 : i32
      %dma_start3A_1608 = tpu.memref_slice %arg4[%add3A_1595, %dma_start3A_1606, %dma_start3A_1607] : memref<6400x128x128xf32, #tpu.memory_space<hbm>> -> memref<1x128x64xf32, #tpu.memory_space<hbm>>
      %dma_start3A_1609 = tpu.memref_squeeze %dma_start3A_1608 : memref<1x128x64xf32, #tpu.memory_space<hbm>> -> memref<128x64xf32, #tpu.memory_space<hbm>>
      %dma_start3A_1610 = arith.constant 0 : i32
      %dma_start3A_1611 = arith.constant 0 : i32
      %dma_start3A_1612 = tpu.memref_slice %arg6[%dma_start3A_1596, %dma_start3A_1597, %dma_start3A_1610, %dma_start3A_1611] : memref<2x4x128x64xf32, #tpu.memory_space<vmem>> -> memref<1x1x128x64xf32, #tpu.memory_space<vmem>>
      %dma_start3A_1613 = tpu.memref_squeeze %dma_start3A_1612 : memref<1x1x128x64xf32, #tpu.memory_space<vmem>> -> memref<128x64xf32, #tpu.memory_space<vmem>>
      tpu.enqueue_dma source(%dma_start3A_1613 : memref<128x64xf32, #tpu.memory_space<vmem>>) target(%dma_start3A_1609 : memref<128x64xf32, #tpu.memory_space<hbm>>) target_semaphore(%arg10 : memref<!tpu.dma_semaphore, #tpu.memory_space<semaphore_mem>>)
      %add3A_1614 = arith.constant 1 : i32
      %add3A_1615 = arith.addi %mul3A_1080, %add3A_1614 : i32
      %mul3A_1616 = arith.constant 4 : i32
      %mul3A_1617 = arith.muli %add3A_1615, %mul3A_1616 : i32
      %add3A_1618 = arith.constant 1 : i32
      %add3A_1619 = arith.addi %mul3A_1617, %add3A_1618 : i32
      %add3A_1620 = arith.addi %mul3A_2, %add3A_1619 : i32
      %dma_start3A_1621 = arith.constant 1 : i32
      %dma_start3A_1622 = arith.constant 1 : i32
      %dma_start3A_1623 = arith.constant 0 : i32
      %dma_start3A_1624 = arith.constant 0 : i32
      %dma_start3A_1625 = tpu.memref_slice %arg6[%dma_start3A_1621, %dma_start3A_1622, %dma_start3A_1623, %dma_start3A_1624] : memref<2x4x128x64xf32, #tpu.memory_space<vmem>> -> memref<1x1x128x64xf32, #tpu.memory_space<vmem>>
      %dma_start3A_1626 = tpu.memref_squeeze %dma_start3A_1625 : memref<1x1x128x64xf32, #tpu.memory_space<vmem>> -> memref<128x64xf32, #tpu.memory_space<vmem>>
      %dma_start3A_1627 = arith.constant 0 : i32
      %dma_start3A_1628 = arith.constant 0 : i32
      %dma_start3A_1629 = tpu.memref_slice %arg4[%add3A_1620, %dma_start3A_1627, %dma_start3A_1628] : memref<6400x128x128xf32, #tpu.memory_space<hbm>> -> memref<1x128x64xf32, #tpu.memory_space<hbm>>
      %dma_start3A_1630 = tpu.memref_squeeze %dma_start3A_1629 : memref<1x128x64xf32, #tpu.memory_space<hbm>> -> memref<128x64xf32, #tpu.memory_space<hbm>>
      %dma_start3A_1631 = arith.constant 0 : i32
      %dma_start3A_1632 = arith.constant 0 : i32
      %dma_start3A_1633 = tpu.memref_slice %arg4[%add3A_1620, %dma_start3A_1631, %dma_start3A_1632] : memref<6400x128x128xf32, #tpu.memory_space<hbm>> -> memref<1x128x64xf32, #tpu.memory_space<hbm>>
      %dma_start3A_1634 = tpu.memref_squeeze %dma_start3A_1633 : memref<1x128x64xf32, #tpu.memory_space<hbm>> -> memref<128x64xf32, #tpu.memory_space<hbm>>
      %dma_start3A_1635 = arith.constant 0 : i32
      %dma_start3A_1636 = arith.constant 0 : i32
      %dma_start3A_1637 = tpu.memref_slice %arg6[%dma_start3A_1621, %dma_start3A_1622, %dma_start3A_1635, %dma_start3A_1636] : memref<2x4x128x64xf32, #tpu.memory_space<vmem>> -> memref<1x1x128x64xf32, #tpu.memory_space<vmem>>
      %dma_start3A_1638 = tpu.memref_squeeze %dma_start3A_1637 : memref<1x1x128x64xf32, #tpu.memory_space<vmem>> -> memref<128x64xf32, #tpu.memory_space<vmem>>
      tpu.enqueue_dma source(%dma_start3A_1638 : memref<128x64xf32, #tpu.memory_space<vmem>>) target(%dma_start3A_1634 : memref<128x64xf32, #tpu.memory_space<hbm>>) target_semaphore(%arg10 : memref<!tpu.dma_semaphore, #tpu.memory_space<semaphore_mem>>)
      %add3A_1639 = arith.constant 1 : i32
      %add3A_1640 = arith.addi %mul3A_1080, %add3A_1639 : i32
      %mul3A_1641 = arith.constant 4 : i32
      %mul3A_1642 = arith.muli %add3A_1640, %mul3A_1641 : i32
      %add3A_1643 = arith.constant 2 : i32
      %add3A_1644 = arith.addi %mul3A_1642, %add3A_1643 : i32
      %add3A_1645 = arith.addi %mul3A_2, %add3A_1644 : i32
      %dma_start3A_1646 = arith.constant 1 : i32
      %dma_start3A_1647 = arith.constant 2 : i32
      %dma_start3A_1648 = arith.constant 0 : i32
      %dma_start3A_1649 = arith.constant 0 : i32
      %dma_start3A_1650 = tpu.memref_slice %arg6[%dma_start3A_1646, %dma_start3A_1647, %dma_start3A_1648, %dma_start3A_1649] : memref<2x4x128x64xf32, #tpu.memory_space<vmem>> -> memref<1x1x128x64xf32, #tpu.memory_space<vmem>>
      %dma_start3A_1651 = tpu.memref_squeeze %dma_start3A_1650 : memref<1x1x128x64xf32, #tpu.memory_space<vmem>> -> memref<128x64xf32, #tpu.memory_space<vmem>>
      %dma_start3A_1652 = arith.constant 0 : i32
      %dma_start3A_1653 = arith.constant 0 : i32
      %dma_start3A_1654 = tpu.memref_slice %arg4[%add3A_1645, %dma_start3A_1652, %dma_start3A_1653] : memref<6400x128x128xf32, #tpu.memory_space<hbm>> -> memref<1x128x64xf32, #tpu.memory_space<hbm>>
      %dma_start3A_1655 = tpu.memref_squeeze %dma_start3A_1654 : memref<1x128x64xf32, #tpu.memory_space<hbm>> -> memref<128x64xf32, #tpu.memory_space<hbm>>
      %dma_start3A_1656 = arith.constant 0 : i32
      %dma_start3A_1657 = arith.constant 0 : i32
      %dma_start3A_1658 = tpu.memref_slice %arg4[%add3A_1645, %dma_start3A_1656, %dma_start3A_1657] : memref<6400x128x128xf32, #tpu.memory_space<hbm>> -> memref<1x128x64xf32, #tpu.memory_space<hbm>>
      %dma_start3A_1659 = tpu.memref_squeeze %dma_start3A_1658 : memref<1x128x64xf32, #tpu.memory_space<hbm>> -> memref<128x64xf32, #tpu.memory_space<hbm>>
      %dma_start3A_1660 = arith.constant 0 : i32
      %dma_start3A_1661 = arith.constant 0 : i32
      %dma_start3A_1662 = tpu.memref_slice %arg6[%dma_start3A_1646, %dma_start3A_1647, %dma_start3A_1660, %dma_start3A_1661] : memref<2x4x128x64xf32, #tpu.memory_space<vmem>> -> memref<1x1x128x64xf32, #tpu.memory_space<vmem>>
      %dma_start3A_1663 = tpu.memref_squeeze %dma_start3A_1662 : memref<1x1x128x64xf32, #tpu.memory_space<vmem>> -> memref<128x64xf32, #tpu.memory_space<vmem>>
      tpu.enqueue_dma source(%dma_start3A_1663 : memref<128x64xf32, #tpu.memory_space<vmem>>) target(%dma_start3A_1659 : memref<128x64xf32, #tpu.memory_space<hbm>>) target_semaphore(%arg10 : memref<!tpu.dma_semaphore, #tpu.memory_space<semaphore_mem>>)
      %add3A_1664 = arith.constant 1 : i32
      %add3A_1665 = arith.addi %mul3A_1080, %add3A_1664 : i32
      %mul3A_1666 = arith.constant 4 : i32
      %mul3A_1667 = arith.muli %add3A_1665, %mul3A_1666 : i32
      %add3A_1668 = arith.constant 3 : i32
      %add3A_1669 = arith.addi %mul3A_1667, %add3A_1668 : i32
      %add3A_1670 = arith.addi %mul3A_2, %add3A_1669 : i32
      %dma_start3A_1671 = arith.constant 1 : i32
      %dma_start3A_1672 = arith.constant 3 : i32
      %dma_start3A_1673 = arith.constant 0 : i32
      %dma_start3A_1674 = arith.constant 0 : i32
      %dma_start3A_1675 = tpu.memref_slice %arg6[%dma_start3A_1671, %dma_start3A_1672, %dma_start3A_1673, %dma_start3A_1674] : memref<2x4x128x64xf32, #tpu.memory_space<vmem>> -> memref<1x1x128x64xf32, #tpu.memory_space<vmem>>
      %dma_start3A_1676 = tpu.memref_squeeze %dma_start3A_1675 : memref<1x1x128x64xf32, #tpu.memory_space<vmem>> -> memref<128x64xf32, #tpu.memory_space<vmem>>
      %dma_start3A_1677 = arith.constant 0 : i32
      %dma_start3A_1678 = arith.constant 0 : i32
      %dma_start3A_1679 = tpu.memref_slice %arg4[%add3A_1670, %dma_start3A_1677, %dma_start3A_1678] : memref<6400x128x128xf32, #tpu.memory_space<hbm>> -> memref<1x128x64xf32, #tpu.memory_space<hbm>>
      %dma_start3A_1680 = tpu.memref_squeeze %dma_start3A_1679 : memref<1x128x64xf32, #tpu.memory_space<hbm>> -> memref<128x64xf32, #tpu.memory_space<hbm>>
      %dma_start3A_1681 = arith.constant 0 : i32
      %dma_start3A_1682 = arith.constant 0 : i32
      %dma_start3A_1683 = tpu.memref_slice %arg4[%add3A_1670, %dma_start3A_1681, %dma_start3A_1682] : memref<6400x128x128xf32, #tpu.memory_space<hbm>> -> memref<1x128x64xf32, #tpu.memory_space<hbm>>
      %dma_start3A_1684 = tpu.memref_squeeze %dma_start3A_1683 : memref<1x128x64xf32, #tpu.memory_space<hbm>> -> memref<128x64xf32, #tpu.memory_space<hbm>>
      %dma_start3A_1685 = arith.constant 0 : i32
      %dma_start3A_1686 = arith.constant 0 : i32
      %dma_start3A_1687 = tpu.memref_slice %arg6[%dma_start3A_1671, %dma_start3A_1672, %dma_start3A_1685, %dma_start3A_1686] : memref<2x4x128x64xf32, #tpu.memory_space<vmem>> -> memref<1x1x128x64xf32, #tpu.memory_space<vmem>>
      %dma_start3A_1688 = tpu.memref_squeeze %dma_start3A_1687 : memref<1x1x128x64xf32, #tpu.memory_space<vmem>> -> memref<128x64xf32, #tpu.memory_space<vmem>>
      tpu.enqueue_dma source(%dma_start3A_1688 : memref<128x64xf32, #tpu.memory_space<vmem>>) target(%dma_start3A_1684 : memref<128x64xf32, #tpu.memory_space<hbm>>) target_semaphore(%arg10 : memref<!tpu.dma_semaphore, #tpu.memory_space<semaphore_mem>>)
    }
    %scan3A_521 = arith.constant 23 : i32
    %dma_wait3A_522 = arith.constant 0 : i32
    %dma_wait3A_523 = arith.constant 0 : i32
    %dma_wait3A_524 = arith.constant 0 : i32
    %dma_wait3A_525 = arith.constant 0 : i32
    %dma_wait3A_526 = tpu.memref_slice %arg6[%dma_wait3A_522, %dma_wait3A_523, %dma_wait3A_524, %dma_wait3A_525] : memref<2x4x128x64xf32, #tpu.memory_space<vmem>> -> memref<1x1x128x64xf32, #tpu.memory_space<vmem>>
    %dma_wait3A_527 = tpu.memref_squeeze %dma_wait3A_526 : memref<1x1x128x64xf32, #tpu.memory_space<vmem>> -> memref<128x64xf32, #tpu.memory_space<vmem>>
    %dma_wait3A_528 = arith.constant 0 : i32
    %dma_wait3A_529 = arith.constant 0 : i32
    %dma_wait3A_530 = tpu.memref_slice %arg3[%dma_wait3A_528, %dma_wait3A_529] : memref<2000000x64xf32, #tpu.memory_space<hbm>> -> memref<128x64xf32, #tpu.memory_space<hbm>>
    %dma_wait3A_531 = arith.constant 0 : i32
    %dma_wait3A_532 = arith.constant 0 : i32
    %dma_wait3A_533 = tpu.memref_slice %arg6[%dma_wait3A_522, %dma_wait3A_523, %dma_wait3A_531, %dma_wait3A_532] : memref<2x4x128x64xf32, #tpu.memory_space<vmem>> -> memref<1x1x128x64xf32, #tpu.memory_space<vmem>>
    %dma_wait3A_534 = tpu.memref_squeeze %dma_wait3A_533 : memref<1x1x128x64xf32, #tpu.memory_space<vmem>> -> memref<128x64xf32, #tpu.memory_space<vmem>>
    %dma_wait3A_535 = arith.constant 0 : i32
    %dma_wait3A_536 = arith.constant 0 : i32
    %dma_wait3A_537 = tpu.memref_slice %arg3[%dma_wait3A_535, %dma_wait3A_536] : memref<2000000x64xf32, #tpu.memory_space<hbm>> -> memref<128x64xf32, #tpu.memory_space<hbm>>
    tpu.wait_dma2 semaphore(%arg7 : memref<!tpu.dma_semaphore, #tpu.memory_space<semaphore_mem>>) src(%dma_wait3A_537 : memref<128x64xf32, #tpu.memory_space<hbm>>) dst(%dma_wait3A_534 : memref<128x64xf32, #tpu.memory_space<vmem>>)
    %dma_wait3A_538 = arith.constant 0 : i32
    %dma_wait3A_539 = arith.constant 1 : i32
    %dma_wait3A_540 = arith.constant 0 : i32
    %dma_wait3A_541 = arith.constant 0 : i32
    %dma_wait3A_542 = tpu.memref_slice %arg6[%dma_wait3A_538, %dma_wait3A_539, %dma_wait3A_540, %dma_wait3A_541] : memref<2x4x128x64xf32, #tpu.memory_space<vmem>> -> memref<1x1x128x64xf32, #tpu.memory_space<vmem>>
    %dma_wait3A_543 = tpu.memref_squeeze %dma_wait3A_542 : memref<1x1x128x64xf32, #tpu.memory_space<vmem>> -> memref<128x64xf32, #tpu.memory_space<vmem>>
    %dma_wait3A_544 = arith.constant 0 : i32
    %dma_wait3A_545 = arith.constant 0 : i32
    %dma_wait3A_546 = tpu.memref_slice %arg3[%dma_wait3A_544, %dma_wait3A_545] : memref<2000000x64xf32, #tpu.memory_space<hbm>> -> memref<128x64xf32, #tpu.memory_space<hbm>>
    %dma_wait3A_547 = arith.constant 0 : i32
    %dma_wait3A_548 = arith.constant 0 : i32
    %dma_wait3A_549 = tpu.memref_slice %arg6[%dma_wait3A_538, %dma_wait3A_539, %dma_wait3A_547, %dma_wait3A_548] : memref<2x4x128x64xf32, #tpu.memory_space<vmem>> -> memref<1x1x128x64xf32, #tpu.memory_space<vmem>>
    %dma_wait3A_550 = tpu.memref_squeeze %dma_wait3A_549 : memref<1x1x128x64xf32, #tpu.memory_space<vmem>> -> memref<128x64xf32, #tpu.memory_space<vmem>>
    %dma_wait3A_551 = arith.constant 0 : i32
    %dma_wait3A_552 = arith.constant 0 : i32
    %dma_wait3A_553 = tpu.memref_slice %arg3[%dma_wait3A_551, %dma_wait3A_552] : memref<2000000x64xf32, #tpu.memory_space<hbm>> -> memref<128x64xf32, #tpu.memory_space<hbm>>
    tpu.wait_dma2 semaphore(%arg7 : memref<!tpu.dma_semaphore, #tpu.memory_space<semaphore_mem>>) src(%dma_wait3A_553 : memref<128x64xf32, #tpu.memory_space<hbm>>) dst(%dma_wait3A_550 : memref<128x64xf32, #tpu.memory_space<vmem>>)
    %dma_wait3A_554 = arith.constant 0 : i32
    %dma_wait3A_555 = arith.constant 2 : i32
    %dma_wait3A_556 = arith.constant 0 : i32
    %dma_wait3A_557 = arith.constant 0 : i32
    %dma_wait3A_558 = tpu.memref_slice %arg6[%dma_wait3A_554, %dma_wait3A_555, %dma_wait3A_556, %dma_wait3A_557] : memref<2x4x128x64xf32, #tpu.memory_space<vmem>> -> memref<1x1x128x64xf32, #tpu.memory_space<vmem>>
    %dma_wait3A_559 = tpu.memref_squeeze %dma_wait3A_558 : memref<1x1x128x64xf32, #tpu.memory_space<vmem>> -> memref<128x64xf32, #tpu.memory_space<vmem>>
    %dma_wait3A_560 = arith.constant 0 : i32
    %dma_wait3A_561 = arith.constant 0 : i32
    %dma_wait3A_562 = tpu.memref_slice %arg3[%dma_wait3A_560, %dma_wait3A_561] : memref<2000000x64xf32, #tpu.memory_space<hbm>> -> memref<128x64xf32, #tpu.memory_space<hbm>>
    %dma_wait3A_563 = arith.constant 0 : i32
    %dma_wait3A_564 = arith.constant 0 : i32
    %dma_wait3A_565 = tpu.memref_slice %arg6[%dma_wait3A_554, %dma_wait3A_555, %dma_wait3A_563, %dma_wait3A_564] : memref<2x4x128x64xf32, #tpu.memory_space<vmem>> -> memref<1x1x128x64xf32, #tpu.memory_space<vmem>>
    %dma_wait3A_566 = tpu.memref_squeeze %dma_wait3A_565 : memref<1x1x128x64xf32, #tpu.memory_space<vmem>> -> memref<128x64xf32, #tpu.memory_space<vmem>>
    %dma_wait3A_567 = arith.constant 0 : i32
    %dma_wait3A_568 = arith.constant 0 : i32
    %dma_wait3A_569 = tpu.memref_slice %arg3[%dma_wait3A_567, %dma_wait3A_568] : memref<2000000x64xf32, #tpu.memory_space<hbm>> -> memref<128x64xf32, #tpu.memory_space<hbm>>
    tpu.wait_dma2 semaphore(%arg7 : memref<!tpu.dma_semaphore, #tpu.memory_space<semaphore_mem>>) src(%dma_wait3A_569 : memref<128x64xf32, #tpu.memory_space<hbm>>) dst(%dma_wait3A_566 : memref<128x64xf32, #tpu.memory_space<vmem>>)
    %dma_wait3A_570 = arith.constant 0 : i32
    %dma_wait3A_571 = arith.constant 3 : i32
    %dma_wait3A_572 = arith.constant 0 : i32
    %dma_wait3A_573 = arith.constant 0 : i32
    %dma_wait3A_574 = tpu.memref_slice %arg6[%dma_wait3A_570, %dma_wait3A_571, %dma_wait3A_572, %dma_wait3A_573] : memref<2x4x128x64xf32, #tpu.memory_space<vmem>> -> memref<1x1x128x64xf32, #tpu.memory_space<vmem>>
    %dma_wait3A_575 = tpu.memref_squeeze %dma_wait3A_574 : memref<1x1x128x64xf32, #tpu.memory_space<vmem>> -> memref<128x64xf32, #tpu.memory_space<vmem>>
    %dma_wait3A_576 = arith.constant 0 : i32
    %dma_wait3A_577 = arith.constant 0 : i32
    %dma_wait3A_578 = tpu.memref_slice %arg3[%dma_wait3A_576, %dma_wait3A_577] : memref<2000000x64xf32, #tpu.memory_space<hbm>> -> memref<128x64xf32, #tpu.memory_space<hbm>>
    %dma_wait3A_579 = arith.constant 0 : i32
    %dma_wait3A_580 = arith.constant 0 : i32
    %dma_wait3A_581 = tpu.memref_slice %arg6[%dma_wait3A_570, %dma_wait3A_571, %dma_wait3A_579, %dma_wait3A_580] : memref<2x4x128x64xf32, #tpu.memory_space<vmem>> -> memref<1x1x128x64xf32, #tpu.memory_space<vmem>>
    %dma_wait3A_582 = tpu.memref_squeeze %dma_wait3A_581 : memref<1x1x128x64xf32, #tpu.memory_space<vmem>> -> memref<128x64xf32, #tpu.memory_space<vmem>>
    %dma_wait3A_583 = arith.constant 0 : i32
    %dma_wait3A_584 = arith.constant 0 : i32
    %dma_wait3A_585 = tpu.memref_slice %arg3[%dma_wait3A_583, %dma_wait3A_584] : memref<2000000x64xf32, #tpu.memory_space<hbm>> -> memref<128x64xf32, #tpu.memory_space<hbm>>
    tpu.wait_dma2 semaphore(%arg7 : memref<!tpu.dma_semaphore, #tpu.memory_space<semaphore_mem>>) src(%dma_wait3A_585 : memref<128x64xf32, #tpu.memory_space<hbm>>) dst(%dma_wait3A_582 : memref<128x64xf32, #tpu.memory_space<vmem>>)
    %dma_wait3A_586 = arith.constant 1 : i32
    %dma_wait3A_587 = arith.constant 0 : i32
    %dma_wait3A_588 = arith.constant 0 : i32
    %dma_wait3A_589 = arith.constant 0 : i32
    %dma_wait3A_590 = tpu.memref_slice %arg6[%dma_wait3A_586, %dma_wait3A_587, %dma_wait3A_588, %dma_wait3A_589] : memref<2x4x128x64xf32, #tpu.memory_space<vmem>> -> memref<1x1x128x64xf32, #tpu.memory_space<vmem>>
    %dma_wait3A_591 = tpu.memref_squeeze %dma_wait3A_590 : memref<1x1x128x64xf32, #tpu.memory_space<vmem>> -> memref<128x64xf32, #tpu.memory_space<vmem>>
    %dma_wait3A_592 = arith.constant 0 : i32
    %dma_wait3A_593 = arith.constant 0 : i32
    %dma_wait3A_594 = tpu.memref_slice %arg4[%mul3A_2, %dma_wait3A_592, %dma_wait3A_593] : memref<6400x128x128xf32, #tpu.memory_space<hbm>> -> memref<1x128x64xf32, #tpu.memory_space<hbm>>
    %dma_wait3A_595 = tpu.memref_squeeze %dma_wait3A_594 : memref<1x128x64xf32, #tpu.memory_space<hbm>> -> memref<128x64xf32, #tpu.memory_space<hbm>>
    %dma_wait3A_596 = arith.constant 0 : i32
    %dma_wait3A_597 = arith.constant 0 : i32
    %dma_wait3A_598 = tpu.memref_slice %arg4[%mul3A_2, %dma_wait3A_596, %dma_wait3A_597] : memref<6400x128x128xf32, #tpu.memory_space<hbm>> -> memref<1x128x64xf32, #tpu.memory_space<hbm>>
    %dma_wait3A_599 = tpu.memref_squeeze %dma_wait3A_598 : memref<1x128x64xf32, #tpu.memory_space<hbm>> -> memref<128x64xf32, #tpu.memory_space<hbm>>
    %dma_wait3A_600 = arith.constant 0 : i32
    %dma_wait3A_601 = arith.constant 0 : i32
    %dma_wait3A_602 = tpu.memref_slice %arg6[%dma_wait3A_586, %dma_wait3A_587, %dma_wait3A_600, %dma_wait3A_601] : memref<2x4x128x64xf32, #tpu.memory_space<vmem>> -> memref<1x1x128x64xf32, #tpu.memory_space<vmem>>
    %dma_wait3A_603 = tpu.memref_squeeze %dma_wait3A_602 : memref<1x1x128x64xf32, #tpu.memory_space<vmem>> -> memref<128x64xf32, #tpu.memory_space<vmem>>
    tpu.wait_dma2 semaphore(%arg10 : memref<!tpu.dma_semaphore, #tpu.memory_space<semaphore_mem>>) src(%dma_wait3A_603 : memref<128x64xf32, #tpu.memory_space<vmem>>) dst(%dma_wait3A_599 : memref<128x64xf32, #tpu.memory_space<hbm>>)
    %dma_wait3A_604 = arith.constant 1 : i32
    %dma_wait3A_605 = arith.constant 1 : i32
    %dma_wait3A_606 = arith.constant 0 : i32
    %dma_wait3A_607 = arith.constant 0 : i32
    %dma_wait3A_608 = tpu.memref_slice %arg6[%dma_wait3A_604, %dma_wait3A_605, %dma_wait3A_606, %dma_wait3A_607] : memref<2x4x128x64xf32, #tpu.memory_space<vmem>> -> memref<1x1x128x64xf32, #tpu.memory_space<vmem>>
    %dma_wait3A_609 = tpu.memref_squeeze %dma_wait3A_608 : memref<1x1x128x64xf32, #tpu.memory_space<vmem>> -> memref<128x64xf32, #tpu.memory_space<vmem>>
    %dma_wait3A_610 = arith.constant 0 : i32
    %dma_wait3A_611 = arith.constant 0 : i32
    %dma_wait3A_612 = tpu.memref_slice %arg4[%mul3A_2, %dma_wait3A_610, %dma_wait3A_611] : memref<6400x128x128xf32, #tpu.memory_space<hbm>> -> memref<1x128x64xf32, #tpu.memory_space<hbm>>
    %dma_wait3A_613 = tpu.memref_squeeze %dma_wait3A_612 : memref<1x128x64xf32, #tpu.memory_space<hbm>> -> memref<128x64xf32, #tpu.memory_space<hbm>>
    %dma_wait3A_614 = arith.constant 0 : i32
    %dma_wait3A_615 = arith.constant 0 : i32
    %dma_wait3A_616 = tpu.memref_slice %arg4[%mul3A_2, %dma_wait3A_614, %dma_wait3A_615] : memref<6400x128x128xf32, #tpu.memory_space<hbm>> -> memref<1x128x64xf32, #tpu.memory_space<hbm>>
    %dma_wait3A_617 = tpu.memref_squeeze %dma_wait3A_616 : memref<1x128x64xf32, #tpu.memory_space<hbm>> -> memref<128x64xf32, #tpu.memory_space<hbm>>
    %dma_wait3A_618 = arith.constant 0 : i32
    %dma_wait3A_619 = arith.constant 0 : i32
    %dma_wait3A_620 = tpu.memref_slice %arg6[%dma_wait3A_604, %dma_wait3A_605, %dma_wait3A_618, %dma_wait3A_619] : memref<2x4x128x64xf32, #tpu.memory_space<vmem>> -> memref<1x1x128x64xf32, #tpu.memory_space<vmem>>
    %dma_wait3A_621 = tpu.memref_squeeze %dma_wait3A_620 : memref<1x1x128x64xf32, #tpu.memory_space<vmem>> -> memref<128x64xf32, #tpu.memory_space<vmem>>
    tpu.wait_dma2 semaphore(%arg10 : memref<!tpu.dma_semaphore, #tpu.memory_space<semaphore_mem>>) src(%dma_wait3A_621 : memref<128x64xf32, #tpu.memory_space<vmem>>) dst(%dma_wait3A_617 : memref<128x64xf32, #tpu.memory_space<hbm>>)
    %dma_wait3A_622 = arith.constant 1 : i32
    %dma_wait3A_623 = arith.constant 2 : i32
    %dma_wait3A_624 = arith.constant 0 : i32
    %dma_wait3A_625 = arith.constant 0 : i32
    %dma_wait3A_626 = tpu.memref_slice %arg6[%dma_wait3A_622, %dma_wait3A_623, %dma_wait3A_624, %dma_wait3A_625] : memref<2x4x128x64xf32, #tpu.memory_space<vmem>> -> memref<1x1x128x64xf32, #tpu.memory_space<vmem>>
    %dma_wait3A_627 = tpu.memref_squeeze %dma_wait3A_626 : memref<1x1x128x64xf32, #tpu.memory_space<vmem>> -> memref<128x64xf32, #tpu.memory_space<vmem>>
    %dma_wait3A_628 = arith.constant 0 : i32
    %dma_wait3A_629 = arith.constant 0 : i32
    %dma_wait3A_630 = tpu.memref_slice %arg4[%mul3A_2, %dma_wait3A_628, %dma_wait3A_629] : memref<6400x128x128xf32, #tpu.memory_space<hbm>> -> memref<1x128x64xf32, #tpu.memory_space<hbm>>
    %dma_wait3A_631 = tpu.memref_squeeze %dma_wait3A_630 : memref<1x128x64xf32, #tpu.memory_space<hbm>> -> memref<128x64xf32, #tpu.memory_space<hbm>>
    %dma_wait3A_632 = arith.constant 0 : i32
    %dma_wait3A_633 = arith.constant 0 : i32
    %dma_wait3A_634 = tpu.memref_slice %arg4[%mul3A_2, %dma_wait3A_632, %dma_wait3A_633] : memref<6400x128x128xf32, #tpu.memory_space<hbm>> -> memref<1x128x64xf32, #tpu.memory_space<hbm>>
    %dma_wait3A_635 = tpu.memref_squeeze %dma_wait3A_634 : memref<1x128x64xf32, #tpu.memory_space<hbm>> -> memref<128x64xf32, #tpu.memory_space<hbm>>
    %dma_wait3A_636 = arith.constant 0 : i32
    %dma_wait3A_637 = arith.constant 0 : i32
    %dma_wait3A_638 = tpu.memref_slice %arg6[%dma_wait3A_622, %dma_wait3A_623, %dma_wait3A_636, %dma_wait3A_637] : memref<2x4x128x64xf32, #tpu.memory_space<vmem>> -> memref<1x1x128x64xf32, #tpu.memory_space<vmem>>
    %dma_wait3A_639 = tpu.memref_squeeze %dma_wait3A_638 : memref<1x1x128x64xf32, #tpu.memory_space<vmem>> -> memref<128x64xf32, #tpu.memory_space<vmem>>
    tpu.wait_dma2 semaphore(%arg10 : memref<!tpu.dma_semaphore, #tpu.memory_space<semaphore_mem>>) src(%dma_wait3A_639 : memref<128x64xf32, #tpu.memory_space<vmem>>) dst(%dma_wait3A_635 : memref<128x64xf32, #tpu.memory_space<hbm>>)
    %dma_wait3A_640 = arith.constant 1 : i32
    %dma_wait3A_641 = arith.constant 3 : i32
    %dma_wait3A_642 = arith.constant 0 : i32
    %dma_wait3A_643 = arith.constant 0 : i32
    %dma_wait3A_644 = tpu.memref_slice %arg6[%dma_wait3A_640, %dma_wait3A_641, %dma_wait3A_642, %dma_wait3A_643] : memref<2x4x128x64xf32, #tpu.memory_space<vmem>> -> memref<1x1x128x64xf32, #tpu.memory_space<vmem>>
    %dma_wait3A_645 = tpu.memref_squeeze %dma_wait3A_644 : memref<1x1x128x64xf32, #tpu.memory_space<vmem>> -> memref<128x64xf32, #tpu.memory_space<vmem>>
    %dma_wait3A_646 = arith.constant 0 : i32
    %dma_wait3A_647 = arith.constant 0 : i32
    %dma_wait3A_648 = tpu.memref_slice %arg4[%mul3A_2, %dma_wait3A_646, %dma_wait3A_647] : memref<6400x128x128xf32, #tpu.memory_space<hbm>> -> memref<1x128x64xf32, #tpu.memory_space<hbm>>
    %dma_wait3A_649 = tpu.memref_squeeze %dma_wait3A_648 : memref<1x128x64xf32, #tpu.memory_space<hbm>> -> memref<128x64xf32, #tpu.memory_space<hbm>>
    %dma_wait3A_650 = arith.constant 0 : i32
    %dma_wait3A_651 = arith.constant 0 : i32
    %dma_wait3A_652 = tpu.memref_slice %arg4[%mul3A_2, %dma_wait3A_650, %dma_wait3A_651] : memref<6400x128x128xf32, #tpu.memory_space<hbm>> -> memref<1x128x64xf32, #tpu.memory_space<hbm>>
    %dma_wait3A_653 = tpu.memref_squeeze %dma_wait3A_652 : memref<1x128x64xf32, #tpu.memory_space<hbm>> -> memref<128x64xf32, #tpu.memory_space<hbm>>
    %dma_wait3A_654 = arith.constant 0 : i32
    %dma_wait3A_655 = arith.constant 0 : i32
    %dma_wait3A_656 = tpu.memref_slice %arg6[%dma_wait3A_640, %dma_wait3A_641, %dma_wait3A_654, %dma_wait3A_655] : memref<2x4x128x64xf32, #tpu.memory_space<vmem>> -> memref<1x1x128x64xf32, #tpu.memory_space<vmem>>
    %dma_wait3A_657 = tpu.memref_squeeze %dma_wait3A_656 : memref<1x1x128x64xf32, #tpu.memory_space<vmem>> -> memref<128x64xf32, #tpu.memory_space<vmem>>
    tpu.wait_dma2 semaphore(%arg10 : memref<!tpu.dma_semaphore, #tpu.memory_space<semaphore_mem>>) src(%dma_wait3A_657 : memref<128x64xf32, #tpu.memory_space<vmem>>) dst(%dma_wait3A_653 : memref<128x64xf32, #tpu.memory_space<hbm>>)
    %dma_start3A_658 = arith.constant 196 : i32
    %dma_start3A_659 = arith.constant 1 : i32
    %dma_start3A_660 = arith.constant 0 : i32
    %dma_start3A_661 = arith.constant 0 : i32
    %dma_start3A_662 = arith.constant 0 : i32
    %dma_start3A_663 = tpu.memref_slice %arg6[%dma_start3A_659, %dma_start3A_660, %dma_start3A_661, %dma_start3A_662] : memref<2x4x128x64xf32, #tpu.memory_space<vmem>> -> memref<1x1x128x64xf32, #tpu.memory_space<vmem>>
    %dma_start3A_664 = tpu.memref_squeeze %dma_start3A_663 : memref<1x1x128x64xf32, #tpu.memory_space<vmem>> -> memref<128x64xf32, #tpu.memory_space<vmem>>
    %dma_start3A_665 = arith.constant 0 : i32
    %dma_start3A_666 = tpu.memref_slice %arg5[%dma_start3A_658, %dma_start3A_665] : memref<200x128xi32, #tpu.memory_space<vmem>> -> memref<1x128xi32, #tpu.memory_space<vmem>>
    %dma_start3A_667 = tpu.memref_squeeze %dma_start3A_666 : memref<1x128xi32, #tpu.memory_space<vmem>> -> memref<128xi32, #tpu.memory_space<vmem>>
    %dma_start3A_668 = arith.constant 0 : i32
    %dma_start3A_669 = arith.constant 0 : i32
    %dma_start3A_670 = tpu.memref_slice %arg3[%dma_start3A_668, %dma_start3A_669] : memref<2000000x64xf32, #tpu.memory_space<hbm>> -> memref<2000000x64xf32, #tpu.memory_space<hbm>>
    tpu.enqueue_indirect_dma source(%dma_start3A_670 : memref<2000000x64xf32, #tpu.memory_space<hbm>>) target(%dma_start3A_664 : memref<128x64xf32, #tpu.memory_space<vmem>>) offsets(%dma_start3A_667 : memref<128xi32, #tpu.memory_space<vmem>>) semaphore(%arg8 : memref<!tpu.dma_semaphore, #tpu.memory_space<semaphore_mem>>)
    %dma_start3A_671 = arith.constant 197 : i32
    %dma_start3A_672 = arith.constant 1 : i32
    %dma_start3A_673 = arith.constant 1 : i32
    %dma_start3A_674 = arith.constant 0 : i32
    %dma_start3A_675 = arith.constant 0 : i32
    %dma_start3A_676 = tpu.memref_slice %arg6[%dma_start3A_672, %dma_start3A_673, %dma_start3A_674, %dma_start3A_675] : memref<2x4x128x64xf32, #tpu.memory_space<vmem>> -> memref<1x1x128x64xf32, #tpu.memory_space<vmem>>
    %dma_start3A_677 = tpu.memref_squeeze %dma_start3A_676 : memref<1x1x128x64xf32, #tpu.memory_space<vmem>> -> memref<128x64xf32, #tpu.memory_space<vmem>>
    %dma_start3A_678 = arith.constant 0 : i32
    %dma_start3A_679 = tpu.memref_slice %arg5[%dma_start3A_671, %dma_start3A_678] : memref<200x128xi32, #tpu.memory_space<vmem>> -> memref<1x128xi32, #tpu.memory_space<vmem>>
    %dma_start3A_680 = tpu.memref_squeeze %dma_start3A_679 : memref<1x128xi32, #tpu.memory_space<vmem>> -> memref<128xi32, #tpu.memory_space<vmem>>
    %dma_start3A_681 = arith.constant 0 : i32
    %dma_start3A_682 = arith.constant 0 : i32
    %dma_start3A_683 = tpu.memref_slice %arg3[%dma_start3A_681, %dma_start3A_682] : memref<2000000x64xf32, #tpu.memory_space<hbm>> -> memref<2000000x64xf32, #tpu.memory_space<hbm>>
    tpu.enqueue_indirect_dma source(%dma_start3A_683 : memref<2000000x64xf32, #tpu.memory_space<hbm>>) target(%dma_start3A_677 : memref<128x64xf32, #tpu.memory_space<vmem>>) offsets(%dma_start3A_680 : memref<128xi32, #tpu.memory_space<vmem>>) semaphore(%arg8 : memref<!tpu.dma_semaphore, #tpu.memory_space<semaphore_mem>>)
    %dma_start3A_684 = arith.constant 198 : i32
    %dma_start3A_685 = arith.constant 1 : i32
    %dma_start3A_686 = arith.constant 2 : i32
    %dma_start3A_687 = arith.constant 0 : i32
    %dma_start3A_688 = arith.constant 0 : i32
    %dma_start3A_689 = tpu.memref_slice %arg6[%dma_start3A_685, %dma_start3A_686, %dma_start3A_687, %dma_start3A_688] : memref<2x4x128x64xf32, #tpu.memory_space<vmem>> -> memref<1x1x128x64xf32, #tpu.memory_space<vmem>>
    %dma_start3A_690 = tpu.memref_squeeze %dma_start3A_689 : memref<1x1x128x64xf32, #tpu.memory_space<vmem>> -> memref<128x64xf32, #tpu.memory_space<vmem>>
    %dma_start3A_691 = arith.constant 0 : i32
    %dma_start3A_692 = tpu.memref_slice %arg5[%dma_start3A_684, %dma_start3A_691] : memref<200x128xi32, #tpu.memory_space<vmem>> -> memref<1x128xi32, #tpu.memory_space<vmem>>
    %dma_start3A_693 = tpu.memref_squeeze %dma_start3A_692 : memref<1x128xi32, #tpu.memory_space<vmem>> -> memref<128xi32, #tpu.memory_space<vmem>>
    %dma_start3A_694 = arith.constant 0 : i32
    %dma_start3A_695 = arith.constant 0 : i32
    %dma_start3A_696 = tpu.memref_slice %arg3[%dma_start3A_694, %dma_start3A_695] : memref<2000000x64xf32, #tpu.memory_space<hbm>> -> memref<2000000x64xf32, #tpu.memory_space<hbm>>
    tpu.enqueue_indirect_dma source(%dma_start3A_696 : memref<2000000x64xf32, #tpu.memory_space<hbm>>) target(%dma_start3A_690 : memref<128x64xf32, #tpu.memory_space<vmem>>) offsets(%dma_start3A_693 : memref<128xi32, #tpu.memory_space<vmem>>) semaphore(%arg8 : memref<!tpu.dma_semaphore, #tpu.memory_space<semaphore_mem>>)
    %dma_start3A_697 = arith.constant 199 : i32
    %dma_start3A_698 = arith.constant 1 : i32
    %dma_start3A_699 = arith.constant 3 : i32
    %dma_start3A_700 = arith.constant 0 : i32
    %dma_start3A_701 = arith.constant 0 : i32
    %dma_start3A_702 = tpu.memref_slice %arg6[%dma_start3A_698, %dma_start3A_699, %dma_start3A_700, %dma_start3A_701] : memref<2x4x128x64xf32, #tpu.memory_space<vmem>> -> memref<1x1x128x64xf32, #tpu.memory_space<vmem>>
    %dma_start3A_703 = tpu.memref_squeeze %dma_start3A_702 : memref<1x1x128x64xf32, #tpu.memory_space<vmem>> -> memref<128x64xf32, #tpu.memory_space<vmem>>
    %dma_start3A_704 = arith.constant 0 : i32
    %dma_start3A_705 = tpu.memref_slice %arg5[%dma_start3A_697, %dma_start3A_704] : memref<200x128xi32, #tpu.memory_space<vmem>> -> memref<1x128xi32, #tpu.memory_space<vmem>>
    %dma_start3A_706 = tpu.memref_squeeze %dma_start3A_705 : memref<1x128xi32, #tpu.memory_space<vmem>> -> memref<128xi32, #tpu.memory_space<vmem>>
    %dma_start3A_707 = arith.constant 0 : i32
    %dma_start3A_708 = arith.constant 0 : i32
    %dma_start3A_709 = tpu.memref_slice %arg3[%dma_start3A_707, %dma_start3A_708] : memref<2000000x64xf32, #tpu.memory_space<hbm>> -> memref<2000000x64xf32, #tpu.memory_space<hbm>>
    tpu.enqueue_indirect_dma source(%dma_start3A_709 : memref<2000000x64xf32, #tpu.memory_space<hbm>>) target(%dma_start3A_703 : memref<128x64xf32, #tpu.memory_space<vmem>>) offsets(%dma_start3A_706 : memref<128xi32, #tpu.memory_space<vmem>>) semaphore(%arg8 : memref<!tpu.dma_semaphore, #tpu.memory_space<semaphore_mem>>)
    %add3A_710 = arith.constant 192 : i32
    %add3A_711 = arith.addi %mul3A_2, %add3A_710 : i32
    %dma_start3A_712 = arith.constant 0 : i32
    %dma_start3A_713 = arith.constant 0 : i32
    %dma_start3A_714 = arith.constant 0 : i32
    %dma_start3A_715 = arith.constant 0 : i32
    %dma_start3A_716 = tpu.memref_slice %arg6[%dma_start3A_712, %dma_start3A_713, %dma_start3A_714, %dma_start3A_715] : memref<2x4x128x64xf32, #tpu.memory_space<vmem>> -> memref<1x1x128x64xf32, #tpu.memory_space<vmem>>
    %dma_start3A_717 = tpu.memref_squeeze %dma_start3A_716 : memref<1x1x128x64xf32, #tpu.memory_space<vmem>> -> memref<128x64xf32, #tpu.memory_space<vmem>>
    %dma_start3A_718 = arith.constant 0 : i32
    %dma_start3A_719 = arith.constant 0 : i32
    %dma_start3A_720 = tpu.memref_slice %arg4[%add3A_711, %dma_start3A_718, %dma_start3A_719] : memref<6400x128x128xf32, #tpu.memory_space<hbm>> -> memref<1x128x64xf32, #tpu.memory_space<hbm>>
    %dma_start3A_721 = tpu.memref_squeeze %dma_start3A_720 : memref<1x128x64xf32, #tpu.memory_space<hbm>> -> memref<128x64xf32, #tpu.memory_space<hbm>>
    %dma_start3A_722 = arith.constant 0 : i32
    %dma_start3A_723 = arith.constant 0 : i32
    %dma_start3A_724 = tpu.memref_slice %arg4[%add3A_711, %dma_start3A_722, %dma_start3A_723] : memref<6400x128x128xf32, #tpu.memory_space<hbm>> -> memref<1x128x64xf32, #tpu.memory_space<hbm>>
    %dma_start3A_725 = tpu.memref_squeeze %dma_start3A_724 : memref<1x128x64xf32, #tpu.memory_space<hbm>> -> memref<128x64xf32, #tpu.memory_space<hbm>>
    %dma_start3A_726 = arith.constant 0 : i32
    %dma_start3A_727 = arith.constant 0 : i32
    %dma_start3A_728 = tpu.memref_slice %arg6[%dma_start3A_712, %dma_start3A_713, %dma_start3A_726, %dma_start3A_727] : memref<2x4x128x64xf32, #tpu.memory_space<vmem>> -> memref<1x1x128x64xf32, #tpu.memory_space<vmem>>
    %dma_start3A_729 = tpu.memref_squeeze %dma_start3A_728 : memref<1x1x128x64xf32, #tpu.memory_space<vmem>> -> memref<128x64xf32, #tpu.memory_space<vmem>>
    tpu.enqueue_dma source(%dma_start3A_729 : memref<128x64xf32, #tpu.memory_space<vmem>>) target(%dma_start3A_725 : memref<128x64xf32, #tpu.memory_space<hbm>>) target_semaphore(%arg9 : memref<!tpu.dma_semaphore, #tpu.memory_space<semaphore_mem>>)
    %add3A_730 = arith.constant 193 : i32
    %add3A_731 = arith.addi %mul3A_2, %add3A_730 : i32
    %dma_start3A_732 = arith.constant 0 : i32
    %dma_start3A_733 = arith.constant 1 : i32
    %dma_start3A_734 = arith.constant 0 : i32
    %dma_start3A_735 = arith.constant 0 : i32
    %dma_start3A_736 = tpu.memref_slice %arg6[%dma_start3A_732, %dma_start3A_733, %dma_start3A_734, %dma_start3A_735] : memref<2x4x128x64xf32, #tpu.memory_space<vmem>> -> memref<1x1x128x64xf32, #tpu.memory_space<vmem>>
    %dma_start3A_737 = tpu.memref_squeeze %dma_start3A_736 : memref<1x1x128x64xf32, #tpu.memory_space<vmem>> -> memref<128x64xf32, #tpu.memory_space<vmem>>
    %dma_start3A_738 = arith.constant 0 : i32
    %dma_start3A_739 = arith.constant 0 : i32
    %dma_start3A_740 = tpu.memref_slice %arg4[%add3A_731, %dma_start3A_738, %dma_start3A_739] : memref<6400x128x128xf32, #tpu.memory_space<hbm>> -> memref<1x128x64xf32, #tpu.memory_space<hbm>>
    %dma_start3A_741 = tpu.memref_squeeze %dma_start3A_740 : memref<1x128x64xf32, #tpu.memory_space<hbm>> -> memref<128x64xf32, #tpu.memory_space<hbm>>
    %dma_start3A_742 = arith.constant 0 : i32
    %dma_start3A_743 = arith.constant 0 : i32
    %dma_start3A_744 = tpu.memref_slice %arg4[%add3A_731, %dma_start3A_742, %dma_start3A_743] : memref<6400x128x128xf32, #tpu.memory_space<hbm>> -> memref<1x128x64xf32, #tpu.memory_space<hbm>>
    %dma_start3A_745 = tpu.memref_squeeze %dma_start3A_744 : memref<1x128x64xf32, #tpu.memory_space<hbm>> -> memref<128x64xf32, #tpu.memory_space<hbm>>
    %dma_start3A_746 = arith.constant 0 : i32
    %dma_start3A_747 = arith.constant 0 : i32
    %dma_start3A_748 = tpu.memref_slice %arg6[%dma_start3A_732, %dma_start3A_733, %dma_start3A_746, %dma_start3A_747] : memref<2x4x128x64xf32, #tpu.memory_space<vmem>> -> memref<1x1x128x64xf32, #tpu.memory_space<vmem>>
    %dma_start3A_749 = tpu.memref_squeeze %dma_start3A_748 : memref<1x1x128x64xf32, #tpu.memory_space<vmem>> -> memref<128x64xf32, #tpu.memory_space<vmem>>
    tpu.enqueue_dma source(%dma_start3A_749 : memref<128x64xf32, #tpu.memory_space<vmem>>) target(%dma_start3A_745 : memref<128x64xf32, #tpu.memory_space<hbm>>) target_semaphore(%arg9 : memref<!tpu.dma_semaphore, #tpu.memory_space<semaphore_mem>>)
    %add3A_750 = arith.constant 194 : i32
    %add3A_751 = arith.addi %mul3A_2, %add3A_750 : i32
    %dma_start3A_752 = arith.constant 0 : i32
    %dma_start3A_753 = arith.constant 2 : i32
    %dma_start3A_754 = arith.constant 0 : i32
    %dma_start3A_755 = arith.constant 0 : i32
    %dma_start3A_756 = tpu.memref_slice %arg6[%dma_start3A_752, %dma_start3A_753, %dma_start3A_754, %dma_start3A_755] : memref<2x4x128x64xf32, #tpu.memory_space<vmem>> -> memref<1x1x128x64xf32, #tpu.memory_space<vmem>>
    %dma_start3A_757 = tpu.memref_squeeze %dma_start3A_756 : memref<1x1x128x64xf32, #tpu.memory_space<vmem>> -> memref<128x64xf32, #tpu.memory_space<vmem>>
    %dma_start3A_758 = arith.constant 0 : i32
    %dma_start3A_759 = arith.constant 0 : i32
    %dma_start3A_760 = tpu.memref_slice %arg4[%add3A_751, %dma_start3A_758, %dma_start3A_759] : memref<6400x128x128xf32, #tpu.memory_space<hbm>> -> memref<1x128x64xf32, #tpu.memory_space<hbm>>
    %dma_start3A_761 = tpu.memref_squeeze %dma_start3A_760 : memref<1x128x64xf32, #tpu.memory_space<hbm>> -> memref<128x64xf32, #tpu.memory_space<hbm>>
    %dma_start3A_762 = arith.constant 0 : i32
    %dma_start3A_763 = arith.constant 0 : i32
    %dma_start3A_764 = tpu.memref_slice %arg4[%add3A_751, %dma_start3A_762, %dma_start3A_763] : memref<6400x128x128xf32, #tpu.memory_space<hbm>> -> memref<1x128x64xf32, #tpu.memory_space<hbm>>
    %dma_start3A_765 = tpu.memref_squeeze %dma_start3A_764 : memref<1x128x64xf32, #tpu.memory_space<hbm>> -> memref<128x64xf32, #tpu.memory_space<hbm>>
    %dma_start3A_766 = arith.constant 0 : i32
    %dma_start3A_767 = arith.constant 0 : i32
    %dma_start3A_768 = tpu.memref_slice %arg6[%dma_start3A_752, %dma_start3A_753, %dma_start3A_766, %dma_start3A_767] : memref<2x4x128x64xf32, #tpu.memory_space<vmem>> -> memref<1x1x128x64xf32, #tpu.memory_space<vmem>>
    %dma_start3A_769 = tpu.memref_squeeze %dma_start3A_768 : memref<1x1x128x64xf32, #tpu.memory_space<vmem>> -> memref<128x64xf32, #tpu.memory_space<vmem>>
    tpu.enqueue_dma source(%dma_start3A_769 : memref<128x64xf32, #tpu.memory_space<vmem>>) target(%dma_start3A_765 : memref<128x64xf32, #tpu.memory_space<hbm>>) target_semaphore(%arg9 : memref<!tpu.dma_semaphore, #tpu.memory_space<semaphore_mem>>)
    %add3A_770 = arith.constant 195 : i32
    %add3A_771 = arith.addi %mul3A_2, %add3A_770 : i32
    %dma_start3A_772 = arith.constant 0 : i32
    %dma_start3A_773 = arith.constant 3 : i32
    %dma_start3A_774 = arith.constant 0 : i32
    %dma_start3A_775 = arith.constant 0 : i32
    %dma_start3A_776 = tpu.memref_slice %arg6[%dma_start3A_772, %dma_start3A_773, %dma_start3A_774, %dma_start3A_775] : memref<2x4x128x64xf32, #tpu.memory_space<vmem>> -> memref<1x1x128x64xf32, #tpu.memory_space<vmem>>
    %dma_start3A_777 = tpu.memref_squeeze %dma_start3A_776 : memref<1x1x128x64xf32, #tpu.memory_space<vmem>> -> memref<128x64xf32, #tpu.memory_space<vmem>>
    %dma_start3A_778 = arith.constant 0 : i32
    %dma_start3A_779 = arith.constant 0 : i32
    %dma_start3A_780 = tpu.memref_slice %arg4[%add3A_771, %dma_start3A_778, %dma_start3A_779] : memref<6400x128x128xf32, #tpu.memory_space<hbm>> -> memref<1x128x64xf32, #tpu.memory_space<hbm>>
    %dma_start3A_781 = tpu.memref_squeeze %dma_start3A_780 : memref<1x128x64xf32, #tpu.memory_space<hbm>> -> memref<128x64xf32, #tpu.memory_space<hbm>>
    %dma_start3A_782 = arith.constant 0 : i32
    %dma_start3A_783 = arith.constant 0 : i32
    %dma_start3A_784 = tpu.memref_slice %arg4[%add3A_771, %dma_start3A_782, %dma_start3A_783] : memref<6400x128x128xf32, #tpu.memory_space<hbm>> -> memref<1x128x64xf32, #tpu.memory_space<hbm>>
    %dma_start3A_785 = tpu.memref_squeeze %dma_start3A_784 : memref<1x128x64xf32, #tpu.memory_space<hbm>> -> memref<128x64xf32, #tpu.memory_space<hbm>>
    %dma_start3A_786 = arith.constant 0 : i32
    %dma_start3A_787 = arith.constant 0 : i32
    %dma_start3A_788 = tpu.memref_slice %arg6[%dma_start3A_772, %dma_start3A_773, %dma_start3A_786, %dma_start3A_787] : memref<2x4x128x64xf32, #tpu.memory_space<vmem>> -> memref<1x1x128x64xf32, #tpu.memory_space<vmem>>
    %dma_start3A_789 = tpu.memref_squeeze %dma_start3A_788 : memref<1x1x128x64xf32, #tpu.memory_space<vmem>> -> memref<128x64xf32, #tpu.memory_space<vmem>>
    tpu.enqueue_dma source(%dma_start3A_789 : memref<128x64xf32, #tpu.memory_space<vmem>>) target(%dma_start3A_785 : memref<128x64xf32, #tpu.memory_space<hbm>>) target_semaphore(%arg9 : memref<!tpu.dma_semaphore, #tpu.memory_space<semaphore_mem>>)
    %dma_wait3A_790 = arith.constant 1 : i32
    %dma_wait3A_791 = arith.constant 0 : i32
    %dma_wait3A_792 = arith.constant 0 : i32
    %dma_wait3A_793 = arith.constant 0 : i32
    %dma_wait3A_794 = tpu.memref_slice %arg6[%dma_wait3A_790, %dma_wait3A_791, %dma_wait3A_792, %dma_wait3A_793] : memref<2x4x128x64xf32, #tpu.memory_space<vmem>> -> memref<1x1x128x64xf32, #tpu.memory_space<vmem>>
    %dma_wait3A_795 = tpu.memref_squeeze %dma_wait3A_794 : memref<1x1x128x64xf32, #tpu.memory_space<vmem>> -> memref<128x64xf32, #tpu.memory_space<vmem>>
    %dma_wait3A_796 = arith.constant 0 : i32
    %dma_wait3A_797 = arith.constant 0 : i32
    %dma_wait3A_798 = tpu.memref_slice %arg3[%dma_wait3A_796, %dma_wait3A_797] : memref<2000000x64xf32, #tpu.memory_space<hbm>> -> memref<128x64xf32, #tpu.memory_space<hbm>>
    %dma_wait3A_799 = arith.constant 0 : i32
    %dma_wait3A_800 = arith.constant 0 : i32
    %dma_wait3A_801 = tpu.memref_slice %arg6[%dma_wait3A_790, %dma_wait3A_791, %dma_wait3A_799, %dma_wait3A_800] : memref<2x4x128x64xf32, #tpu.memory_space<vmem>> -> memref<1x1x128x64xf32, #tpu.memory_space<vmem>>
    %dma_wait3A_802 = tpu.memref_squeeze %dma_wait3A_801 : memref<1x1x128x64xf32, #tpu.memory_space<vmem>> -> memref<128x64xf32, #tpu.memory_space<vmem>>
    %dma_wait3A_803 = arith.constant 0 : i32
    %dma_wait3A_804 = arith.constant 0 : i32
    %dma_wait3A_805 = tpu.memref_slice %arg3[%dma_wait3A_803, %dma_wait3A_804] : memref<2000000x64xf32, #tpu.memory_space<hbm>> -> memref<128x64xf32, #tpu.memory_space<hbm>>
    tpu.wait_dma2 semaphore(%arg8 : memref<!tpu.dma_semaphore, #tpu.memory_space<semaphore_mem>>) src(%dma_wait3A_805 : memref<128x64xf32, #tpu.memory_space<hbm>>) dst(%dma_wait3A_802 : memref<128x64xf32, #tpu.memory_space<vmem>>)
    %dma_wait3A_806 = arith.constant 1 : i32
    %dma_wait3A_807 = arith.constant 1 : i32
    %dma_wait3A_808 = arith.constant 0 : i32
    %dma_wait3A_809 = arith.constant 0 : i32
    %dma_wait3A_810 = tpu.memref_slice %arg6[%dma_wait3A_806, %dma_wait3A_807, %dma_wait3A_808, %dma_wait3A_809] : memref<2x4x128x64xf32, #tpu.memory_space<vmem>> -> memref<1x1x128x64xf32, #tpu.memory_space<vmem>>
    %dma_wait3A_811 = tpu.memref_squeeze %dma_wait3A_810 : memref<1x1x128x64xf32, #tpu.memory_space<vmem>> -> memref<128x64xf32, #tpu.memory_space<vmem>>
    %dma_wait3A_812 = arith.constant 0 : i32
    %dma_wait3A_813 = arith.constant 0 : i32
    %dma_wait3A_814 = tpu.memref_slice %arg3[%dma_wait3A_812, %dma_wait3A_813] : memref<2000000x64xf32, #tpu.memory_space<hbm>> -> memref<128x64xf32, #tpu.memory_space<hbm>>
    %dma_wait3A_815 = arith.constant 0 : i32
    %dma_wait3A_816 = arith.constant 0 : i32
    %dma_wait3A_817 = tpu.memref_slice %arg6[%dma_wait3A_806, %dma_wait3A_807, %dma_wait3A_815, %dma_wait3A_816] : memref<2x4x128x64xf32, #tpu.memory_space<vmem>> -> memref<1x1x128x64xf32, #tpu.memory_space<vmem>>
    %dma_wait3A_818 = tpu.memref_squeeze %dma_wait3A_817 : memref<1x1x128x64xf32, #tpu.memory_space<vmem>> -> memref<128x64xf32, #tpu.memory_space<vmem>>
    %dma_wait3A_819 = arith.constant 0 : i32
    %dma_wait3A_820 = arith.constant 0 : i32
    %dma_wait3A_821 = tpu.memref_slice %arg3[%dma_wait3A_819, %dma_wait3A_820] : memref<2000000x64xf32, #tpu.memory_space<hbm>> -> memref<128x64xf32, #tpu.memory_space<hbm>>
    tpu.wait_dma2 semaphore(%arg8 : memref<!tpu.dma_semaphore, #tpu.memory_space<semaphore_mem>>) src(%dma_wait3A_821 : memref<128x64xf32, #tpu.memory_space<hbm>>) dst(%dma_wait3A_818 : memref<128x64xf32, #tpu.memory_space<vmem>>)
    %dma_wait3A_822 = arith.constant 1 : i32
    %dma_wait3A_823 = arith.constant 2 : i32
    %dma_wait3A_824 = arith.constant 0 : i32
    %dma_wait3A_825 = arith.constant 0 : i32
    %dma_wait3A_826 = tpu.memref_slice %arg6[%dma_wait3A_822, %dma_wait3A_823, %dma_wait3A_824, %dma_wait3A_825] : memref<2x4x128x64xf32, #tpu.memory_space<vmem>> -> memref<1x1x128x64xf32, #tpu.memory_space<vmem>>
    %dma_wait3A_827 = tpu.memref_squeeze %dma_wait3A_826 : memref<1x1x128x64xf32, #tpu.memory_space<vmem>> -> memref<128x64xf32, #tpu.memory_space<vmem>>
    %dma_wait3A_828 = arith.constant 0 : i32
    %dma_wait3A_829 = arith.constant 0 : i32
    %dma_wait3A_830 = tpu.memref_slice %arg3[%dma_wait3A_828, %dma_wait3A_829] : memref<2000000x64xf32, #tpu.memory_space<hbm>> -> memref<128x64xf32, #tpu.memory_space<hbm>>
    %dma_wait3A_831 = arith.constant 0 : i32
    %dma_wait3A_832 = arith.constant 0 : i32
    %dma_wait3A_833 = tpu.memref_slice %arg6[%dma_wait3A_822, %dma_wait3A_823, %dma_wait3A_831, %dma_wait3A_832] : memref<2x4x128x64xf32, #tpu.memory_space<vmem>> -> memref<1x1x128x64xf32, #tpu.memory_space<vmem>>
    %dma_wait3A_834 = tpu.memref_squeeze %dma_wait3A_833 : memref<1x1x128x64xf32, #tpu.memory_space<vmem>> -> memref<128x64xf32, #tpu.memory_space<vmem>>
    %dma_wait3A_835 = arith.constant 0 : i32
    %dma_wait3A_836 = arith.constant 0 : i32
    %dma_wait3A_837 = tpu.memref_slice %arg3[%dma_wait3A_835, %dma_wait3A_836] : memref<2000000x64xf32, #tpu.memory_space<hbm>> -> memref<128x64xf32, #tpu.memory_space<hbm>>
    tpu.wait_dma2 semaphore(%arg8 : memref<!tpu.dma_semaphore, #tpu.memory_space<semaphore_mem>>) src(%dma_wait3A_837 : memref<128x64xf32, #tpu.memory_space<hbm>>) dst(%dma_wait3A_834 : memref<128x64xf32, #tpu.memory_space<vmem>>)
    %dma_wait3A_838 = arith.constant 1 : i32
    %dma_wait3A_839 = arith.constant 3 : i32
    %dma_wait3A_840 = arith.constant 0 : i32
    %dma_wait3A_841 = arith.constant 0 : i32
    %dma_wait3A_842 = tpu.memref_slice %arg6[%dma_wait3A_838, %dma_wait3A_839, %dma_wait3A_840, %dma_wait3A_841] : memref<2x4x128x64xf32, #tpu.memory_space<vmem>> -> memref<1x1x128x64xf32, #tpu.memory_space<vmem>>
    %dma_wait3A_843 = tpu.memref_squeeze %dma_wait3A_842 : memref<1x1x128x64xf32, #tpu.memory_space<vmem>> -> memref<128x64xf32, #tpu.memory_space<vmem>>
    %dma_wait3A_844 = arith.constant 0 : i32
    %dma_wait3A_845 = arith.constant 0 : i32
    %dma_wait3A_846 = tpu.memref_slice %arg3[%dma_wait3A_844, %dma_wait3A_845] : memref<2000000x64xf32, #tpu.memory_space<hbm>> -> memref<128x64xf32, #tpu.memory_space<hbm>>
    %dma_wait3A_847 = arith.constant 0 : i32
    %dma_wait3A_848 = arith.constant 0 : i32
    %dma_wait3A_849 = tpu.memref_slice %arg6[%dma_wait3A_838, %dma_wait3A_839, %dma_wait3A_847, %dma_wait3A_848] : memref<2x4x128x64xf32, #tpu.memory_space<vmem>> -> memref<1x1x128x64xf32, #tpu.memory_space<vmem>>
    %dma_wait3A_850 = tpu.memref_squeeze %dma_wait3A_849 : memref<1x1x128x64xf32, #tpu.memory_space<vmem>> -> memref<128x64xf32, #tpu.memory_space<vmem>>
    %dma_wait3A_851 = arith.constant 0 : i32
    %dma_wait3A_852 = arith.constant 0 : i32
    %dma_wait3A_853 = tpu.memref_slice %arg3[%dma_wait3A_851, %dma_wait3A_852] : memref<2000000x64xf32, #tpu.memory_space<hbm>> -> memref<128x64xf32, #tpu.memory_space<hbm>>
    tpu.wait_dma2 semaphore(%arg8 : memref<!tpu.dma_semaphore, #tpu.memory_space<semaphore_mem>>) src(%dma_wait3A_853 : memref<128x64xf32, #tpu.memory_space<hbm>>) dst(%dma_wait3A_850 : memref<128x64xf32, #tpu.memory_space<vmem>>)
    %dma_wait3A_854 = arith.constant 0 : i32
    %dma_wait3A_855 = arith.constant 0 : i32
    %dma_wait3A_856 = arith.constant 0 : i32
    %dma_wait3A_857 = arith.constant 0 : i32
    %dma_wait3A_858 = tpu.memref_slice %arg6[%dma_wait3A_854, %dma_wait3A_855, %dma_wait3A_856, %dma_wait3A_857] : memref<2x4x128x64xf32, #tpu.memory_space<vmem>> -> memref<1x1x128x64xf32, #tpu.memory_space<vmem>>
    %dma_wait3A_859 = tpu.memref_squeeze %dma_wait3A_858 : memref<1x1x128x64xf32, #tpu.memory_space<vmem>> -> memref<128x64xf32, #tpu.memory_space<vmem>>
    %dma_wait3A_860 = arith.constant 0 : i32
    %dma_wait3A_861 = arith.constant 0 : i32
    %dma_wait3A_862 = tpu.memref_slice %arg4[%mul3A_2, %dma_wait3A_860, %dma_wait3A_861] : memref<6400x128x128xf32, #tpu.memory_space<hbm>> -> memref<1x128x64xf32, #tpu.memory_space<hbm>>
    %dma_wait3A_863 = tpu.memref_squeeze %dma_wait3A_862 : memref<1x128x64xf32, #tpu.memory_space<hbm>> -> memref<128x64xf32, #tpu.memory_space<hbm>>
    %dma_wait3A_864 = arith.constant 0 : i32
    %dma_wait3A_865 = arith.constant 0 : i32
    %dma_wait3A_866 = tpu.memref_slice %arg4[%mul3A_2, %dma_wait3A_864, %dma_wait3A_865] : memref<6400x128x128xf32, #tpu.memory_space<hbm>> -> memref<1x128x64xf32, #tpu.memory_space<hbm>>
    %dma_wait3A_867 = tpu.memref_squeeze %dma_wait3A_866 : memref<1x128x64xf32, #tpu.memory_space<hbm>> -> memref<128x64xf32, #tpu.memory_space<hbm>>
    %dma_wait3A_868 = arith.constant 0 : i32
    %dma_wait3A_869 = arith.constant 0 : i32
    %dma_wait3A_870 = tpu.memref_slice %arg6[%dma_wait3A_854, %dma_wait3A_855, %dma_wait3A_868, %dma_wait3A_869] : memref<2x4x128x64xf32, #tpu.memory_space<vmem>> -> memref<1x1x128x64xf32, #tpu.memory_space<vmem>>
    %dma_wait3A_871 = tpu.memref_squeeze %dma_wait3A_870 : memref<1x1x128x64xf32, #tpu.memory_space<vmem>> -> memref<128x64xf32, #tpu.memory_space<vmem>>
    tpu.wait_dma2 semaphore(%arg9 : memref<!tpu.dma_semaphore, #tpu.memory_space<semaphore_mem>>) src(%dma_wait3A_871 : memref<128x64xf32, #tpu.memory_space<vmem>>) dst(%dma_wait3A_867 : memref<128x64xf32, #tpu.memory_space<hbm>>)
    %dma_wait3A_872 = arith.constant 0 : i32
    %dma_wait3A_873 = arith.constant 1 : i32
    %dma_wait3A_874 = arith.constant 0 : i32
    %dma_wait3A_875 = arith.constant 0 : i32
    %dma_wait3A_876 = tpu.memref_slice %arg6[%dma_wait3A_872, %dma_wait3A_873, %dma_wait3A_874, %dma_wait3A_875] : memref<2x4x128x64xf32, #tpu.memory_space<vmem>> -> memref<1x1x128x64xf32, #tpu.memory_space<vmem>>
    %dma_wait3A_877 = tpu.memref_squeeze %dma_wait3A_876 : memref<1x1x128x64xf32, #tpu.memory_space<vmem>> -> memref<128x64xf32, #tpu.memory_space<vmem>>
    %dma_wait3A_878 = arith.constant 0 : i32
    %dma_wait3A_879 = arith.constant 0 : i32
    %dma_wait3A_880 = tpu.memref_slice %arg4[%mul3A_2, %dma_wait3A_878, %dma_wait3A_879] : memref<6400x128x128xf32, #tpu.memory_space<hbm>> -> memref<1x128x64xf32, #tpu.memory_space<hbm>>
    %dma_wait3A_881 = tpu.memref_squeeze %dma_wait3A_880 : memref<1x128x64xf32, #tpu.memory_space<hbm>> -> memref<128x64xf32, #tpu.memory_space<hbm>>
    %dma_wait3A_882 = arith.constant 0 : i32
    %dma_wait3A_883 = arith.constant 0 : i32
    %dma_wait3A_884 = tpu.memref_slice %arg4[%mul3A_2, %dma_wait3A_882, %dma_wait3A_883] : memref<6400x128x128xf32, #tpu.memory_space<hbm>> -> memref<1x128x64xf32, #tpu.memory_space<hbm>>
    %dma_wait3A_885 = tpu.memref_squeeze %dma_wait3A_884 : memref<1x128x64xf32, #tpu.memory_space<hbm>> -> memref<128x64xf32, #tpu.memory_space<hbm>>
    %dma_wait3A_886 = arith.constant 0 : i32
    %dma_wait3A_887 = arith.constant 0 : i32
    %dma_wait3A_888 = tpu.memref_slice %arg6[%dma_wait3A_872, %dma_wait3A_873, %dma_wait3A_886, %dma_wait3A_887] : memref<2x4x128x64xf32, #tpu.memory_space<vmem>> -> memref<1x1x128x64xf32, #tpu.memory_space<vmem>>
    %dma_wait3A_889 = tpu.memref_squeeze %dma_wait3A_888 : memref<1x1x128x64xf32, #tpu.memory_space<vmem>> -> memref<128x64xf32, #tpu.memory_space<vmem>>
    tpu.wait_dma2 semaphore(%arg9 : memref<!tpu.dma_semaphore, #tpu.memory_space<semaphore_mem>>) src(%dma_wait3A_889 : memref<128x64xf32, #tpu.memory_space<vmem>>) dst(%dma_wait3A_885 : memref<128x64xf32, #tpu.memory_space<hbm>>)
    %dma_wait3A_890 = arith.constant 0 : i32
    %dma_wait3A_891 = arith.constant 2 : i32
    %dma_wait3A_892 = arith.constant 0 : i32
    %dma_wait3A_893 = arith.constant 0 : i32
    %dma_wait3A_894 = tpu.memref_slice %arg6[%dma_wait3A_890, %dma_wait3A_891, %dma_wait3A_892, %dma_wait3A_893] : memref<2x4x128x64xf32, #tpu.memory_space<vmem>> -> memref<1x1x128x64xf32, #tpu.memory_space<vmem>>
    %dma_wait3A_895 = tpu.memref_squeeze %dma_wait3A_894 : memref<1x1x128x64xf32, #tpu.memory_space<vmem>> -> memref<128x64xf32, #tpu.memory_space<vmem>>
    %dma_wait3A_896 = arith.constant 0 : i32
    %dma_wait3A_897 = arith.constant 0 : i32
    %dma_wait3A_898 = tpu.memref_slice %arg4[%mul3A_2, %dma_wait3A_896, %dma_wait3A_897] : memref<6400x128x128xf32, #tpu.memory_space<hbm>> -> memref<1x128x64xf32, #tpu.memory_space<hbm>>
    %dma_wait3A_899 = tpu.memref_squeeze %dma_wait3A_898 : memref<1x128x64xf32, #tpu.memory_space<hbm>> -> memref<128x64xf32, #tpu.memory_space<hbm>>
    %dma_wait3A_900 = arith.constant 0 : i32
    %dma_wait3A_901 = arith.constant 0 : i32
    %dma_wait3A_902 = tpu.memref_slice %arg4[%mul3A_2, %dma_wait3A_900, %dma_wait3A_901] : memref<6400x128x128xf32, #tpu.memory_space<hbm>> -> memref<1x128x64xf32, #tpu.memory_space<hbm>>
    %dma_wait3A_903 = tpu.memref_squeeze %dma_wait3A_902 : memref<1x128x64xf32, #tpu.memory_space<hbm>> -> memref<128x64xf32, #tpu.memory_space<hbm>>
    %dma_wait3A_904 = arith.constant 0 : i32
    %dma_wait3A_905 = arith.constant 0 : i32
    %dma_wait3A_906 = tpu.memref_slice %arg6[%dma_wait3A_890, %dma_wait3A_891, %dma_wait3A_904, %dma_wait3A_905] : memref<2x4x128x64xf32, #tpu.memory_space<vmem>> -> memref<1x1x128x64xf32, #tpu.memory_space<vmem>>
    %dma_wait3A_907 = tpu.memref_squeeze %dma_wait3A_906 : memref<1x1x128x64xf32, #tpu.memory_space<vmem>> -> memref<128x64xf32, #tpu.memory_space<vmem>>
    tpu.wait_dma2 semaphore(%arg9 : memref<!tpu.dma_semaphore, #tpu.memory_space<semaphore_mem>>) src(%dma_wait3A_907 : memref<128x64xf32, #tpu.memory_space<vmem>>) dst(%dma_wait3A_903 : memref<128x64xf32, #tpu.memory_space<hbm>>)
    %dma_wait3A_908 = arith.constant 0 : i32
    %dma_wait3A_909 = arith.constant 3 : i32
    %dma_wait3A_910 = arith.constant 0 : i32
    %dma_wait3A_911 = arith.constant 0 : i32
    %dma_wait3A_912 = tpu.memref_slice %arg6[%dma_wait3A_908, %dma_wait3A_909, %dma_wait3A_910, %dma_wait3A_911] : memref<2x4x128x64xf32, #tpu.memory_space<vmem>> -> memref<1x1x128x64xf32, #tpu.memory_space<vmem>>
    %dma_wait3A_913 = tpu.memref_squeeze %dma_wait3A_912 : memref<1x1x128x64xf32, #tpu.memory_space<vmem>> -> memref<128x64xf32, #tpu.memory_space<vmem>>
    %dma_wait3A_914 = arith.constant 0 : i32
    %dma_wait3A_915 = arith.constant 0 : i32
    %dma_wait3A_916 = tpu.memref_slice %arg4[%mul3A_2, %dma_wait3A_914, %dma_wait3A_915] : memref<6400x128x128xf32, #tpu.memory_space<hbm>> -> memref<1x128x64xf32, #tpu.memory_space<hbm>>
    %dma_wait3A_917 = tpu.memref_squeeze %dma_wait3A_916 : memref<1x128x64xf32, #tpu.memory_space<hbm>> -> memref<128x64xf32, #tpu.memory_space<hbm>>
    %dma_wait3A_918 = arith.constant 0 : i32
    %dma_wait3A_919 = arith.constant 0 : i32
    %dma_wait3A_920 = tpu.memref_slice %arg4[%mul3A_2, %dma_wait3A_918, %dma_wait3A_919] : memref<6400x128x128xf32, #tpu.memory_space<hbm>> -> memref<1x128x64xf32, #tpu.memory_space<hbm>>
    %dma_wait3A_921 = tpu.memref_squeeze %dma_wait3A_920 : memref<1x128x64xf32, #tpu.memory_space<hbm>> -> memref<128x64xf32, #tpu.memory_space<hbm>>
    %dma_wait3A_922 = arith.constant 0 : i32
    %dma_wait3A_923 = arith.constant 0 : i32
    %dma_wait3A_924 = tpu.memref_slice %arg6[%dma_wait3A_908, %dma_wait3A_909, %dma_wait3A_922, %dma_wait3A_923] : memref<2x4x128x64xf32, #tpu.memory_space<vmem>> -> memref<1x1x128x64xf32, #tpu.memory_space<vmem>>
    %dma_wait3A_925 = tpu.memref_squeeze %dma_wait3A_924 : memref<1x1x128x64xf32, #tpu.memory_space<vmem>> -> memref<128x64xf32, #tpu.memory_space<vmem>>
    tpu.wait_dma2 semaphore(%arg9 : memref<!tpu.dma_semaphore, #tpu.memory_space<semaphore_mem>>) src(%dma_wait3A_925 : memref<128x64xf32, #tpu.memory_space<vmem>>) dst(%dma_wait3A_921 : memref<128x64xf32, #tpu.memory_space<hbm>>)
    %add3A_926 = arith.constant 196 : i32
    %add3A_927 = arith.addi %mul3A_2, %add3A_926 : i32
    %dma_start3A_928 = arith.constant 1 : i32
    %dma_start3A_929 = arith.constant 0 : i32
    %dma_start3A_930 = arith.constant 0 : i32
    %dma_start3A_931 = arith.constant 0 : i32
    %dma_start3A_932 = tpu.memref_slice %arg6[%dma_start3A_928, %dma_start3A_929, %dma_start3A_930, %dma_start3A_931] : memref<2x4x128x64xf32, #tpu.memory_space<vmem>> -> memref<1x1x128x64xf32, #tpu.memory_space<vmem>>
    %dma_start3A_933 = tpu.memref_squeeze %dma_start3A_932 : memref<1x1x128x64xf32, #tpu.memory_space<vmem>> -> memref<128x64xf32, #tpu.memory_space<vmem>>
    %dma_start3A_934 = arith.constant 0 : i32
    %dma_start3A_935 = arith.constant 0 : i32
    %dma_start3A_936 = tpu.memref_slice %arg4[%add3A_927, %dma_start3A_934, %dma_start3A_935] : memref<6400x128x128xf32, #tpu.memory_space<hbm>> -> memref<1x128x64xf32, #tpu.memory_space<hbm>>
    %dma_start3A_937 = tpu.memref_squeeze %dma_start3A_936 : memref<1x128x64xf32, #tpu.memory_space<hbm>> -> memref<128x64xf32, #tpu.memory_space<hbm>>
    %dma_start3A_938 = arith.constant 0 : i32
    %dma_start3A_939 = arith.constant 0 : i32
    %dma_start3A_940 = tpu.memref_slice %arg4[%add3A_927, %dma_start3A_938, %dma_start3A_939] : memref<6400x128x128xf32, #tpu.memory_space<hbm>> -> memref<1x128x64xf32, #tpu.memory_space<hbm>>
    %dma_start3A_941 = tpu.memref_squeeze %dma_start3A_940 : memref<1x128x64xf32, #tpu.memory_space<hbm>> -> memref<128x64xf32, #tpu.memory_space<hbm>>
    %dma_start3A_942 = arith.constant 0 : i32
    %dma_start3A_943 = arith.constant 0 : i32
    %dma_start3A_944 = tpu.memref_slice %arg6[%dma_start3A_928, %dma_start3A_929, %dma_start3A_942, %dma_start3A_943] : memref<2x4x128x64xf32, #tpu.memory_space<vmem>> -> memref<1x1x128x64xf32, #tpu.memory_space<vmem>>
    %dma_start3A_945 = tpu.memref_squeeze %dma_start3A_944 : memref<1x1x128x64xf32, #tpu.memory_space<vmem>> -> memref<128x64xf32, #tpu.memory_space<vmem>>
    tpu.enqueue_dma source(%dma_start3A_945 : memref<128x64xf32, #tpu.memory_space<vmem>>) target(%dma_start3A_941 : memref<128x64xf32, #tpu.memory_space<hbm>>) target_semaphore(%arg10 : memref<!tpu.dma_semaphore, #tpu.memory_space<semaphore_mem>>)
    %add3A_946 = arith.constant 197 : i32
    %add3A_947 = arith.addi %mul3A_2, %add3A_946 : i32
    %dma_start3A_948 = arith.constant 1 : i32
    %dma_start3A_949 = arith.constant 1 : i32
    %dma_start3A_950 = arith.constant 0 : i32
    %dma_start3A_951 = arith.constant 0 : i32
    %dma_start3A_952 = tpu.memref_slice %arg6[%dma_start3A_948, %dma_start3A_949, %dma_start3A_950, %dma_start3A_951] : memref<2x4x128x64xf32, #tpu.memory_space<vmem>> -> memref<1x1x128x64xf32, #tpu.memory_space<vmem>>
    %dma_start3A_953 = tpu.memref_squeeze %dma_start3A_952 : memref<1x1x128x64xf32, #tpu.memory_space<vmem>> -> memref<128x64xf32, #tpu.memory_space<vmem>>
    %dma_start3A_954 = arith.constant 0 : i32
    %dma_start3A_955 = arith.constant 0 : i32
    %dma_start3A_956 = tpu.memref_slice %arg4[%add3A_947, %dma_start3A_954, %dma_start3A_955] : memref<6400x128x128xf32, #tpu.memory_space<hbm>> -> memref<1x128x64xf32, #tpu.memory_space<hbm>>
    %dma_start3A_957 = tpu.memref_squeeze %dma_start3A_956 : memref<1x128x64xf32, #tpu.memory_space<hbm>> -> memref<128x64xf32, #tpu.memory_space<hbm>>
    %dma_start3A_958 = arith.constant 0 : i32
    %dma_start3A_959 = arith.constant 0 : i32
    %dma_start3A_960 = tpu.memref_slice %arg4[%add3A_947, %dma_start3A_958, %dma_start3A_959] : memref<6400x128x128xf32, #tpu.memory_space<hbm>> -> memref<1x128x64xf32, #tpu.memory_space<hbm>>
    %dma_start3A_961 = tpu.memref_squeeze %dma_start3A_960 : memref<1x128x64xf32, #tpu.memory_space<hbm>> -> memref<128x64xf32, #tpu.memory_space<hbm>>
    %dma_start3A_962 = arith.constant 0 : i32
    %dma_start3A_963 = arith.constant 0 : i32
    %dma_start3A_964 = tpu.memref_slice %arg6[%dma_start3A_948, %dma_start3A_949, %dma_start3A_962, %dma_start3A_963] : memref<2x4x128x64xf32, #tpu.memory_space<vmem>> -> memref<1x1x128x64xf32, #tpu.memory_space<vmem>>
    %dma_start3A_965 = tpu.memref_squeeze %dma_start3A_964 : memref<1x1x128x64xf32, #tpu.memory_space<vmem>> -> memref<128x64xf32, #tpu.memory_space<vmem>>
    tpu.enqueue_dma source(%dma_start3A_965 : memref<128x64xf32, #tpu.memory_space<vmem>>) target(%dma_start3A_961 : memref<128x64xf32, #tpu.memory_space<hbm>>) target_semaphore(%arg10 : memref<!tpu.dma_semaphore, #tpu.memory_space<semaphore_mem>>)
    %add3A_966 = arith.constant 198 : i32
    %add3A_967 = arith.addi %mul3A_2, %add3A_966 : i32
    %dma_start3A_968 = arith.constant 1 : i32
    %dma_start3A_969 = arith.constant 2 : i32
    %dma_start3A_970 = arith.constant 0 : i32
    %dma_start3A_971 = arith.constant 0 : i32
    %dma_start3A_972 = tpu.memref_slice %arg6[%dma_start3A_968, %dma_start3A_969, %dma_start3A_970, %dma_start3A_971] : memref<2x4x128x64xf32, #tpu.memory_space<vmem>> -> memref<1x1x128x64xf32, #tpu.memory_space<vmem>>
    %dma_start3A_973 = tpu.memref_squeeze %dma_start3A_972 : memref<1x1x128x64xf32, #tpu.memory_space<vmem>> -> memref<128x64xf32, #tpu.memory_space<vmem>>
    %dma_start3A_974 = arith.constant 0 : i32
    %dma_start3A_975 = arith.constant 0 : i32
    %dma_start3A_976 = tpu.memref_slice %arg4[%add3A_967, %dma_start3A_974, %dma_start3A_975] : memref<6400x128x128xf32, #tpu.memory_space<hbm>> -> memref<1x128x64xf32, #tpu.memory_space<hbm>>
    %dma_start3A_977 = tpu.memref_squeeze %dma_start3A_976 : memref<1x128x64xf32, #tpu.memory_space<hbm>> -> memref<128x64xf32, #tpu.memory_space<hbm>>
    %dma_start3A_978 = arith.constant 0 : i32
    %dma_start3A_979 = arith.constant 0 : i32
    %dma_start3A_980 = tpu.memref_slice %arg4[%add3A_967, %dma_start3A_978, %dma_start3A_979] : memref<6400x128x128xf32, #tpu.memory_space<hbm>> -> memref<1x128x64xf32, #tpu.memory_space<hbm>>
    %dma_start3A_981 = tpu.memref_squeeze %dma_start3A_980 : memref<1x128x64xf32, #tpu.memory_space<hbm>> -> memref<128x64xf32, #tpu.memory_space<hbm>>
    %dma_start3A_982 = arith.constant 0 : i32
    %dma_start3A_983 = arith.constant 0 : i32
    %dma_start3A_984 = tpu.memref_slice %arg6[%dma_start3A_968, %dma_start3A_969, %dma_start3A_982, %dma_start3A_983] : memref<2x4x128x64xf32, #tpu.memory_space<vmem>> -> memref<1x1x128x64xf32, #tpu.memory_space<vmem>>
    %dma_start3A_985 = tpu.memref_squeeze %dma_start3A_984 : memref<1x1x128x64xf32, #tpu.memory_space<vmem>> -> memref<128x64xf32, #tpu.memory_space<vmem>>
    tpu.enqueue_dma source(%dma_start3A_985 : memref<128x64xf32, #tpu.memory_space<vmem>>) target(%dma_start3A_981 : memref<128x64xf32, #tpu.memory_space<hbm>>) target_semaphore(%arg10 : memref<!tpu.dma_semaphore, #tpu.memory_space<semaphore_mem>>)
    %add3A_986 = arith.constant 199 : i32
    %add3A_987 = arith.addi %mul3A_2, %add3A_986 : i32
    %dma_start3A_988 = arith.constant 1 : i32
    %dma_start3A_989 = arith.constant 3 : i32
    %dma_start3A_990 = arith.constant 0 : i32
    %dma_start3A_991 = arith.constant 0 : i32
    %dma_start3A_992 = tpu.memref_slice %arg6[%dma_start3A_988, %dma_start3A_989, %dma_start3A_990, %dma_start3A_991] : memref<2x4x128x64xf32, #tpu.memory_space<vmem>> -> memref<1x1x128x64xf32, #tpu.memory_space<vmem>>
    %dma_start3A_993 = tpu.memref_squeeze %dma_start3A_992 : memref<1x1x128x64xf32, #tpu.memory_space<vmem>> -> memref<128x64xf32, #tpu.memory_space<vmem>>
    %dma_start3A_994 = arith.constant 0 : i32
    %dma_start3A_995 = arith.constant 0 : i32
    %dma_start3A_996 = tpu.memref_slice %arg4[%add3A_987, %dma_start3A_994, %dma_start3A_995] : memref<6400x128x128xf32, #tpu.memory_space<hbm>> -> memref<1x128x64xf32, #tpu.memory_space<hbm>>
    %dma_start3A_997 = tpu.memref_squeeze %dma_start3A_996 : memref<1x128x64xf32, #tpu.memory_space<hbm>> -> memref<128x64xf32, #tpu.memory_space<hbm>>
    %dma_start3A_998 = arith.constant 0 : i32
    %dma_start3A_999 = arith.constant 0 : i32
    %dma_start3A_1000 = tpu.memref_slice %arg4[%add3A_987, %dma_start3A_998, %dma_start3A_999] : memref<6400x128x128xf32, #tpu.memory_space<hbm>> -> memref<1x128x64xf32, #tpu.memory_space<hbm>>
    %dma_start3A_1001 = tpu.memref_squeeze %dma_start3A_1000 : memref<1x128x64xf32, #tpu.memory_space<hbm>> -> memref<128x64xf32, #tpu.memory_space<hbm>>
    %dma_start3A_1002 = arith.constant 0 : i32
    %dma_start3A_1003 = arith.constant 0 : i32
    %dma_start3A_1004 = tpu.memref_slice %arg6[%dma_start3A_988, %dma_start3A_989, %dma_start3A_1002, %dma_start3A_1003] : memref<2x4x128x64xf32, #tpu.memory_space<vmem>> -> memref<1x1x128x64xf32, #tpu.memory_space<vmem>>
    %dma_start3A_1005 = tpu.memref_squeeze %dma_start3A_1004 : memref<1x1x128x64xf32, #tpu.memory_space<vmem>> -> memref<128x64xf32, #tpu.memory_space<vmem>>
    tpu.enqueue_dma source(%dma_start3A_1005 : memref<128x64xf32, #tpu.memory_space<vmem>>) target(%dma_start3A_1001 : memref<128x64xf32, #tpu.memory_space<hbm>>) target_semaphore(%arg10 : memref<!tpu.dma_semaphore, #tpu.memory_space<semaphore_mem>>)
    %dma_wait3A_1006 = arith.constant 1 : i32
    %dma_wait3A_1007 = arith.constant 0 : i32
    %dma_wait3A_1008 = arith.constant 0 : i32
    %dma_wait3A_1009 = arith.constant 0 : i32
    %dma_wait3A_1010 = tpu.memref_slice %arg6[%dma_wait3A_1006, %dma_wait3A_1007, %dma_wait3A_1008, %dma_wait3A_1009] : memref<2x4x128x64xf32, #tpu.memory_space<vmem>> -> memref<1x1x128x64xf32, #tpu.memory_space<vmem>>
    %dma_wait3A_1011 = tpu.memref_squeeze %dma_wait3A_1010 : memref<1x1x128x64xf32, #tpu.memory_space<vmem>> -> memref<128x64xf32, #tpu.memory_space<vmem>>
    %dma_wait3A_1012 = arith.constant 0 : i32
    %dma_wait3A_1013 = arith.constant 0 : i32
    %dma_wait3A_1014 = tpu.memref_slice %arg4[%mul3A_2, %dma_wait3A_1012, %dma_wait3A_1013] : memref<6400x128x128xf32, #tpu.memory_space<hbm>> -> memref<1x128x64xf32, #tpu.memory_space<hbm>>
    %dma_wait3A_1015 = tpu.memref_squeeze %dma_wait3A_1014 : memref<1x128x64xf32, #tpu.memory_space<hbm>> -> memref<128x64xf32, #tpu.memory_space<hbm>>
    %dma_wait3A_1016 = arith.constant 0 : i32
    %dma_wait3A_1017 = arith.constant 0 : i32
    %dma_wait3A_1018 = tpu.memref_slice %arg4[%mul3A_2, %dma_wait3A_1016, %dma_wait3A_1017] : memref<6400x128x128xf32, #tpu.memory_space<hbm>> -> memref<1x128x64xf32, #tpu.memory_space<hbm>>
    %dma_wait3A_1019 = tpu.memref_squeeze %dma_wait3A_1018 : memref<1x128x64xf32, #tpu.memory_space<hbm>> -> memref<128x64xf32, #tpu.memory_space<hbm>>
    %dma_wait3A_1020 = arith.constant 0 : i32
    %dma_wait3A_1021 = arith.constant 0 : i32
    %dma_wait3A_1022 = tpu.memref_slice %arg6[%dma_wait3A_1006, %dma_wait3A_1007, %dma_wait3A_1020, %dma_wait3A_1021] : memref<2x4x128x64xf32, #tpu.memory_space<vmem>> -> memref<1x1x128x64xf32, #tpu.memory_space<vmem>>
    %dma_wait3A_1023 = tpu.memref_squeeze %dma_wait3A_1022 : memref<1x1x128x64xf32, #tpu.memory_space<vmem>> -> memref<128x64xf32, #tpu.memory_space<vmem>>
    tpu.wait_dma2 semaphore(%arg10 : memref<!tpu.dma_semaphore, #tpu.memory_space<semaphore_mem>>) src(%dma_wait3A_1023 : memref<128x64xf32, #tpu.memory_space<vmem>>) dst(%dma_wait3A_1019 : memref<128x64xf32, #tpu.memory_space<hbm>>)
    %dma_wait3A_1024 = arith.constant 1 : i32
    %dma_wait3A_1025 = arith.constant 1 : i32
    %dma_wait3A_1026 = arith.constant 0 : i32
    %dma_wait3A_1027 = arith.constant 0 : i32
    %dma_wait3A_1028 = tpu.memref_slice %arg6[%dma_wait3A_1024, %dma_wait3A_1025, %dma_wait3A_1026, %dma_wait3A_1027] : memref<2x4x128x64xf32, #tpu.memory_space<vmem>> -> memref<1x1x128x64xf32, #tpu.memory_space<vmem>>
    %dma_wait3A_1029 = tpu.memref_squeeze %dma_wait3A_1028 : memref<1x1x128x64xf32, #tpu.memory_space<vmem>> -> memref<128x64xf32, #tpu.memory_space<vmem>>
    %dma_wait3A_1030 = arith.constant 0 : i32
    %dma_wait3A_1031 = arith.constant 0 : i32
    %dma_wait3A_1032 = tpu.memref_slice %arg4[%mul3A_2, %dma_wait3A_1030, %dma_wait3A_1031] : memref<6400x128x128xf32, #tpu.memory_space<hbm>> -> memref<1x128x64xf32, #tpu.memory_space<hbm>>
    %dma_wait3A_1033 = tpu.memref_squeeze %dma_wait3A_1032 : memref<1x128x64xf32, #tpu.memory_space<hbm>> -> memref<128x64xf32, #tpu.memory_space<hbm>>
    %dma_wait3A_1034 = arith.constant 0 : i32
    %dma_wait3A_1035 = arith.constant 0 : i32
    %dma_wait3A_1036 = tpu.memref_slice %arg4[%mul3A_2, %dma_wait3A_1034, %dma_wait3A_1035] : memref<6400x128x128xf32, #tpu.memory_space<hbm>> -> memref<1x128x64xf32, #tpu.memory_space<hbm>>
    %dma_wait3A_1037 = tpu.memref_squeeze %dma_wait3A_1036 : memref<1x128x64xf32, #tpu.memory_space<hbm>> -> memref<128x64xf32, #tpu.memory_space<hbm>>
    %dma_wait3A_1038 = arith.constant 0 : i32
    %dma_wait3A_1039 = arith.constant 0 : i32
    %dma_wait3A_1040 = tpu.memref_slice %arg6[%dma_wait3A_1024, %dma_wait3A_1025, %dma_wait3A_1038, %dma_wait3A_1039] : memref<2x4x128x64xf32, #tpu.memory_space<vmem>> -> memref<1x1x128x64xf32, #tpu.memory_space<vmem>>
    %dma_wait3A_1041 = tpu.memref_squeeze %dma_wait3A_1040 : memref<1x1x128x64xf32, #tpu.memory_space<vmem>> -> memref<128x64xf32, #tpu.memory_space<vmem>>
    tpu.wait_dma2 semaphore(%arg10 : memref<!tpu.dma_semaphore, #tpu.memory_space<semaphore_mem>>) src(%dma_wait3A_1041 : memref<128x64xf32, #tpu.memory_space<vmem>>) dst(%dma_wait3A_1037 : memref<128x64xf32, #tpu.memory_space<hbm>>)
    %dma_wait3A_1042 = arith.constant 1 : i32
    %dma_wait3A_1043 = arith.constant 2 : i32
    %dma_wait3A_1044 = arith.constant 0 : i32
    %dma_wait3A_1045 = arith.constant 0 : i32
    %dma_wait3A_1046 = tpu.memref_slice %arg6[%dma_wait3A_1042, %dma_wait3A_1043, %dma_wait3A_1044, %dma_wait3A_1045] : memref<2x4x128x64xf32, #tpu.memory_space<vmem>> -> memref<1x1x128x64xf32, #tpu.memory_space<vmem>>
    %dma_wait3A_1047 = tpu.memref_squeeze %dma_wait3A_1046 : memref<1x1x128x64xf32, #tpu.memory_space<vmem>> -> memref<128x64xf32, #tpu.memory_space<vmem>>
    %dma_wait3A_1048 = arith.constant 0 : i32
    %dma_wait3A_1049 = arith.constant 0 : i32
    %dma_wait3A_1050 = tpu.memref_slice %arg4[%mul3A_2, %dma_wait3A_1048, %dma_wait3A_1049] : memref<6400x128x128xf32, #tpu.memory_space<hbm>> -> memref<1x128x64xf32, #tpu.memory_space<hbm>>
    %dma_wait3A_1051 = tpu.memref_squeeze %dma_wait3A_1050 : memref<1x128x64xf32, #tpu.memory_space<hbm>> -> memref<128x64xf32, #tpu.memory_space<hbm>>
    %dma_wait3A_1052 = arith.constant 0 : i32
    %dma_wait3A_1053 = arith.constant 0 : i32
    %dma_wait3A_1054 = tpu.memref_slice %arg4[%mul3A_2, %dma_wait3A_1052, %dma_wait3A_1053] : memref<6400x128x128xf32, #tpu.memory_space<hbm>> -> memref<1x128x64xf32, #tpu.memory_space<hbm>>
    %dma_wait3A_1055 = tpu.memref_squeeze %dma_wait3A_1054 : memref<1x128x64xf32, #tpu.memory_space<hbm>> -> memref<128x64xf32, #tpu.memory_space<hbm>>
    %dma_wait3A_1056 = arith.constant 0 : i32
    %dma_wait3A_1057 = arith.constant 0 : i32
    %dma_wait3A_1058 = tpu.memref_slice %arg6[%dma_wait3A_1042, %dma_wait3A_1043, %dma_wait3A_1056, %dma_wait3A_1057] : memref<2x4x128x64xf32, #tpu.memory_space<vmem>> -> memref<1x1x128x64xf32, #tpu.memory_space<vmem>>
    %dma_wait3A_1059 = tpu.memref_squeeze %dma_wait3A_1058 : memref<1x1x128x64xf32, #tpu.memory_space<vmem>> -> memref<128x64xf32, #tpu.memory_space<vmem>>
    tpu.wait_dma2 semaphore(%arg10 : memref<!tpu.dma_semaphore, #tpu.memory_space<semaphore_mem>>) src(%dma_wait3A_1059 : memref<128x64xf32, #tpu.memory_space<vmem>>) dst(%dma_wait3A_1055 : memref<128x64xf32, #tpu.memory_space<hbm>>)
    %dma_wait3A_1060 = arith.constant 1 : i32
    %dma_wait3A_1061 = arith.constant 3 : i32
    %dma_wait3A_1062 = arith.constant 0 : i32
    %dma_wait3A_1063 = arith.constant 0 : i32
    %dma_wait3A_1064 = tpu.memref_slice %arg6[%dma_wait3A_1060, %dma_wait3A_1061, %dma_wait3A_1062, %dma_wait3A_1063] : memref<2x4x128x64xf32, #tpu.memory_space<vmem>> -> memref<1x1x128x64xf32, #tpu.memory_space<vmem>>
    %dma_wait3A_1065 = tpu.memref_squeeze %dma_wait3A_1064 : memref<1x1x128x64xf32, #tpu.memory_space<vmem>> -> memref<128x64xf32, #tpu.memory_space<vmem>>
    %dma_wait3A_1066 = arith.constant 0 : i32
    %dma_wait3A_1067 = arith.constant 0 : i32
    %dma_wait3A_1068 = tpu.memref_slice %arg4[%mul3A_2, %dma_wait3A_1066, %dma_wait3A_1067] : memref<6400x128x128xf32, #tpu.memory_space<hbm>> -> memref<1x128x64xf32, #tpu.memory_space<hbm>>
    %dma_wait3A_1069 = tpu.memref_squeeze %dma_wait3A_1068 : memref<1x128x64xf32, #tpu.memory_space<hbm>> -> memref<128x64xf32, #tpu.memory_space<hbm>>
    %dma_wait3A_1070 = arith.constant 0 : i32
    %dma_wait3A_1071 = arith.constant 0 : i32
    %dma_wait3A_1072 = tpu.memref_slice %arg4[%mul3A_2, %dma_wait3A_1070, %dma_wait3A_1071] : memref<6400x128x128xf32, #tpu.memory_space<hbm>> -> memref<1x128x64xf32, #tpu.memory_space<hbm>>
    %dma_wait3A_1073 = tpu.memref_squeeze %dma_wait3A_1072 : memref<1x128x64xf32, #tpu.memory_space<hbm>> -> memref<128x64xf32, #tpu.memory_space<hbm>>
    %dma_wait3A_1074 = arith.constant 0 : i32
    %dma_wait3A_1075 = arith.constant 0 : i32
    %dma_wait3A_1076 = tpu.memref_slice %arg6[%dma_wait3A_1060, %dma_wait3A_1061, %dma_wait3A_1074, %dma_wait3A_1075] : memref<2x4x128x64xf32, #tpu.memory_space<vmem>> -> memref<1x1x128x64xf32, #tpu.memory_space<vmem>>
    %dma_wait3A_1077 = tpu.memref_squeeze %dma_wait3A_1076 : memref<1x1x128x64xf32, #tpu.memory_space<vmem>> -> memref<128x64xf32, #tpu.memory_space<vmem>>
    tpu.wait_dma2 semaphore(%arg10 : memref<!tpu.dma_semaphore, #tpu.memory_space<semaphore_mem>>) src(%dma_wait3A_1077 : memref<128x64xf32, #tpu.memory_space<vmem>>) dst(%dma_wait3A_1073 : memref<128x64xf32, #tpu.memory_space<hbm>>)
    return
  }
}

</mosaic_0001>

<sc_bundles>
// kernel: kernel.3.cloned.1.call-start
scs
__scs_entry_jumppad:
0x0: {  	(pc) =	sbr.rel $0x88, $3  }
0x1: {  	(tag) =	ssettag $0x0;
	lr =	simm.s32 $0x1  }
0x2: {  	[smem:$0x3F9E] =	sst lr;
	_ =	strace $0xD0000000  }
0x3: {  	_ = 	snop  }
0x4: {  	_ = 	snop  }
0x5: {  	_ = 	snop  }
0x6: {  	_ = 	snop  }
0x7: {  	_ = 	snop  }
__scs_overlays_trampoline_lowered:
0x8: {  	[smem:$0x3FAD] =	sst s0  }
0x9: {  	[smem:$0x3FAE] =	sst s1  }
0xa: {  	[smem:$0x3FAF] =	sst s2  }
0xb: {  	[smem:$0x3FB0] =	sst s3  }
0xc: {  	[smem:$0x3FB1] =	sst s4  }
0xd: {  	[smem:$0x3FB2] =	sst s5  }
0xe: {  	[smem:$0x3FB3] =	sst s6  }
0xf: {  	[smem:$0x3FB4] =	sst s7  }
0x10: {  	[smem:$0x3FB5] =	sst s8  }
0x11: {  	[smem:$0x3FB6] =	sst s9;
	s0 =	simm.s32 @!p0 $0x0  }
0x12: {  	s1 =	sld [smem:$0x3F9C];
	s0 =	simm.s32 @p0 $0x1  }
0x13: {  	[smem:$0x3FB7] =	sst s0;
	s0 =	simm.s32 @!p1 $0x0  }
0x14: {  	s2 =	sld [smem:$0x3F9B];
	s0 =	simm.s32 @p1 $0x1  }
0x15: {  	[smem:$0x3FB8] =	sst s0;
	s0 =	simm.s32 @!p2 $0x0  }
0x16: {  	s3 =	sld [smem:$0x3FDB];
	s0 =	simm.s32 @p2 $0x1  }
0x17: {  	s4 =	simm.s32 $0x1BF5;
	[smem:$0x3FBA] =	sst s0  }
0x18: {  	s0 =	sld [smem:$0x3F9D];
	_ =	swait.ge [sflag:s4], $0x0  }
0x19: {  	s7 =	sld [smem:$0x3F9E]  }
0x1a: {  	s8 =	sadd.s32 $0xFFFFE003, lr  }
0x1b: {  	s9 =	sadd.s32 $0xFFFFFEF7, lr;
	s5 =	simm.s32 $0xFFFFFFFF;
	p2 =	slt.u32 s8, $0xFFFFF086  }
0x1c: {  	p1 =	slt.u32 s9, $0xF7A;
	s5 =	simm.s32 @!p2 $0x0  }
0x1d: {  	s5 =	simm.s32 @p1 $0x1;
	p0 =	seq.s32 s7, s2  }
0x1e: {  	s7 =	smul.u32 @!p0 $0xF7A, s2;
	p2 =	seq.s32 @!p0 s5, $0x0  }
0x1f: {  	s9 =	smul.u32 $0xF7A, s1;
	s8 =	simm.s32 @!p0 $0x1BF5;
	p2 =	por !p2, p0  }
0x20: {  	[sflag:s8] =	ssyncset.s32 @!p0 $0xFFFFF086;
	s6 =	sadd.s32 @!p0 s3, s7;
	s7 =	simm.s32 @!p0 $0x108  }
0x21: {  	s3 =	sadd.s32 s3, s9;
	s6 =	sadd.s32 @!p0 $0x88, s6;
	s7 =	simm.s32 @p2 $0x1082  }
0x22: {  	[simem:s7], [sflag:s8] =	dma.local @!p0 [hbm:s6], $0xF7A  }
0x23: {  	s9 =	sor.u32 $0xD0000000, s2;
	s6 =	simm.s32 $0x108;
	_ =	swait.ge @!p0 [sflag:s8], $0x0  }
0x24: {  	s3 =	sadd.s32 $0x88, s3;
	s6 =	simm.s32 @!p1 $0x1082;
	[sflag:s4] =	ssyncset.s32 $0xFFFFF086  }
0x25: {  	[simem:s6], [sflag:s4] =	dma.local [hbm:s3], $0xF7A  }
0x26: {  	[smem:$0x3F9E] =	sst s1;
	(tag) =	ssettag s2;
	_ =	strace s9  }
0x27: {  	s1 =	sld [smem:$0x3FAE]  }
0x28: {  	s2 =	sld [smem:$0x3FAF]  }
0x29: {  	s4 =	sld [smem:$0x3FB1]  }
0x2a: {  	p0 =	seq.s32 s5, $0x0;
	s5 =	sld [smem:$0x3FB2]  }
0x2b: {  	s6 =	sld [smem:$0x3FB3]  }
0x2c: {  	s7 =	sld [smem:$0x3FB4]  }
0x2d: {  	s3 =	simm.s32 $0x108;
	s8 =	sld [smem:$0x3FB5]  }
0x2e: {  	s3 =	simm.s32 @!p0 $0x1082;
	s9 =	sld [smem:$0x3FB6]  }
0x2f: {  	lr =	sadd.s32 s0, s3;
	s0 =	sld [smem:$0x3FAD]  }
0x30: {  	s3 =	sld [smem:$0x3FB0]  }
0x31: {  	[smem:$0x3FB9] =	sst s10  }
0x32: {  	s10 =	sld [smem:$0x3FB7];
	_ =	sdelay $0x3  }
0x33: {  	p0 =	seq.s32 s10, $0x1;
	s10 =	sld [smem:$0x3FB9];
	_ =	sdelay $0x3  }
0x34: {  	[smem:$0x3FB9] =	sst s10  }
0x35: {  	s10 =	sld [smem:$0x3FB8];
	_ =	sdelay $0x3  }
0x36: {  	p1 =	seq.s32 s10, $0x1;
	s10 =	sld [smem:$0x3FB9];
	_ =	sdelay $0x3  }
0x37: {  	[smem:$0x3FB9] =	sst s10  }
0x38: {  	s10 =	sld [smem:$0x3FBA]  }
0x39: {  	_ = 	snop;
	(pc) =	sbr.ind lr, $3  }
0x3a: {  	_ = 	snop  }
0x3b: {  	_ = 	snop  }
0x3c: {  	p2 =	seq.s32 s10, $0x1;
	s10 =	sld [smem:$0x3FB9]  }
0x3d: {  	_ =	shalt  }
0x3e: {  	_ =	shalt  }
0x3f: {  	_ =	shalt  }
0x40: {  	_ =	shalt  }
0x41: {  	_ =	shalt  }
0x42: {  	_ =	shalt  }
0x43: {  	_ =	shalt  }
0x44: {  	_ =	shalt  }
0x45: {  	_ =	shalt  }
0x46: {  	_ =	shalt  }
0x47: {  	_ =	shalt  }
0x48: {  	_ =	shalt  }
0x49: {  	_ =	shalt  }
0x4a: {  	_ =	shalt  }
0x4b: {  	_ =	shalt  }
0x4c: {  	_ =	shalt  }
0x4d: {  	_ =	shalt  }
0x4e: {  	_ =	shalt  }
0x4f: {  	_ =	shalt  }
0x50: {  	_ =	shalt  }
0x51: {  	_ =	shalt  }
0x52: {  	_ =	shalt  }
0x53: {  	_ =	shalt  }
0x54: {  	_ =	shalt  }
0x55: {  	_ =	shalt  }
0x56: {  	_ =	shalt  }
0x57: {  	_ =	shalt  }
0x58: {  	_ =	shalt  }
0x59: {  	_ =	shalt  }
0x5a: {  	_ =	shalt  }
0x5b: {  	_ =	shalt  }
0x5c: {  	_ =	shalt  }
0x5d: {  	_ =	shalt  }
0x5e: {  	_ =	shalt  }
0x5f: {  	_ =	shalt  }
0x60: {  	_ =	shalt  }
0x61: {  	_ =	shalt  }
0x62: {  	_ =	shalt  }
0x63: {  	_ =	shalt  }
0x64: {  	_ =	shalt  }
0x65: {  	_ =	shalt  }
0x66: {  	_ =	shalt  }
0x67: {  	_ =	shalt  }
0x68: {  	_ =	shalt  }
0x69: {  	_ =	shalt  }
0x6a: {  	_ =	shalt  }
0x6b: {  	_ =	shalt  }
0x6c: {  	_ =	shalt  }
0x6d: {  	_ =	shalt  }
0x6e: {  	_ =	shalt  }
0x6f: {  	_ =	shalt  }
0x70: {  	_ =	shalt  }
0x71: {  	_ =	shalt  }
0x72: {  	_ =	shalt  }
0x73: {  	_ =	shalt  }
0x74: {  	_ =	shalt  }
0x75: {  	_ =	shalt  }
0x76: {  	_ =	shalt  }
0x77: {  	_ =	shalt  }
0x78: {  	_ =	shalt  }
0x79: {  	_ =	shalt  }
0x7a: {  	_ =	shalt  }
0x7b: {  	_ =	shalt  }
0x7c: {  	_ =	shalt  }
0x7d: {  	_ =	shalt  }
0x7e: {  	_ =	shalt  }
0x7f: {  	_ =	shalt  }
0x80: {  	_ =	shalt  }
0x81: {  	_ =	shalt  }
0x82: {  	_ =	shalt  }
0x83: {  	_ =	shalt  }
0x84: {  	_ =	shalt  }
0x85: {  	_ =	shalt  }
0x86: {  	_ =	shalt  }
0x87: {  	_ =	shalt  }
.Lfunc_end0:
.L_simem_size_0:
called_computation.2_lowered:
.L_overlay_start_0:
0x88: {  	s2 =	sld [smem:$0x3FD9]  }
0x89: {  	s3 =	sld [smem:$0x3FFE];
	_ =	sdelay $0x1  }
0x8a: {  	s1 =	srdreg.scid  }
0x8b: {  	s0 =	sand.u32 $0x1, s1  }
0x8c: {  	s14 =	sshll.u32 s0, $0xA;
	s2 =	sadd.s32 s3, s2  }
0x8d: {  	s2 =	sadd.s32 s2, s14  }
0x8e: {  	[smem:$0x3FC5] =	sst s2  }
0x8f: {  	_ = 	snop  }
0x90: {  	s2 =	sld [smem:$0x3FD0];
	_ =	sdelay $0x2  }
0x91: {  	s15 =	simm.s32 $0xA;
	s4 =	simm.s32 $0x10  }
0x92: {  	[smem:s4], [sflag:s15] =	dma.local [hbm:s2], $0x1  }
0x93: {  	_ =	swait.eq [sflag:s15], $0x1  }
0x94: {  	[sflag:s15] =	ssyncset.done $0x0  }
0x95: {  	[sflag:s15] =	ssyncadd.s32 $0xFFFFFFFF  }
0x96: {  	s16 =	sld [smem:$0x11];
	(tm) =	ssettm $0x1  }
0x97: {  	s17 =	sld [smem:$0x3FFB];
	_ =	sdelay $0x3  }
0x98: {  	_ =	strace s17  }
0x99: {  	s3 =	sld [smem:$0x3FFC];
	_ =	sdelay $0x3  }
0x9a: {  	_ =	strace s3  }
0x9b: {  	s3 =	sld [smem:$0x3FFD];
	_ =	sdelay $0x3  }
0x9c: {  	_ =	strace s3  }
0x9d: {  	_ =	strace $0x8FFFFFFF  }
0x9e: {  	s18 =	sld [smem:$0x3FDB];
	_ =	sdelay $0x1  }
0x9f: {  	s19 =	simm.s32 $_scs_section_size  }
0xa0: {  	s5 =	simm.s32 $_size__tile_overlayer_lowered;
	s6 =	simm.s32 $_tile_overlayer_lowered  }
0xa1: {  	s22 =	simm.s32 $0x1BFF;
	s21 =	sshll.u32 s6, $0x1;
	s3 =	sadd.s32 s19, s18  }
0xa2: {  	s7 =	simm.s32 $0x0;
	s20 =	sshll.u32 s5, $0x1;
	s5 =	sadd.s32 s21, s3  }
0xa3: {  	[timem:s7], [sflag:s22] =	dma.local [hbm:s5], s20  }
0xa4: {  	_ =	swait.ge [sflag:s22], s20  }
0xa5: {  	s4 =	ssub.s32 $0x0, s20;
	[sflag:s22] =	ssyncset.done $0x0  }
0xa6: {  	[sflag:s22] =	ssyncadd.s32 s4;
	_ =	sdelay $0x1  }
0xa7: {  	s23 =	simm.s32 $0x1B8B  }
0xa8: {  	_ =	swait.ge [sflag:s23], $0x1  }
0xa9: {  	[sflag:s23] =	ssyncset.done $0x0  }
0xaa: {  	s25 =	simm.s32 $0x1B8E;
	s24 =	sld [smem:$0x3FFE];
	[sflag:s23] =	ssyncadd.s32 $0xFFFFFFFF  }
0xab: {  	s26 =	simm.s32 $execute0_lowered;
	[smem:$0x3FD2] =	sst s25  }
0xac: {  	s5 =	sshll.u32 s26, $0x1;
	_ =	strace $0x80000049;
	[dreg:$0x1] =	wrdreg $0xFFFFFFFF  }
0xad: {  	s28 =	simm.s32 $_size_execute0_lowered;
	s3 =	sadd.s32 s3, s5;
	[dreg:$0x0] =	wrdreg $0x0  }
0xae: {  	s5 =	sshll.u32 s28, $0x1;
	[dreg:$0x2] =	wrdreg s3  }
0xaf: {  	[dreg:$0x3] =	wrdreg s5  }
0xb0: {  	[dreg:$0x4] =	wrdreg $0xC0  }
0xb1: {  	_ =	task [dreg:s7], $0x5FFFF  }
0xb2: {  	[dreg:$0x1] =	wrdreg $0xFFFFFFFF  }
0xb3: {  	[dreg:$0x0] =	wrdreg $0x60  }
0xb4: {  	[dreg:$0x2] =	wrdreg s16  }
0xb5: {  	[dreg:$0x3] =	wrdreg s24  }
0xb6: {  	[dreg:$0x4] =	wrdreg $0x9  }
0xb7: {  	_ =	task.clear_ibuf [dreg:s7], $0x5FFFF;
	_ =	strace $0x90000049  }
0xb8: {  	s29 =	simm.s32 $0x9;
	_ =	strace $0x8000004B  }
0xb9: {  	_ =	swait.ge [sflag:s29], $0x1  }
0xba: {  	[sflag:s29] =	ssyncadd.s32 $0xFFFFFFFF  }
0xbb: {  	_ =	strace $0x9000004B  }
0xbc: {  	_ =	sfence  }
0xbd: {  	s30 =	sld [smem:$0x0];
	_ =	sdelay $0x2  }
0xbe: {  	s31 =	sshll.u32 s1, $0xD;
	s1 =	sshrl.u32 s1, $0x2  }
0xbf: {  	s3 =	sand.u32 $0x4000, s31;
	s1 =	sadd.s32 s1, s30  }
0xc0: {  	s0 =	sor.u32 s3, s0;
	s1 =	sshll.u32 s1, $0x11  }
0xc1: {  	s0 =	sor.u32 s1, s0  }
0xc2: {  	s0 =	sadd.s32 $0x8F2B, s0  }
0xc3: {  	[sflag:s0] =	ssyncadd.remote.s32 $0x1  }
0xc4: {  	_ =	sfence.sel $0xFFFF  }
0xc5: {  	[dreg:$0x0] =	wrdreg $0xFFFFFFFF;
	(pc) =	sbr.abs _section_cstart, $3  }
0xc6: {  	[dreg:$0x1] =	wrdreg $0xFFFFFFFF  }
0xc7: {  	_ =	task.clear_ibuf [dreg:s7], $0x2FFFF;
	_ =	strace $0x9FFFFFFF  }
0xc8: {  	(tm) =	ssettm $0x7FFFFFFF  }
0xc9: {  	_ =	shalt  }
tec
execute0_lowered:
.L_overlay_start_1:
0x0: {  	(tag) =	ssettag $0x1  }
0x1: {  	s0 =	rddreg [dreg:$0x0]  }
0x2: {  	s1 =	srdreg.scid;
	s10 =	stileid.u32  }
0x3: {  	s2 =	rddreg [dreg:$0x1];
	s4 =	simm.s32 $0x0;
	s29 =	simm.s32 $0xA400  }
0x4: {  	s31 =	simm.s32 $0xC400;
	s1 =	sand.u32 $0x1, s1;
	s3 =	sshll.u32 s10, $0x1  }
0x5: {  	s28 =	simm.s32 $0xE400;
	s14 =	smul.u32 $0x190, s10;
	s5 =	sor.u32 s1, s3  }
0x6: {  	s30 =	simm.s32 $0x12400;
	[smem:$0x7FF] =	sst s4;
	s7 =	smul.u32 $0xC80, s5  }
0x7: {  	s4 =	sadd.s32 $0x1000, s2;
	s6 =	ssub.s32 $0x2, s1;
	s9 =	smul.u32 $0x64000, s5  }
0x8: {  	s10 =	simm.s32 $0x0;
	_ =	strace $0x8000004A;
	s8 =	sshrl.u32 s6, $0x1  }
0x9: {  	s8 =	ssub.s32 s6, s8;
	s0 =	sadd.s32 s0, s7;
	s6 =	sadd.s32 s4, s9  }
0xa: {  	s3 =	sadd.s32 $0xF43400, s2;
	[dreg:$0x7] =	wrdreg s0;
	s12 =	sadd.s32 $0x800, s6  }
0xb: {  	s1 =	smul.u32 $0xC8, s1;
	s13 =	sadd.s32 $0x1000, s6;
	[dreg:$0x8] =	wrdreg s12  }
0xc: {  	s2 =	simm.s32 $0x14400;
	s15 =	sadd.s32 $0x1800, s6;
	[dreg:$0x9] =	wrdreg s13  }
0xd: {  	s11 =	smul.u32 $0x320000, s5;
	s16 =	sadd.s32 $0x2000, s6;
	[dreg:$0xa] =	wrdreg s15  }
0xe: {  	s5 =	simm.s32 $0x40;
	s17 =	sadd.s32 $0x2800, s6;
	[dreg:$0xb] =	wrdreg s16  }
0xf: {  	s1 =	sadd.s32 s1, s14;
	s18 =	sadd.s32 $0x3000, s6;
	[dreg:$0xc] =	wrdreg s17  }
0x10: {  	s1 =	sshll.u32 s1, $0xB;
	s19 =	sadd.s32 $0x3800, s6;
	[dreg:$0xd] =	wrdreg s18  }
0x11: {  	s7 =	simm.s32 $0x2;
	s24 =	sadd.s32 $0x4000, s1;
	[dreg:$0xe] =	wrdreg s19  }
0x12: {  	s9 =	simm.s32 $0x4;
	s25 =	sadd.s32 $0x5000, s1;
	[dreg:$0x3] =	wrdreg s24  }
0x13: {  	s0 =	sshrl.u32 s11, $0x3;
	s26 =	sadd.s32 $0x7000, s1;
	[dreg:$0x4] =	wrdreg s25  }
0x14: {  	s1 =	sadd.s32 $0x6000, s1;
	s0 =	sadd.s32 s4, s0;
	[dreg:$0x5] =	wrdreg s26  }
0x15: {  	[dreg:$0x6] =	wrdreg s1;
	s24 =	simm.s32 $0x80;
	s20 =	sadd.s32 $0x60000, s0  }
0x16: {  	s25 =	simm.s32 $0x6400;
	s21 =	sadd.s32 $0x60800, s0;
	[dreg:$0xf] =	wrdreg s20  }
0x17: {  	s26 =	simm.s32 $0x8400;
	s22 =	sadd.s32 $0x61000, s0;
	[dreg:$0x10] =	wrdreg s21  }
0x18: {  	s1 =	simm.s32 $0x1;
	s23 =	sadd.s32 $0x61800, s0;
	[dreg:$0x11] =	wrdreg s22  }
0x19: {  	s18 =	sadd.s32 $0x62000, s0;
	s19 =	sadd.s32 $0x62800, s0;
	[dreg:$0x12] =	wrdreg s23  }
0x1a: {  	s20 =	sadd.s32 $0x63000, s0;
	s21 =	sadd.s32 $0x63800, s0;
	s22 =	smax.u32 s8, $0x1  }
0x1b: {  	s23 =	simm.s32 $0x5;
	s0 =	simm.s32 $0x10400;
	s8 =	simm.s32 $0x3  }
.LBB2_1:
0x1c: {  	s11 =	simm.s32 $0x0;
	s12 =	rddreg [dreg:$0x7]  }
0x1d: {  	[tilespmem:s11], [sflag:$0x5] =	stream.linear.gather [hbm4b:s12+s11], $0x6400, $0x38;
	[tilespmem:$0x16400] =	vst v63  }
0x1e: {  	_ =	swait.ge [sflag:s23], $0x6400  }
0x1f: {  	[sflag:s23] =	ssyncset.done $0x0  }
0x20: {  	[sflag:s23] =	ssyncadd.s32 $0xFFFF9C00  }
0x21: {  	[tilespmem:s25], [sflag:$0x1] =	stream.indirect.gather [hbm4b:s3+s24], $0x40, s11, s24, $0xb8;
	[tilespmem:$0x16400] =	vst v63  }
0x22: {  	_ = 	snop  }
0x23: {  	[tilespmem:s26], [sflag:$0x1] =	stream.indirect.gather [hbm4b:s3+s24], $0x40, s24, s24, $0xb8;
	[tilespmem:$0x16400] =	vst v63  }
0x24: {  	s13 =	simm.s32 $0x100  }
0x25: {  	[tilespmem:s29], [sflag:$0x1] =	stream.indirect.gather [hbm4b:s3+s24], $0x40, s13, s24, $0xb8;
	[tilespmem:$0x16400] =	vst v63  }
0x26: {  	s14 =	simm.s32 $0x180  }
0x27: {  	[tilespmem:s31], [sflag:$0x1] =	stream.indirect.gather [hbm4b:s3+s24], $0x40, s14, s24, $0xb8;
	[tilespmem:$0x16400] =	vst v63  }
0x28: {  	_ =	swait.ge [sflag:s1], $0x2000  }
0x29: {  	[sflag:s1] =	ssyncset.done $0x0  }
0x2a: {  	[sflag:s1] =	ssyncadd.s32 $0xFFFFE000  }
0x2b: {  	_ =	swait.ge [sflag:s1], $0x2000  }
0x2c: {  	[sflag:s1] =	ssyncset.done $0x0  }
0x2d: {  	[sflag:s1] =	ssyncadd.s32 $0xFFFFE000  }
0x2e: {  	_ =	swait.ge [sflag:s1], $0x2000  }
0x2f: {  	[sflag:s1] =	ssyncset.done $0x0  }
0x30: {  	[sflag:s1] =	ssyncadd.s32 $0xFFFFE000  }
0x31: {  	_ =	swait.ge [sflag:s1], $0x2000  }
0x32: {  	[sflag:s1] =	ssyncset.done $0x0  }
0x33: {  	s15 =	simm.s32 $0x200;
	[sflag:s1] =	ssyncadd.s32 $0xFFFFE000  }
0x34: {  	[tilespmem:s28], [sflag:$0x2] =	stream.indirect.gather [hbm4b:s3+s24], $0x40, s15, s24, $0xb8;
	[tilespmem:$0x16400] =	vst v63  }
0x35: {  	s16 =	simm.s32 $0x280  }
0x36: {  	[tilespmem:s0], [sflag:$0x2] =	stream.indirect.gather [hbm4b:s3+s24], $0x40, s16, s24, $0xb8;
	[tilespmem:$0x16400] =	vst v63  }
0x37: {  	s17 =	simm.s32 $0x300  }
0x38: {  	[tilespmem:s30], [sflag:$0x2] =	stream.indirect.gather [hbm4b:s3+s24], $0x40, s17, s24, $0xb8;
	[tilespmem:$0x16400] =	vst v63  }
0x39: {  	s12 =	simm.s32 $0x380  }
0x3a: {  	[tilespmem:s2], [sflag:$0x2] =	stream.indirect.gather [hbm4b:s3+s24], $0x40, s12, s24, $0xb8;
	[tilespmem:$0x16400] =	vst v63  }
0x3b: {  	_ = 	snop  }
0x3c: {  	[hbm4b:s6+s5] =	stream.strided.scatter [tilespmem:s25], [sflag:$0x3], $0x2000, s24, s5, $0x38;
	[tilespmem:$0x16400] =	vst v63  }
0x3d: {  	s13 =	rddreg [dreg:$0x8]  }
0x3e: {  	[hbm4b:s13+s5] =	stream.strided.scatter [tilespmem:s26], [sflag:$0x3], $0x2000, s24, s5, $0x38;
	[tilespmem:$0x16400] =	vst v63  }
0x3f: {  	s14 =	rddreg [dreg:$0x9]  }
0x40: {  	[hbm4b:s14+s5] =	stream.strided.scatter [tilespmem:s29], [sflag:$0x3], $0x2000, s24, s5, $0x38;
	[tilespmem:$0x16400] =	vst v63  }
0x41: {  	s15 =	rddreg [dreg:$0xa]  }
0x42: {  	[hbm4b:s15+s5] =	stream.strided.scatter [tilespmem:s31], [sflag:$0x3], $0x2000, s24, s5, $0x38;
	[tilespmem:$0x16400] =	vst v63  }
0x43: {  	_ =	swait.ge [sflag:s7], $0x2000  }
0x44: {  	[sflag:s7] =	ssyncset.done $0x0  }
0x45: {  	[sflag:s7] =	ssyncadd.s32 $0xFFFFE000  }
0x46: {  	_ =	swait.ge [sflag:s7], $0x2000  }
0x47: {  	[sflag:s7] =	ssyncset.done $0x0  }
0x48: {  	[sflag:s7] =	ssyncadd.s32 $0xFFFFE000  }
0x49: {  	_ =	swait.ge [sflag:s7], $0x2000  }
0x4a: {  	[sflag:s7] =	ssyncset.done $0x0  }
0x4b: {  	[sflag:s7] =	ssyncadd.s32 $0xFFFFE000  }
0x4c: {  	_ =	swait.ge [sflag:s7], $0x2000  }
0x4d: {  	[sflag:s7] =	ssyncset.done $0x0  }
0x4e: {  	[sflag:s7] =	ssyncadd.s32 $0xFFFFE000  }
0x4f: {  	_ =	swait.ge [sflag:s8], $0x2000  }
0x50: {  	[sflag:s8] =	ssyncset.done $0x0  }
0x51: {  	[sflag:s8] =	ssyncadd.s32 $0xFFFFE000  }
0x52: {  	_ =	swait.ge [sflag:s8], $0x2000  }
0x53: {  	[sflag:s8] =	ssyncset.done $0x0  }
0x54: {  	[sflag:s8] =	ssyncadd.s32 $0xFFFFE000  }
0x55: {  	_ =	swait.ge [sflag:s8], $0x2000  }
0x56: {  	[sflag:s8] =	ssyncset.done $0x0  }
0x57: {  	[sflag:s8] =	ssyncadd.s32 $0xFFFFE000  }
0x58: {  	_ =	swait.ge [sflag:s8], $0x2000  }
0x59: {  	[sflag:s8] =	ssyncset.done $0x0  }
0x5a: {  	s16 =	simm.s32 $0x400;
	[sflag:s8] =	ssyncadd.s32 $0xFFFFE000  }
0x5b: {  	[tilespmem:s25], [sflag:$0x1] =	stream.indirect.gather [hbm4b:s3+s24], $0x40, s16, s24, $0xb8;
	[tilespmem:$0x16400] =	vst v63  }
0x5c: {  	s17 =	simm.s32 $0x480  }
0x5d: {  	[tilespmem:s26], [sflag:$0x1] =	stream.indirect.gather [hbm4b:s3+s24], $0x40, s17, s24, $0xb8;
	[tilespmem:$0x16400] =	vst v63  }
0x5e: {  	s12 =	simm.s32 $0x500  }
0x5f: {  	[tilespmem:s29], [sflag:$0x1] =	stream.indirect.gather [hbm4b:s3+s24], $0x40, s12, s24, $0xb8;
	[tilespmem:$0x16400] =	vst v63  }
0x60: {  	s13 =	simm.s32 $0x580  }
0x61: {  	[tilespmem:s31], [sflag:$0x1] =	stream.indirect.gather [hbm4b:s3+s24], $0x40, s13, s24, $0xb8;
	[tilespmem:$0x16400] =	vst v63  }
0x62: {  	s14 =	rddreg [dreg:$0xb]  }
0x63: {  	[hbm4b:s14+s5] =	stream.strided.scatter [tilespmem:s28], [sflag:$0x4], $0x2000, s24, s5, $0x38;
	[tilespmem:$0x16400] =	vst v63  }
0x64: {  	s15 =	rddreg [dreg:$0xc]  }
0x65: {  	[hbm4b:s15+s5] =	stream.strided.scatter [tilespmem:s0], [sflag:$0x4], $0x2000, s24, s5, $0x38;
	[tilespmem:$0x16400] =	vst v63  }
0x66: {  	s16 =	rddreg [dreg:$0xd]  }
0x67: {  	[hbm4b:s16+s5] =	stream.strided.scatter [tilespmem:s30], [sflag:$0x4], $0x2000, s24, s5, $0x38;
	[tilespmem:$0x16400] =	vst v63  }
0x68: {  	s17 =	rddreg [dreg:$0xe]  }
0x69: {  	[hbm4b:s17+s5] =	stream.strided.scatter [tilespmem:s2], [sflag:$0x4], $0x2000, s24, s5, $0x38;
	[tilespmem:$0x16400] =	vst v63  }
0x6a: {  	_ =	swait.ge [sflag:s1], $0x2000  }
0x6b: {  	[sflag:s1] =	ssyncset.done $0x0  }
0x6c: {  	[sflag:s1] =	ssyncadd.s32 $0xFFFFE000  }
0x6d: {  	_ =	swait.ge [sflag:s1], $0x2000  }
0x6e: {  	[sflag:s1] =	ssyncset.done $0x0  }
0x6f: {  	[sflag:s1] =	ssyncadd.s32 $0xFFFFE000  }
0x70: {  	_ =	swait.ge [sflag:s1], $0x2000  }
0x71: {  	[sflag:s1] =	ssyncset.done $0x0  }
0x72: {  	[sflag:s1] =	ssyncadd.s32 $0xFFFFE000  }
0x73: {  	_ =	swait.ge [sflag:s1], $0x2000  }
0x74: {  	[sflag:s1] =	ssyncset.done $0x0  }
0x75: {  	[sflag:s1] =	ssyncadd.s32 $0xFFFFE000  }
0x76: {  	_ =	swait.ge [sflag:s9], $0x2000  }
0x77: {  	[sflag:s9] =	ssyncset.done $0x0  }
0x78: {  	[sflag:s9] =	ssyncadd.s32 $0xFFFFE000  }
0x79: {  	_ =	swait.ge [sflag:s9], $0x2000  }
0x7a: {  	[sflag:s9] =	ssyncset.done $0x0  }
0x7b: {  	[sflag:s9] =	ssyncadd.s32 $0xFFFFE000  }
0x7c: {  	_ =	swait.ge [sflag:s9], $0x2000  }
0x7d: {  	[sflag:s9] =	ssyncset.done $0x0  }
0x7e: {  	[sflag:s9] =	ssyncadd.s32 $0xFFFFE000  }
0x7f: {  	_ =	swait.ge [sflag:s9], $0x2000  }
0x80: {  	[sflag:s9] =	ssyncset.done $0x0  }
0x81: {  	s12 =	simm.s32 $0x600;
	[sflag:s9] =	ssyncadd.s32 $0xFFFFE000  }
0x82: {  	[tilespmem:s28], [sflag:$0x2] =	stream.indirect.gather [hbm4b:s3+s24], $0x40, s12, s24, $0xb8;
	[tilespmem:$0x16400] =	vst v63  }
0x83: {  	s13 =	simm.s32 $0x680  }
0x84: {  	[tilespmem:s0], [sflag:$0x2] =	stream.indirect.gather [hbm4b:s3+s24], $0x40, s13, s24, $0xb8;
	[tilespmem:$0x16400] =	vst v63  }
0x85: {  	s14 =	simm.s32 $0x700  }
0x86: {  	[tilespmem:s30], [sflag:$0x2] =	stream.indirect.gather [hbm4b:s3+s24], $0x40, s14, s24, $0xb8;
	[tilespmem:$0x16400] =	vst v63  }
0x87: {  	s16 =	simm.s32 $0x780;
	s15 =	rddreg [dreg:$0x3]  }
0x88: {  	[tilespmem:s2], [sflag:$0x2] =	stream.indirect.gather [hbm4b:s3+s24], $0x40, s16, s24, $0xb8;
	[tilespmem:$0x16400] =	vst v63  }
0x89: {  	s12 =	sadd.s32 s4, s15  }
0x8a: {  	[hbm4b:s12+s5] =	stream.strided.scatter [tilespmem:s25], [sflag:$0x3], $0x2000, s24, s5, $0x38;
	[tilespmem:$0x16400] =	vst v63  }
0x8b: {  	s17 =	rddreg [dreg:$0x4];
	s13 =	sadd.s32 $0x800, s12  }
0x8c: {  	[hbm4b:s13+s5] =	stream.strided.scatter [tilespmem:s26], [sflag:$0x3], $0x2000, s24, s5, $0x38;
	[tilespmem:$0x16400] =	vst v63  }
0x8d: {  	s11 =	sadd.s32 s4, s17  }
0x8e: {  	[hbm4b:s11+s5] =	stream.strided.scatter [tilespmem:s29], [sflag:$0x3], $0x2000, s24, s5, $0x38;
	[tilespmem:$0x16400] =	vst v63  }
0x8f: {  	s13 =	sadd.s32 $0x1800, s12  }
0x90: {  	[hbm4b:s13+s5] =	stream.strided.scatter [tilespmem:s31], [sflag:$0x3], $0x2000, s24, s5, $0x38;
	[tilespmem:$0x16400] =	vst v63  }
0x91: {  	_ =	swait.ge [sflag:s7], $0x2000  }
0x92: {  	[sflag:s7] =	ssyncset.done $0x0  }
0x93: {  	[sflag:s7] =	ssyncadd.s32 $0xFFFFE000  }
0x94: {  	_ =	swait.ge [sflag:s7], $0x2000  }
0x95: {  	[sflag:s7] =	ssyncset.done $0x0  }
0x96: {  	[sflag:s7] =	ssyncadd.s32 $0xFFFFE000  }
0x97: {  	_ =	swait.ge [sflag:s7], $0x2000  }
0x98: {  	[sflag:s7] =	ssyncset.done $0x0  }
0x99: {  	[sflag:s7] =	ssyncadd.s32 $0xFFFFE000  }
0x9a: {  	_ =	swait.ge [sflag:s7], $0x2000  }
0x9b: {  	[sflag:s7] =	ssyncset.done $0x0  }
0x9c: {  	[sflag:s7] =	ssyncadd.s32 $0xFFFFE000  }
0x9d: {  	_ =	swait.ge [sflag:s8], $0x2000  }
0x9e: {  	[sflag:s8] =	ssyncset.done $0x0  }
0x9f: {  	[sflag:s8] =	ssyncadd.s32 $0xFFFFE000  }
0xa0: {  	_ =	swait.ge [sflag:s8], $0x2000  }
0xa1: {  	[sflag:s8] =	ssyncset.done $0x0  }
0xa2: {  	[sflag:s8] =	ssyncadd.s32 $0xFFFFE000  }
0xa3: {  	_ =	swait.ge [sflag:s8], $0x2000  }
0xa4: {  	[sflag:s8] =	ssyncset.done $0x0  }
0xa5: {  	[sflag:s8] =	ssyncadd.s32 $0xFFFFE000  }
0xa6: {  	_ =	swait.ge [sflag:s8], $0x2000  }
0xa7: {  	[sflag:s8] =	ssyncset.done $0x0  }
0xa8: {  	s14 =	simm.s32 $0x800;
	[sflag:s8] =	ssyncadd.s32 $0xFFFFE000  }
0xa9: {  	[tilespmem:s25], [sflag:$0x1] =	stream.indirect.gather [hbm4b:s3+s24], $0x40, s14, s24, $0xb8;
	[tilespmem:$0x16400] =	vst v63  }
0xaa: {  	s15 =	simm.s32 $0x880  }
0xab: {  	[tilespmem:s26], [sflag:$0x1] =	stream.indirect.gather [hbm4b:s3+s24], $0x40, s15, s24, $0xb8;
	[tilespmem:$0x16400] =	vst v63  }
0xac: {  	s17 =	simm.s32 $0x900  }
0xad: {  	[tilespmem:s29], [sflag:$0x1] =	stream.indirect.gather [hbm4b:s3+s24], $0x40, s17, s24, $0xb8;
	[tilespmem:$0x16400] =	vst v63  }
0xae: {  	s16 =	rddreg [dreg:$0x6];
	s14 =	simm.s32 $0x980  }
0xaf: {  	[tilespmem:s31], [sflag:$0x1] =	stream.indirect.gather [hbm4b:s3+s24], $0x40, s14, s24, $0xb8;
	[tilespmem:$0x16400] =	vst v63  }
0xb0: {  	s11 =	sadd.s32 s4, s16  }
0xb1: {  	[hbm4b:s11+s5] =	stream.strided.scatter [tilespmem:s28], [sflag:$0x4], $0x2000, s24, s5, $0x38;
	[tilespmem:$0x16400] =	vst v63  }
0xb2: {  	s13 =	sadd.s32 $0x3800, s12;
	s16 =	sadd.s32 $0x2800, s12;
	s15 =	rddreg [dreg:$0x5]  }
0xb3: {  	[hbm4b:s16+s5] =	stream.strided.scatter [tilespmem:s0], [sflag:$0x4], $0x2000, s24, s5, $0x38;
	[tilespmem:$0x16400] =	vst v63  }
0xb4: {  	s12 =	sadd.s32 $0x4000, s4;
	s17 =	sadd.s32 s4, s15;
	s11 =	simm.s32 $0x1000  }
0xb5: {  	[hbm4b:s17+s5] =	stream.strided.scatter [tilespmem:s30], [sflag:$0x4], $0x2000, s24, s5, $0x38;
	[tilespmem:$0x16400] =	vst v63  }
.LBB2_2:
0xb6: {  	[hbm4b:s13+s5] =	stream.strided.scatter [tilespmem:s2], [sflag:$0x4], $0x2000, s24, s5, $0x38;
	[tilespmem:$0x16400] =	vst v63  }
0xb7: {  	_ =	swait.ge [sflag:s1], $0x2000  }
0xb8: {  	[sflag:s1] =	ssyncset.done $0x0  }
0xb9: {  	[sflag:s1] =	ssyncadd.s32 $0xFFFFE000  }
0xba: {  	_ =	swait.ge [sflag:s1], $0x2000  }
0xbb: {  	[sflag:s1] =	ssyncset.done $0x0  }
0xbc: {  	[sflag:s1] =	ssyncadd.s32 $0xFFFFE000  }
0xbd: {  	_ =	swait.ge [sflag:s1], $0x2000  }
0xbe: {  	[sflag:s1] =	ssyncset.done $0x0  }
0xbf: {  	[sflag:s1] =	ssyncadd.s32 $0xFFFFE000  }
0xc0: {  	_ =	swait.ge [sflag:s1], $0x2000  }
0xc1: {  	[sflag:s1] =	ssyncset.done $0x0  }
0xc2: {  	[sflag:s1] =	ssyncadd.s32 $0xFFFFE000  }
0xc3: {  	_ =	swait.ge [sflag:s9], $0x2000  }
0xc4: {  	[sflag:s9] =	ssyncset.done $0x0  }
0xc5: {  	[sflag:s9] =	ssyncadd.s32 $0xFFFFE000  }
0xc6: {  	_ =	swait.ge [sflag:s9], $0x2000  }
0xc7: {  	[sflag:s9] =	ssyncset.done $0x0  }
0xc8: {  	[sflag:s9] =	ssyncadd.s32 $0xFFFFE000  }
0xc9: {  	_ =	swait.ge [sflag:s9], $0x2000  }
0xca: {  	[sflag:s9] =	ssyncset.done $0x0  }
0xcb: {  	[sflag:s9] =	ssyncadd.s32 $0xFFFFE000  }
0xcc: {  	s15 =	smov.u32 s11;
	_ =	swait.ge [sflag:s9], $0x2000  }
0xcd: {  	s13 =	sshra.s32 s15, $0x2;
	[sflag:s9] =	ssyncset.done $0x0  }
0xce: {  	s14 =	sadd.s32 $0x600, s13;
	[sflag:s9] =	ssyncadd.s32 $0xFFFFE000  }
0xcf: {  	[tilespmem:s28], [sflag:$0x2] =	stream.indirect.gather [hbm4b:s3+s24], $0x40, s14, s24, $0xb8;
	[tilespmem:$0x16400] =	vst v63  }
0xd0: {  	s16 =	sadd.s32 $0x680, s13  }
0xd1: {  	[tilespmem:s0], [sflag:$0x2] =	stream.indirect.gather [hbm4b:s3+s24], $0x40, s16, s24, $0xb8;
	[tilespmem:$0x16400] =	vst v63  }
0xd2: {  	s17 =	sadd.s32 $0x700, s13  }
0xd3: {  	[tilespmem:s30], [sflag:$0x2] =	stream.indirect.gather [hbm4b:s3+s24], $0x40, s17, s24, $0xb8;
	[tilespmem:$0x16400] =	vst v63  }
0xd4: {  	s15 =	rddreg [dreg:$0x3];
	s16 =	sadd.s32 $0x780, s13  }
0xd5: {  	[tilespmem:s2], [sflag:$0x2] =	stream.indirect.gather [hbm4b:s3+s24], $0x40, s16, s24, $0xb8;
	[tilespmem:$0x16400] =	vst v63  }
0xd6: {  	s14 =	sadd.s32 s12, s15  }
0xd7: {  	[hbm4b:s14+s5] =	stream.strided.scatter [tilespmem:s25], [sflag:$0x3], $0x2000, s24, s5, $0x38;
	[tilespmem:$0x16400] =	vst v63  }
0xd8: {  	s17 =	rddreg [dreg:$0x4];
	s16 =	sadd.s32 $0x800, s14  }
0xd9: {  	[hbm4b:s16+s5] =	stream.strided.scatter [tilespmem:s26], [sflag:$0x3], $0x2000, s24, s5, $0x38;
	[tilespmem:$0x16400] =	vst v63  }
0xda: {  	s15 =	sadd.s32 s12, s17  }
0xdb: {  	[hbm4b:s15+s5] =	stream.strided.scatter [tilespmem:s29], [sflag:$0x3], $0x2000, s24, s5, $0x38;
	[tilespmem:$0x16400] =	vst v63  }
0xdc: {  	s17 =	sadd.s32 $0x1800, s14  }
0xdd: {  	[hbm4b:s17+s5] =	stream.strided.scatter [tilespmem:s31], [sflag:$0x3], $0x2000, s24, s5, $0x38;
	[tilespmem:$0x16400] =	vst v63  }
0xde: {  	_ =	swait.ge [sflag:s7], $0x2000  }
0xdf: {  	[sflag:s7] =	ssyncset.done $0x0  }
0xe0: {  	[sflag:s7] =	ssyncadd.s32 $0xFFFFE000  }
0xe1: {  	_ =	swait.ge [sflag:s7], $0x2000  }
0xe2: {  	[sflag:s7] =	ssyncset.done $0x0  }
0xe3: {  	[sflag:s7] =	ssyncadd.s32 $0xFFFFE000  }
0xe4: {  	_ =	swait.ge [sflag:s7], $0x2000  }
0xe5: {  	[sflag:s7] =	ssyncset.done $0x0  }
0xe6: {  	[sflag:s7] =	ssyncadd.s32 $0xFFFFE000  }
0xe7: {  	_ =	swait.ge [sflag:s7], $0x2000  }
0xe8: {  	[sflag:s7] =	ssyncset.done $0x0  }
0xe9: {  	[sflag:s7] =	ssyncadd.s32 $0xFFFFE000  }
0xea: {  	_ =	swait.ge [sflag:s8], $0x2000  }
0xeb: {  	[sflag:s8] =	ssyncset.done $0x0  }
0xec: {  	[sflag:s8] =	ssyncadd.s32 $0xFFFFE000  }
0xed: {  	_ =	swait.ge [sflag:s8], $0x2000  }
0xee: {  	[sflag:s8] =	ssyncset.done $0x0  }
0xef: {  	[sflag:s8] =	ssyncadd.s32 $0xFFFFE000  }
0xf0: {  	_ =	swait.ge [sflag:s8], $0x2000  }
0xf1: {  	[sflag:s8] =	ssyncset.done $0x0  }
0xf2: {  	[sflag:s8] =	ssyncadd.s32 $0xFFFFE000  }
0xf3: {  	_ =	swait.ge [sflag:s8], $0x2000  }
0xf4: {  	[sflag:s8] =	ssyncset.done $0x0  }
0xf5: {  	s16 =	sadd.s32 $0x800, s13;
	[sflag:s8] =	ssyncadd.s32 $0xFFFFE000  }
0xf6: {  	[tilespmem:s25], [sflag:$0x1] =	stream.indirect.gather [hbm4b:s3+s24], $0x40, s16, s24, $0xb8;
	[tilespmem:$0x16400] =	vst v63  }
0xf7: {  	s16 =	sadd.s32 $0x880, s13  }
0xf8: {  	[tilespmem:s26], [sflag:$0x1] =	stream.indirect.gather [hbm4b:s3+s24], $0x40, s16, s24, $0xb8;
	[tilespmem:$0x16400] =	vst v63  }
0xf9: {  	s16 =	sadd.s32 $0x900, s13  }
0xfa: {  	[tilespmem:s29], [sflag:$0x1] =	stream.indirect.gather [hbm4b:s3+s24], $0x40, s16, s24, $0xb8;
	[tilespmem:$0x16400] =	vst v63  }
0xfb: {  	s15 =	rddreg [dreg:$0x6];
	s13 =	sadd.s32 $0x980, s13  }
0xfc: {  	[tilespmem:s31], [sflag:$0x1] =	stream.indirect.gather [hbm4b:s3+s24], $0x40, s13, s24, $0xb8;
	[tilespmem:$0x16400] =	vst v63  }
0xfd: {  	p0 =	sne.s32 s11, $0x16000;
	s15 =	sadd.s32 s12, s15  }
0xfe: {  	[hbm4b:s15+s5] =	stream.strided.scatter [tilespmem:s28], [sflag:$0x4], $0x2000, s24, s5, $0x38;
	[tilespmem:$0x16400] =	vst v63  }
.Ltmp0:
0xff: {  	_ = 	snop;
	(pc) =	sbr.rel @p0 .LBB2_2-.Ltmp0, $4  }
0x100: {  	s11 =	sadd.s32 $0x1000, s11;
	s17 =	rddreg [dreg:$0x5];
	s16 =	sadd.s32 $0x2800, s14  }
0x101: {  	[hbm4b:s16+s5] =	stream.strided.scatter [tilespmem:s0], [sflag:$0x4], $0x2000, s24, s5, $0x38;
	[tilespmem:$0x16400] =	vst v63  }
0x102: {  	s17 =	sadd.s32 s12, s17;
	s12 =	sadd.s32 $0x4000, s12;
	s13 =	sadd.s32 $0x3800, s14  }
0x103: {  	[hbm4b:s17+s5] =	stream.strided.scatter [tilespmem:s30], [sflag:$0x4], $0x2000, s24, s5, $0x38;
	[tilespmem:$0x16400] =	vst v63  }
0x104: {  	[hbm4b:s13+s5] =	stream.strided.scatter [tilespmem:s2], [sflag:$0x4], $0x2000, s24, s5, $0x38;
	[tilespmem:$0x16400] =	vst v63  }
0x105: {  	_ =	swait.ge [sflag:s1], $0x2000  }
0x106: {  	[sflag:s1] =	ssyncset.done $0x0  }
0x107: {  	[sflag:s1] =	ssyncadd.s32 $0xFFFFE000  }
0x108: {  	_ =	swait.ge [sflag:s1], $0x2000  }
0x109: {  	[sflag:s1] =	ssyncset.done $0x0  }
0x10a: {  	[sflag:s1] =	ssyncadd.s32 $0xFFFFE000  }
0x10b: {  	_ =	swait.ge [sflag:s1], $0x2000  }
0x10c: {  	[sflag:s1] =	ssyncset.done $0x0  }
0x10d: {  	[sflag:s1] =	ssyncadd.s32 $0xFFFFE000  }
0x10e: {  	_ =	swait.ge [sflag:s1], $0x2000  }
0x10f: {  	[sflag:s1] =	ssyncset.done $0x0  }
0x110: {  	[sflag:s1] =	ssyncadd.s32 $0xFFFFE000  }
0x111: {  	_ =	swait.ge [sflag:s9], $0x2000  }
0x112: {  	[sflag:s9] =	ssyncset.done $0x0  }
0x113: {  	[sflag:s9] =	ssyncadd.s32 $0xFFFFE000  }
0x114: {  	_ =	swait.ge [sflag:s9], $0x2000  }
0x115: {  	[sflag:s9] =	ssyncset.done $0x0  }
0x116: {  	[sflag:s9] =	ssyncadd.s32 $0xFFFFE000  }
0x117: {  	_ =	swait.ge [sflag:s9], $0x2000  }
0x118: {  	[sflag:s9] =	ssyncset.done $0x0  }
0x119: {  	[sflag:s9] =	ssyncadd.s32 $0xFFFFE000  }
0x11a: {  	_ =	swait.ge [sflag:s9], $0x2000  }
0x11b: {  	[sflag:s9] =	ssyncset.done $0x0  }
0x11c: {  	s11 =	simm.s32 $0x6200;
	[sflag:s9] =	ssyncadd.s32 $0xFFFFE000  }
0x11d: {  	[tilespmem:s28], [sflag:$0x2] =	stream.indirect.gather [hbm4b:s3+s24], $0x40, s11, s24, $0xb8;
	[tilespmem:$0x16400] =	vst v63  }
0x11e: {  	s17 =	simm.s32 $0x6280  }
0x11f: {  	[tilespmem:s0], [sflag:$0x2] =	stream.indirect.gather [hbm4b:s3+s24], $0x40, s17, s24, $0xb8;
	[tilespmem:$0x16400] =	vst v63  }
0x120: {  	s12 =	simm.s32 $0x6300  }
0x121: {  	[tilespmem:s30], [sflag:$0x2] =	stream.indirect.gather [hbm4b:s3+s24], $0x40, s12, s24, $0xb8;
	[tilespmem:$0x16400] =	vst v63  }
0x122: {  	s13 =	simm.s32 $0x6380  }
0x123: {  	[tilespmem:s2], [sflag:$0x2] =	stream.indirect.gather [hbm4b:s3+s24], $0x40, s13, s24, $0xb8;
	[tilespmem:$0x16400] =	vst v63  }
0x124: {  	s14 =	rddreg [dreg:$0xf]  }
0x125: {  	[hbm4b:s14+s5] =	stream.strided.scatter [tilespmem:s25], [sflag:$0x3], $0x2000, s24, s5, $0x38;
	[tilespmem:$0x16400] =	vst v63  }
0x126: {  	s15 =	rddreg [dreg:$0x10]  }
0x127: {  	[hbm4b:s15+s5] =	stream.strided.scatter [tilespmem:s26], [sflag:$0x3], $0x2000, s24, s5, $0x38;
	[tilespmem:$0x16400] =	vst v63  }
0x128: {  	s16 =	rddreg [dreg:$0x11]  }
0x129: {  	[hbm4b:s16+s5] =	stream.strided.scatter [tilespmem:s29], [sflag:$0x3], $0x2000, s24, s5, $0x38;
	[tilespmem:$0x16400] =	vst v63  }
0x12a: {  	s17 =	rddreg [dreg:$0x12]  }
0x12b: {  	[hbm4b:s17+s5] =	stream.strided.scatter [tilespmem:s31], [sflag:$0x3], $0x2000, s24, s5, $0x38;
	[tilespmem:$0x16400] =	vst v63  }
0x12c: {  	_ =	swait.ge [sflag:s7], $0x2000  }
0x12d: {  	[sflag:s7] =	ssyncset.done $0x0  }
0x12e: {  	[sflag:s7] =	ssyncadd.s32 $0xFFFFE000  }
0x12f: {  	_ =	swait.ge [sflag:s7], $0x2000  }
0x130: {  	[sflag:s7] =	ssyncset.done $0x0  }
0x131: {  	[sflag:s7] =	ssyncadd.s32 $0xFFFFE000  }
0x132: {  	_ =	swait.ge [sflag:s7], $0x2000  }
0x133: {  	[sflag:s7] =	ssyncset.done $0x0  }
0x134: {  	[sflag:s7] =	ssyncadd.s32 $0xFFFFE000  }
0x135: {  	_ =	swait.ge [sflag:s7], $0x2000  }
0x136: {  	[sflag:s7] =	ssyncset.done $0x0  }
0x137: {  	[sflag:s7] =	ssyncadd.s32 $0xFFFFE000  }
0x138: {  	_ =	swait.ge [sflag:s8], $0x2000  }
0x139: {  	[sflag:s8] =	ssyncset.done $0x0  }
0x13a: {  	[sflag:s8] =	ssyncadd.s32 $0xFFFFE000  }
0x13b: {  	_ =	swait.ge [sflag:s8], $0x2000  }
0x13c: {  	[sflag:s8] =	ssyncset.done $0x0  }
0x13d: {  	[sflag:s8] =	ssyncadd.s32 $0xFFFFE000  }
0x13e: {  	_ =	swait.ge [sflag:s8], $0x2000  }
0x13f: {  	[sflag:s8] =	ssyncset.done $0x0  }
0x140: {  	[sflag:s8] =	ssyncadd.s32 $0xFFFFE000  }
0x141: {  	_ =	swait.ge [sflag:s8], $0x2000  }
0x142: {  	[sflag:s8] =	ssyncset.done $0x0  }
0x143: {  	[sflag:s8] =	ssyncadd.s32 $0xFFFFE000  }
0x144: {  	[hbm4b:s18+s5] =	stream.strided.scatter [tilespmem:s28], [sflag:$0x4], $0x2000, s24, s5, $0x38;
	[tilespmem:$0x16400] =	vst v63  }
0x145: {  	_ = 	snop  }
0x146: {  	[hbm4b:s19+s5] =	stream.strided.scatter [tilespmem:s0], [sflag:$0x4], $0x2000, s24, s5, $0x38;
	[tilespmem:$0x16400] =	vst v63  }
0x147: {  	_ = 	snop  }
0x148: {  	[hbm4b:s20+s5] =	stream.strided.scatter [tilespmem:s30], [sflag:$0x4], $0x2000, s24, s5, $0x38;
	[tilespmem:$0x16400] =	vst v63  }
0x149: {  	_ = 	snop  }
0x14a: {  	[hbm4b:s21+s5] =	stream.strided.scatter [tilespmem:s2], [sflag:$0x4], $0x2000, s24, s5, $0x38;
	[tilespmem:$0x16400] =	vst v63  }
0x14b: {  	_ =	swait.ge [sflag:s9], $0x2000  }
0x14c: {  	[sflag:s9] =	ssyncset.done $0x0  }
0x14d: {  	[sflag:s9] =	ssyncadd.s32 $0xFFFFE000  }
0x14e: {  	_ =	swait.ge [sflag:s9], $0x2000  }
0x14f: {  	[sflag:s9] =	ssyncset.done $0x0  }
0x150: {  	s10 =	sadd.s32 $0x1, s10;
	[sflag:s9] =	ssyncadd.s32 $0xFFFFE000  }
0x151: {  	p0 =	sne.s32 s10, s22;
	_ =	swait.ge [sflag:s9], $0x2000  }
.Ltmp1:
0x152: {  	[sflag:s9] =	ssyncset.done $0x0;
	(pc) =	sbr.rel @p0 .LBB2_1-.Ltmp1, $4  }
0x153: {  	[sflag:s9] =	ssyncadd.s32 $0xFFFFE000  }
0x154: {  	_ =	swait.ge [sflag:s9], $0x2000  }
0x155: {  	[sflag:s9] =	ssyncset.done $0x0  }
0x156: {  	[sflag:s9] =	ssyncadd.s32 $0xFFFFE000  }
0x157: {  	_ =	sfence.sel $0x180000  }
0x158: {  	[bflag:$0x0] =	sbarrier.arrive $0xFFFF  }
0x159: {  	_ =	strace $0x9000004A  }
0x15a: {  	s0 =	stileid.u32;
	[bflag:$0x2] =	sbarrier.arrive $0xFFFF  }
0x15b: {  	p0 =	sne.s32 s0, $0x0;
	s0 =	rddreg [dreg:$0x2]  }
0x15c: {  	s0 =	sadd.s32 @!p0 $0x100000, s0  }
0x15d: {  	[sflag:s0] =	ssyncadd.tile.s32 @!p0 $0x1;
	_ =	shalt  }
.Lfunc_end2:
_tile_overlayer_lowered:
.L_overlay_start_2:
0x15e: {  	(tag) =	ssettag $0x2  }
0x15f: {  	s0 =	rddreg [dreg:$0x0];
	s2 =	stileid.u32  }
0x160: {  	s1 =	rddreg [dreg:$0x1];
	p0 =	sne.s32 s2, $0x0  }
0x161: {  	s3 =	rddreg [dreg:$0x2];
	[bflag:$0x3] =	sbarrier.arrive $0xFFFF;
	s2 =	simm.s32 @!p0 $0x1C05  }
0x162: {  	[timem:s3], [sflag:s2] =	dma.local @!p0 [hbm:s0], s1  }
0x163: {  	s0 =	simm.s32 @!p0 $0x5  }
0x164: {  	_ =	swait.ge @!p0 [sflag:s0], s1  }
0x165: {  	s1 =	ssub.s32 @!p0 $0x0, s1;
	[sflag:s0] =	ssyncset.done @!p0 $0x0  }
0x166: {  	[sflag:s0] =	ssyncadd.s32 @!p0 s1  }
0x167: {  	[bflag:$0x3] =	sbarrier.arrive $0xFFFF  }
0x168: {  	_ =	shalt  }

// kernel: sparse-core-data-format-call.1.cloned.1.call-start
scs
called_computation.1_lowered:
.L_overlay_start_0:
0x0: {  	s2 =	sld [smem:$0x3FD9]  }
0x1: {  	s3 =	sld [smem:$0x3FFE];
	_ =	sdelay $0x1  }
0x2: {  	s1 =	srdreg.scid  }
0x3: {  	s0 =	sand.u32 $0x1, s1  }
0x4: {  	s18 =	sshll.u32 s0, $0xA;
	s2 =	sadd.s32 s3, s2  }
0x5: {  	s2 =	sadd.s32 s2, s18  }
0x6: {  	[smem:$0x3FC5] =	sst s2  }
0x7: {  	_ = 	snop  }
0x8: {  	s2 =	sld [smem:$0x3FC7];
	(tm) =	ssettm $0x1  }
0x9: {  	s19 =	sld [smem:$0x3FFB];
	_ =	sdelay $0x3  }
0xa: {  	_ =	strace s19  }
0xb: {  	s3 =	sld [smem:$0x3FFC];
	_ =	sdelay $0x3  }
0xc: {  	_ =	strace s3  }
0xd: {  	s3 =	sld [smem:$0x3FFD];
	_ =	sdelay $0x3  }
0xe: {  	_ =	strace s3  }
0xf: {  	_ =	strace $0x8FFFFFFF  }
0x10: {  	s20 =	sld [smem:$0x3FDB];
	_ =	sdelay $0x1  }
0x11: {  	s4 =	simm.s32 $_scs_section_size  }
0x12: {  	s5 =	simm.s32 $_size__tile_overlayer_lowered;
	s6 =	simm.s32 $_tile_overlayer_lowered  }
0x13: {  	s23 =	simm.s32 $0x1BFF;
	s22 =	sshll.u32 s6, $0x1;
	s3 =	sadd.s32 s4, s20  }
0x14: {  	s7 =	simm.s32 $0x0;
	s21 =	sshll.u32 s5, $0x1;
	s5 =	sadd.s32 s22, s3  }
0x15: {  	[timem:s7], [sflag:s23] =	dma.local [hbm:s5], s21  }
0x16: {  	_ =	swait.ge [sflag:s23], s21  }
0x17: {  	s4 =	ssub.s32 $0x0, s21;
	[sflag:s23] =	ssyncset.done $0x0  }
0x18: {  	[sflag:s23] =	ssyncadd.s32 s4;
	_ =	sdelay $0x1  }
0x19: {  	s24 =	simm.s32 $0x1B8B  }
0x1a: {  	_ =	swait.ge [sflag:s24], $0x1  }
0x1b: {  	[sflag:s24] =	ssyncset.done $0x0  }
0x1c: {  	s26 =	simm.s32 $0x1B8E;
	s25 =	sld [smem:$0x3FFE];
	[sflag:s24] =	ssyncadd.s32 $0xFFFFFFFF  }
0x1d: {  	s27 =	simm.s32 $execute0_lowered;
	[smem:$0x3FD2] =	sst s26  }
0x1e: {  	s5 =	sshll.u32 s27, $0x1;
	_ =	strace $0x80000046;
	[dreg:$0x1] =	wrdreg $0xFFFFFFFF  }
0x1f: {  	s28 =	simm.s32 $_size_execute0_lowered;
	s3 =	sadd.s32 s3, s5;
	[dreg:$0x0] =	wrdreg $0x0  }
0x20: {  	s5 =	sshll.u32 s28, $0x1;
	[dreg:$0x2] =	wrdreg s3  }
0x21: {  	[dreg:$0x3] =	wrdreg s5  }
0x22: {  	[dreg:$0x4] =	wrdreg $0xC0  }
0x23: {  	_ =	task [dreg:s7], $0x5FFFF  }
0x24: {  	[dreg:$0x1] =	wrdreg $0xFFFFFFFF  }
0x25: {  	[dreg:$0x0] =	wrdreg $0x60  }
0x26: {  	[dreg:$0x2] =	wrdreg s2  }
0x27: {  	[dreg:$0x3] =	wrdreg s25  }
0x28: {  	[dreg:$0x4] =	wrdreg $0x9  }
0x29: {  	_ =	task.clear_ibuf [dreg:s7], $0x5FFFF;
	_ =	strace $0x90000046  }
0x2a: {  	s29 =	simm.s32 $0x9;
	_ =	strace $0x80000048  }
0x2b: {  	_ =	swait.ge [sflag:s29], $0x1  }
0x2c: {  	[sflag:s29] =	ssyncadd.s32 $0xFFFFFFFF  }
0x2d: {  	_ =	strace $0x90000048  }
0x2e: {  	_ =	sfence  }
0x2f: {  	s30 =	sld [smem:$0x0];
	_ =	sdelay $0x2  }
0x30: {  	s31 =	sshll.u32 s1, $0xD;
	s1 =	sshrl.u32 s1, $0x2  }
0x31: {  	s3 =	sand.u32 $0x4000, s31;
	s1 =	sadd.s32 s1, s30  }
0x32: {  	s0 =	sor.u32 s3, s0;
	s1 =	sshll.u32 s1, $0x11  }
0x33: {  	s0 =	sor.u32 s1, s0  }
0x34: {  	s0 =	sadd.s32 $0x8F2B, s0  }
0x35: {  	[sflag:s0] =	ssyncadd.remote.s32 $0x1  }
0x36: {  	_ =	sfence.sel $0xFFFF  }
0x37: {  	[dreg:$0x0] =	wrdreg $0xFFFFFFFF;
	(pc) =	sbr.abs _section_cstart, $3  }
0x38: {  	[dreg:$0x1] =	wrdreg $0xFFFFFFFF  }
0x39: {  	_ =	task.clear_ibuf [dreg:s7], $0x2FFFF;
	_ =	strace $0x9FFFFFFF  }
0x3a: {  	(tm) =	ssettm $0x7FFFFFFF  }
0x3b: {  	_ =	shalt  }
tec
execute0_lowered:
.L_overlay_start_1:
0x0: {  	(tag) =	ssettag $0x1  }
0x1: {  	s0 =	srdreg.scid;
	s2 =	rddreg [dreg:$0x0]  }
0x2: {  	s5 =	rddreg [dreg:$0x1];
	s1 =	stileid.u32  }
0x3: {  	s4 =	simm.s32 $0x1;
	s6 =	simm.s32 $0x2;
	s15 =	simm.s32 $0x0  }
0x4: {  	p0 =	por $0x0, $0x0;
	s8 =	simm.s32 $0x80;
	s0 =	sshll.u32 s0, $0x4  }
0x5: {  	s14 =	simm.s32 $0x0;
	s9 =	simm.s32 $0x0;
	s3 =	sand.u32 $0x10, s0  }
.Ltmp0:
0x6: {  	s10 =	simm.s32 $0x0;
	s3 =	sor.u32 s1, s3;
	(pc) =	sbr.rel .LBB1_1-.Ltmp0, $4  }
0x7: {  	s0 =	rddreg [dreg:$0x2];
	_ =	strace $0x80000047;
	s3 =	sshll.u32 s3, $0x7  }
0x8: {  	s12 =	simm.s32 $0x0;
	[sflag:s4] =	ssyncpa.u1 $0x0;
	s7 =	ssub.s32 $0xF4200, s3  }
0x9: {  	s13 =	simm.s32 $0x0;
	[sflag:s6] =	ssyncpa.u1 $0x0;
	s6 =	sshrl.u32 s7, $0xC  }
0xa: {  	s5 =	sadd.s32 $0x1000, s5;
	s11 =	smov.u32 s3;
	s7 =	sadd.s32 $0x2, s6  }
.LBB1_5:
0xb: {  	p1 =	slt.u32 s13, $0x2  }
0xc: {  	s17 =	smov.u32 s15;
	p2 =	sgt.s32 @!p1 s15, $0xF41C0;
	s16 =	sshra.s32 @!p1 s15, $0x1F  }
0xd: {  	p3 =	sgt.s32 @!p1 s14, $0x40;
	s18 =	sshra.s32 @!p1 s14, $0x1F;
	p2 =	por !p2, p1  }
0xe: {  	s15 =	sand.u32 @!p1 s16, s15;
	p3 =	por !p3, p1;
	s16 =	smov.u32 s14  }
0xf: {  	s14 =	sand.u32 @!p1 s18, s14;
	s17 =	simm.s32 @p2 $0xF41C0;
	s16 =	simm.s32 @p3 $0x40  }
0x10: {  	s15 =	ssub.s32 @!p1 s17, s15;
	s14 =	ssub.s32 @!p1 s16, s14  }
0x11: {  	s18 =	smov.u32 s12;
	s16 =	sadd.s32 @!p1 $0xFFF0BE40, s15;
	s17 =	sadd.s32 @!p1 $0xFFFFFFC0, s14  }
0x12: {  	s15 =	ssub.s32 @!p1 $0xF4240, s15;
	p2 =	sgt.s32 @!p1 s16, $0x7F;
	p3 =	sgt.s32 @!p1 s17, $0x3F  }
0x13: {  	s14 =	ssub.s32 @!p1 $0x80, s14;
	p2 =	por !p2, p1;
	p3 =	por !p3, p1  }
0x14: {  	s16 =	sadd.s32 $0x1000, s11;
	s15 =	simm.s32 @!p2 $0x0;
	s14 =	simm.s32 @!p3 $0x0  }
0x15: {  	p2 =	sgt.s32 s16, $0xF423F;
	s14 =	smul.u32 @!p1 s14, s15;
	s15 =	sadd.s32 $0x40, s12  }
0x16: {  	s18 =	smov.u32 @p2 s15  }
0x17: {  	s16 =	smov.u32 @p2 s3;
	p2 =	sgt.s32 s18, $0x3F  }
0x18: {  	s18 =	simm.s32 @p2 $0x0;
	p2 =	sne.s32 s13, s7  }
.Ltmp1:
0x19: {  	p0 =	por !p0, !p0;
	s17 =	simm.s32 @!p1 $0x2;
	(pc) =	sbr.rel @!p2 .LBB1_6-.Ltmp1, $4  }
0x1a: {  	s15 =	smov.u32 s9;
	s9 =	smov.u32 s11;
	s14 =	sand.u32 @!p1 $0x3FFFFFFF, s14  }
0x1b: {  	s11 =	smov.u32 s16;
	_ =	swait.ge @!p1 [sflag:s17], s14;
	s19 =	ssub.s32 @!p1 $0x0, s14  }
0x1c: {  	s14 =	smov.u32 s10;
	s13 =	sadd.s32 $0x1, s13;
	[sflag:s17] =	ssyncset.done @!p1 $0x0  }
0x1d: {  	s10 =	smov.u32 s12;
	s12 =	smov.u32 s18;
	[sflag:s17] =	ssyncadd.s32 @!p1 s19  }
.LBB1_1:
0x1e: {  	p1 =	sgt.u32 s13, s6  }
0x1f: {  	s16 =	sshrl.u32 @!p1 s12, $0x3  }
0x20: {  	s17 =	sshll.u32 @!p1 s11, $0x3;
	s16 =	smul.u32 @!p1 $0x7A1400, s16  }
0x21: {  	s18 =	sshll.u32 @!p1 s12, $0x7;
	s17 =	sand.u32 @!p1 $0xFFFFFC00, s17  }
0x22: {  	s16 =	sadd.s32 @!p1 s16, s17;
	s17 =	sand.u32 @!p1 $0x380, s18  }
0x23: {  	s18 =	sand.u32 @!p1 $0x7F, s11;
	s16 =	sor.u32 @!p1 s17, s16  }
0x24: {  	s17 =	sor.u32 @!p1 s18, s16  }
0x25: {  	s18 =	smulhi.u32 @!p1 $0x218D6287, s17;
	_ =	sdelay $0x1  }
0x26: {  	s16 =	smulhi.u32 @!p1 $0x218D6287, s16;
	s18 =	sshrl.u32 @!p1 s18, $0x11  }
0x27: {  	s18 =	smul.u32 @!p1 $0xF4280, s18  }
0x28: {  	s19 =	sxor.u32 @!p1 $0xFFFFFFFF, s13;
	s16 =	sshrl.u32 @!p1 s16, $0x11  }
0x29: {  	s19 =	sshll.u32 @!p1 s19, $0xD;
	s16 =	sand.u32 @!p1 $0x3F, s16;
	s17 =	ssub.s32 @!p1 s17, s18  }
0x2a: {  	s16 =	smul.u32 @!p1 $0x1E850, s16;
	s18 =	sshrl.u32 @!p1 s17, $0x3;
	s17 =	sand.u32 @!p1 $0x7, s17  }
0x2b: {  	s19 =	sand.u32 @!p1 $0x2000, s19;
	s18 =	sadd.s32 @!p1 s2, s18;
	s17 =	sshll.u32 @!p1 s17, $0x12  }
0x2c: {  	s16 =	sadd.s32 @!p1 s16, s18;
	s17 =	sor.u32 @!p1 $0x400, s17;
	s18 =	simm.s32 @!p1 $0x7A1400  }
0x2d: {  	[tilespmem:s19], [sflag:$0x1] =	stream.strided.gather @!p1 [hbm4b:s16+s17], $0x2000, s18, s17, $0x38;
	[tilespmem:$0x8100] =	vst v63  }
0x2e: {  	p1 =	seq.s32 s13, $0x0  }
0x2f: {  	p2 =	sge.u32 @!p1 s13, s7  }
0x30: {  	p1 =	por p1, p2  }
.Ltmp2:
0x31: {  	_ = 	snop;
	(pc) =	sbr.rel @p1 .LBB1_5-.Ltmp2, $1  }
0x32: {  	_ =	sdelay $0x3  }
0x33: {  	s16 =	simm.s32 $0x1  }
0x34: {  	_ =	swait.ge [sflag:s4], $0x2000;
	s16 =	simm.s32 @!p0 $0x0  }
0x35: {  	[sflag:s4] =	ssyncset.done $0x0;
	s17 =	sshll.u32 s16, $0xD  }
0x36: {  	[sflag:s4] =	ssyncadd.s32 $0xFFFFE000;
	s17 =	sor.u32 $0x40, s17  }
0x37: {  	s16 =	smul.u32 $0x8200, s16;
	v0 =	vld [tilespmem:s17+$0x30]  }
0x38: {  	v1 =	vld [tilespmem:s17+$0xFFFFFFD0]  }
0x39: {  	s16 =	sshrl.u32 s16, $0x2;
	v5 =	vld [tilespmem:s17+$0xFFFFFFE0]  }
0x3a: {  	v6 =	vld [tilespmem:s17+$0xFFFFFFF0];
	s19 =	sor.u32 $0x4000, s16  }
0x3b: {  	s31 =	sand.u32 $0x1, s13;
	v4 =	vld [tilespmem:s17+$0x0];
	s18 =	sadd.s32 $0x0, s19  }
0x3c: {  	v3 =	vld [tilespmem:s17+$0x10];
	s16 =	smul.u32 $0x8200, s31;
	[tilespmem:s18+$0x1C70 ss:$0x41] =	vst.msk $0xffff, v0  }
0x3d: {  	v2 =	vld [tilespmem:s17+$0x20];
	[tilespmem:s18+$0x410 ss:$0x41] =	vst.msk $0xffff, v1  }
0x3e: {  	s16 =	sshrl.u32 s16, $0x2;
	v1 =	vld [tilespmem:s17+$0xFFFFFFC0];
	[tilespmem:s18+$0x820 ss:$0x41] =	vst.msk $0xffff, v5;
	s17 =	sadd.s32 $0x80, s17  }
0x3f: {  	s20 =	simm.s32 $0x4;
	s21 =	simm.s32 $0x8;
	s16 =	sor.u32 $0x4000, s16;
	[tilespmem:s18+$0xC30 ss:$0x41] =	vst.msk $0xffff, v6;
	v0 =	vld [tilespmem:s17+$0x30]  }
.LBB1_3:
0x40: {  	p1 =	sne.s32 s21, $0xFC;
	v5 =	vld [tilespmem:s17+$0xFFFFFFD0];
	[tilespmem:s18+$0x1040 ss:$0x41] =	vst.msk $0xffff, v4  }
0x41: {  	v6 =	vld [tilespmem:s17+$0xFFFFFFE0];
	[tilespmem:s18+$0x1450 ss:$0x41] =	vst.msk $0xffff, v3  }
0x42: {  	s22 =	sshra.s32 s20, $0x2;
	s20 =	smov.u32 s21;
	v7 =	vld [tilespmem:s17+$0xFFFFFFF0];
	[tilespmem:s18+$0x1860 ss:$0x41] =	vst.msk $0xffff, v2  }
.Ltmp3:
0x43: {  	v4 =	vld [tilespmem:s17+$0x0];
	[tilespmem:s18+$0x0 ss:$0x41] =	vst.msk $0xffff, v1;
	s18 =	sadd.s32 s22, s19;
	(pc) =	sbr.rel @p1 .LBB1_3-.Ltmp3, $4  }
0x44: {  	v3 =	vld [tilespmem:s17+$0x10];
	[tilespmem:s18+$0x1C70 ss:$0x41] =	vst.msk $0xffff, v0  }
0x45: {  	[tilespmem:s18+$0x410 ss:$0x41] =	vst.msk $0xffff, v5;
	v2 =	vld [tilespmem:s17+$0x20]  }
0x46: {  	v1 =	vld [tilespmem:s17+$0xFFFFFFC0];
	[tilespmem:s18+$0x820 ss:$0x41] =	vst.msk $0xffff, v6;
	s17 =	sadd.s32 $0x80, s17  }
0x47: {  	s21 =	sadd.s32 $0x4, s21;
	v0 =	vld [tilespmem:s17+$0x30];
	[tilespmem:s18+$0xC30 ss:$0x41] =	vst.msk $0xffff, v7  }
0x48: {  	s21 =	sshll.u32 s9, $0x7;
	s22 =	sshll.u32 s10, $0x3;
	s20 =	sshra.s32 s20, $0x2  }
0x49: {  	p1 =	sgt.s32 s9, $0xF41C0;
	s30 =	sshra.s32 s9, $0x1F;
	s25 =	sshra.s32 s10, $0x1F  }
0x4a: {  	v5 =	vld [tilespmem:s17+$0xFFFFFFD0];
	s28 =	sshrl.u32 s10, $0x3;
	s23 =	sand.u32 $0xFFFFFC00, s21;
	s22 =	sand.u32 $0xFFFFFC00, s22  }
0x4b: {  	[tilespmem:s18+$0x1040 ss:$0x41] =	vst.msk $0xffff, v4;
	v58 =	vld [tilespmem:s17+$0xFFFFFFE0];
	s21 =	sand.u32 $0x380, s21;
	s19 =	sadd.s32 s20, s19;
	s22 =	sadd.s32 s22, s23  }
0x4c: {  	v59 =	vld [tilespmem:s17+$0xFFFFFFF0];
	[tilespmem:s18+$0x1450 ss:$0x41] =	vst.msk $0xffff, v3;
	s29 =	sor.u32 s21, s22;
	s21 =	smov.u32 s9;
	s22 =	sand.u32 s30, s9  }
0x4d: {  	v60 =	vld [tilespmem:s17+$0x0];
	[tilespmem:s18+$0x1860 ss:$0x41] =	vst.msk $0xffff, v2;
	s30 =	sand.u32 $0x7, s10;
	s20 =	sshrl.u32 s29, $0x7;
	s21 =	simm.s32 @!p1 $0xF41C0  }
0x4e: {  	v61 =	vld [tilespmem:s17+$0x10];
	[tilespmem:s18+$0x0 ss:$0x41] =	vst.msk $0xffff, v1;
	p1 =	sgt.s32 s10, $0x40;
	s24 =	ssub.s32 s21, s22;
	s21 =	smov.u32 s10  }
0x4f: {  	v62 =	vld [tilespmem:s17+$0x20];
	[tilespmem:s19+$0x1C70 ss:$0x41] =	vst.msk $0xffff, v0;
	s31 =	smulhi.u32 $0x218DEF5, s20;
	s22 =	sand.u32 s25, s10;
	s21 =	simm.s32 @!p1 $0x40  }
0x50: {  	v63 =	vld [tilespmem:s17+$0xFFFFFFC0];
	[tilespmem:s19+$0x410 ss:$0x41] =	vst.msk $0xffff, v5;
	s26 =	sadd.s32 $0xFFF0BE40, s24;
	s17 =	ssub.s32 $0xF4240, s24;
	s21 =	ssub.s32 s21, s22  }
0x51: {  	[tilespmem:s19+$0x820 ss:$0x41] =	vst.msk $0xffff, v58;
	s23 =	sshrl.u32 s31, $0xD;
	p1 =	sgt.s32 s26, $0x7F;
	s27 =	sadd.s32 $0xFFFFFFC0, s21  }
0x52: {  	[tilespmem:s19+$0xC30 ss:$0x41] =	vst.msk $0xffff, v59;
	s23 =	smul.u32 $0xF4240, s23;
	s18 =	ssub.s32 $0x80, s21;
	p2 =	sgt.s32 s27, $0x3F  }
.Ltmp4:
0x53: {  	[tilespmem:s19+$0x1040 ss:$0x41] =	vst.msk $0xffff, v60;
	s17 =	simm.s32 @p1 $0x0;
	s18 =	simm.s32 @p2 $0x0;
	(pc) =	sbr.rel .LBB1_5-.Ltmp4, $4  }
0x54: {  	s29 =	sand.u32 $0xF, s28;
	[tilespmem:s19+$0x1450 ss:$0x41] =	vst.msk $0xffff, v61;
	s20 =	ssub.s32 s20, s23;
	s17 =	smul.u32 s18, s17  }
0x55: {  	[tilespmem:s19+$0x1860 ss:$0x41] =	vst.msk $0xffff, v62;
	s21 =	sshll.u32 s30, $0x12;
	s20 =	sshll.u32 s20, $0x4;
	s18 =	sadd.s32 s5, s29  }
0x56: {  	[tilespmem:s19+$0x0 ss:$0x41] =	vst.msk $0xffff, v63;
	s31 =	sor.u32 $0x40, s21;
	s18 =	sadd.s32 s20, s18;
	s17 =	sand.u32 $0x3FFFFFFF, s17  }
0x57: {  	[hbm4b:s18+s31] =	stream.strided.scatter [tilespmem:s16], [sflag:$0x2], s17, s8, s31, $0x18;
	[tilespmem:$0x8100] =	vst v63  }
.LBB1_6:
0x58: {  	_ =	sfence.sel $0x180000  }
0x59: {  	s2 =	simm.s32 $0x1;
	[bflag:$0x0] =	sbarrier.arrive $0xFFFF  }
0x5a: {  	s31 =	simm.s32 $0x2;
	[sflag:s2] =	ssyncpa.u1 $0x1  }
0x5b: {  	[sflag:s31] =	ssyncpa.u1 $0x1  }
0x5c: {  	p0 =	sne.s32 s1, $0x0;
	_ =	strace $0x90000047  }
0x5d: {  	s0 =	sadd.s32 @!p0 $0x100000, s0;
	[bflag:$0x2] =	sbarrier.arrive $0xFFFF  }
0x5e: {  	[sflag:s0] =	ssyncadd.tile.s32 @!p0 $0x1;
	_ =	shalt  }
.Lfunc_end1:
_tile_overlayer_lowered:
.L_overlay_start_2:
0x5f: {  	(tag) =	ssettag $0x2  }
0x60: {  	s0 =	rddreg [dreg:$0x0];
	s2 =	stileid.u32  }
0x61: {  	s1 =	rddreg [dreg:$0x1];
	p0 =	sne.s32 s2, $0x0  }
0x62: {  	s3 =	rddreg [dreg:$0x2];
	[bflag:$0x3] =	sbarrier.arrive $0xFFFF;
	s2 =	simm.s32 @!p0 $0x1C01  }
0x63: {  	[timem:s3], [sflag:s2] =	dma.local @!p0 [hbm:s0], s1  }
0x64: {  	s0 =	simm.s32 @!p0 $0x1  }
0x65: {  	_ =	swait.ge @!p0 [sflag:s0], s1  }
0x66: {  	s1 =	ssub.s32 @!p0 $0x0, s1;
	[sflag:s0] =	ssyncset.done @!p0 $0x0  }
0x67: {  	[sflag:s0] =	ssyncadd.s32 @!p0 s1  }
0x68: {  	[bflag:$0x3] =	sbarrier.arrive $0xFFFF  }
0x69: {  	_ =	shalt  }

// kernel: sparse-core-data-format-call.cloned.1.call-start
scs
called_computation_lowered:
.L_overlay_start_0:
0x0: {  	s2 =	sld [smem:$0x3FD9]  }
0x1: {  	s3 =	sld [smem:$0x3FFE];
	_ =	sdelay $0x1  }
0x2: {  	s1 =	srdreg.scid  }
0x3: {  	s0 =	sand.u32 $0x1, s1  }
0x4: {  	s15 =	sshll.u32 s0, $0xA;
	s2 =	sadd.s32 s3, s2  }
0x5: {  	s2 =	sadd.s32 s2, s15  }
0x6: {  	[smem:$0x3FC5] =	sst s2  }
0x7: {  	_ = 	snop  }
0x8: {  	s2 =	sld [smem:$0x3FD0];
	_ =	sdelay $0x2  }
0x9: {  	s16 =	simm.s32 $0xA;
	s4 =	simm.s32 $0x10  }
0xa: {  	[smem:s4], [sflag:s16] =	dma.local [hbm:s2], $0x1  }
0xb: {  	_ =	swait.eq [sflag:s16], $0x1  }
0xc: {  	[sflag:s16] =	ssyncset.done $0x0  }
0xd: {  	[sflag:s16] =	ssyncadd.s32 $0xFFFFFFFF  }
0xe: {  	s17 =	sld [smem:$0x10];
	(tm) =	ssettm $0x1  }
0xf: {  	s18 =	sld [smem:$0x3FFB];
	_ =	sdelay $0x3  }
0x10: {  	_ =	strace s18  }
0x11: {  	s3 =	sld [smem:$0x3FFC];
	_ =	sdelay $0x3  }
0x12: {  	_ =	strace s3  }
0x13: {  	s3 =	sld [smem:$0x3FFD];
	_ =	sdelay $0x3  }
0x14: {  	_ =	strace s3  }
0x15: {  	_ =	strace $0x8FFFFFFF  }
0x16: {  	s19 =	sld [smem:$0x3FDB];
	_ =	sdelay $0x1  }
0x17: {  	s20 =	simm.s32 $_scs_section_size  }
0x18: {  	s5 =	simm.s32 $_size__tile_overlayer_lowered;
	s6 =	simm.s32 $_tile_overlayer_lowered  }
0x19: {  	s23 =	simm.s32 $0x1BFF;
	s22 =	sshll.u32 s6, $0x1;
	s3 =	sadd.s32 s20, s19  }
0x1a: {  	s7 =	simm.s32 $0x0;
	s21 =	sshll.u32 s5, $0x1;
	s5 =	sadd.s32 s22, s3  }
0x1b: {  	[timem:s7], [sflag:s23] =	dma.local [hbm:s5], s21  }
0x1c: {  	_ =	swait.ge [sflag:s23], s21  }
0x1d: {  	s4 =	ssub.s32 $0x0, s21;
	[sflag:s23] =	ssyncset.done $0x0  }
0x1e: {  	[sflag:s23] =	ssyncadd.s32 s4;
	_ =	sdelay $0x1  }
0x1f: {  	s24 =	simm.s32 $0x1B8B  }
0x20: {  	_ =	swait.ge [sflag:s24], $0x1  }
0x21: {  	[sflag:s24] =	ssyncset.done $0x0  }
0x22: {  	s26 =	simm.s32 $0x1B8E;
	s25 =	sld [smem:$0x3FFE];
	[sflag:s24] =	ssyncadd.s32 $0xFFFFFFFF  }
0x23: {  	s27 =	simm.s32 $execute0_lowered;
	[smem:$0x3FD2] =	sst s26  }
0x24: {  	s5 =	sshll.u32 s27, $0x1;
	_ =	strace $0x8000004C;
	[dreg:$0x1] =	wrdreg $0xFFFFFFFF  }
0x25: {  	s28 =	simm.s32 $_size_execute0_lowered;
	s3 =	sadd.s32 s3, s5;
	[dreg:$0x0] =	wrdreg $0x0  }
0x26: {  	s5 =	sshll.u32 s28, $0x1;
	[dreg:$0x2] =	wrdreg s3  }
0x27: {  	[dreg:$0x3] =	wrdreg s5  }
0x28: {  	[dreg:$0x4] =	wrdreg $0xC0  }
0x29: {  	_ =	task [dreg:s7], $0x5FFFF  }
0x2a: {  	[dreg:$0x1] =	wrdreg $0xFFFFFFFF  }
0x2b: {  	[dreg:$0x0] =	wrdreg $0x60  }
0x2c: {  	[dreg:$0x2] =	wrdreg s25  }
0x2d: {  	[dreg:$0x3] =	wrdreg s17  }
0x2e: {  	[dreg:$0x4] =	wrdreg $0x9  }
0x2f: {  	_ =	task.clear_ibuf [dreg:s7], $0x5FFFF;
	_ =	strace $0x9000004C  }
0x30: {  	s29 =	simm.s32 $0x9;
	_ =	strace $0x8000004E  }
0x31: {  	_ =	swait.ge [sflag:s29], $0x1  }
0x32: {  	[sflag:s29] =	ssyncadd.s32 $0xFFFFFFFF  }
0x33: {  	_ =	strace $0x9000004E  }
0x34: {  	_ =	sfence  }
0x35: {  	s30 =	sld [smem:$0x0];
	_ =	sdelay $0x2  }
0x36: {  	s31 =	sshll.u32 s1, $0xD;
	s1 =	sshrl.u32 s1, $0x2  }
0x37: {  	s3 =	sand.u32 $0x4000, s31;
	s1 =	sadd.s32 s1, s30  }
0x38: {  	s0 =	sor.u32 s3, s0;
	s1 =	sshll.u32 s1, $0x11  }
0x39: {  	s0 =	sor.u32 s1, s0  }
0x3a: {  	s0 =	sadd.s32 $0x8F2B, s0  }
0x3b: {  	[sflag:s0] =	ssyncadd.remote.s32 $0x1  }
0x3c: {  	_ =	sfence.sel $0xFFFF  }
0x3d: {  	[dreg:$0x0] =	wrdreg $0xFFFFFFFF;
	(pc) =	sbr.abs _section_cstart, $3  }
0x3e: {  	[dreg:$0x1] =	wrdreg $0xFFFFFFFF  }
0x3f: {  	_ =	task.clear_ibuf [dreg:s7], $0x2FFFF;
	_ =	strace $0x9FFFFFFF  }
0x40: {  	(tm) =	ssettm $0x7FFFFFFF  }
0x41: {  	_ =	shalt  }
tec
execute0_lowered:
.L_overlay_start_1:
0x0: {  	(tag) =	ssettag $0x1  }
0x1: {  	s0 =	srdreg.scid  }
0x2: {  	s1 =	sshll.u32 s0, $0x4  }
0x3: {  	s0 =	stileid.u32;
	s1 =	sand.u32 $0x10, s1  }
0x4: {  	s1 =	sor.u32 s0, s1  }
0x5: {  	s6 =	rddreg [dreg:$0x0];
	s4 =	simm.s32 $0x1;
	s2 =	sshll.u32 s1, $0x7  }
0x6: {  	s7 =	simm.s32 $0x2;
	s12 =	simm.s32 $0x0;
	s1 =	ssub.s32 $0x1000, s2  }
0x7: {  	s8 =	simm.s32 $0x8000;
	s13 =	simm.s32 $0x0;
	s3 =	sand.u32 $0xF80, s1  }
0x8: {  	s9 =	simm.s32 $0x0;
	s5 =	sshrl.u32 s1, $0xC;
	p0 =	sne.s32 s3, $0x0  }
.Ltmp0:
0x9: {  	s1 =	rddreg [dreg:$0x2];
	s4 =	simm.s32 @!p0 $0x0;
	(pc) =	sbr.rel .LBB1_1-.Ltmp0, $4  }
0xa: {  	s11 =	simm.s32 $0x0;
	s3 =	rddreg [dreg:$0x1];
	s5 =	sadd.s32 s4, s5  }
0xb: {  	_ =	strace $0x8000004D;
	s4 =	simm.s32 $0x1;
	s5 =	smul.u32 $0xC8, s5  }
0xc: {  	s6 =	sadd.s32 $0x1000, s6;
	s10 =	smov.u32 s2;
	[sflag:s4] =	ssyncpa.u1 $0x0  }
0xd: {  	p0 =	por $0x0, $0x0;
	[sflag:s7] =	ssyncpa.u1 $0x0;
	s7 =	sor.u32 $0x1, s5  }
.LBB1_4:
0xe: {  	s16 =	sshll.u32 s13, $0x3;
	s17 =	sand.u32 $0x78, s13  }
0xf: {  	s30 =	sand.u32 $0x7E00, s13;
	s12 =	sshll.u32 s12, $0xF;
	s16 =	sand.u32 $0xC00, s16  }
0x10: {  	[tilespmem:s15+$0x810 ss:$0x81] =	vst.msk $0xffff, v2;
	s31 =	sand.u32 $0x7, s13;
	s16 =	sor.u32 s17, s16;
	s17 =	sadd.s32 s3, s30  }
0x11: {  	[tilespmem:s15+$0x1020 ss:$0x81] =	vst.msk $0xffff, v0;
	s13 =	sshll.u32 s31, $0x12;
	s12 =	sadd.s32 s12, s17;
	s16 =	sshrl.u32 s16, $0x3  }
0x12: {  	[tilespmem:s15+$0x0 ss:$0x81] =	vst.msk $0xffff, v1;
	s13 =	sor.u32 $0x400, s13;
	s12 =	sadd.s32 s16, s12  }
0x13: {  	[hbm4b:s12+s13] =	stream.strided.scatter [tilespmem:s14], [sflag:$0x2], $0x2000, s8, s13, $0x20;
	[tilespmem:$0x8080] =	vst v63  }
.LBB1_5:
0x14: {  	s14 =	sadd.s32 $0x1, s9  }
0x15: {  	s12 =	sadd.s32 $0x1000, s10;
	s16 =	smov.u32 s10;
	p2 =	sgt.s32 s14, $0xC7  }
0x16: {  	s16 =	smov.u32 @p2 s12  }
0x17: {  	s14 =	simm.s32 @p2 $0x0;
	p2 =	sgt.s32 s16, $0xFFF  }
0x18: {  	s16 =	smov.u32 @p2 s2;
	p2 =	sne.s32 s11, s7  }
.Ltmp1:
0x19: {  	p1 =	slt.u32 s11, $0x2;
	(pc) =	sbr.rel @!p2 .LBB1_6-.Ltmp1, $4  }
0x1a: {  	s15 =	simm.s32 @!p1 $0x2  }
0x1b: {  	s13 =	smov.u32 s10;
	p0 =	por !p0, !p0;
	_ =	swait.ge @!p1 [sflag:s15], $0x2000  }
0x1c: {  	s12 =	smov.u32 s9;
	[sflag:s15] =	ssyncset.done @!p1 $0x0;
	s9 =	smov.u32 s14  }
0x1d: {  	s11 =	sadd.s32 $0x1, s11;
	[sflag:s15] =	ssyncadd.s32 @!p1 $0xFFFFE000;
	s10 =	smov.u32 s16  }
.LBB1_1:
0x1e: {  	p1 =	sge.u32 s11, s5  }
0x1f: {  	s14 =	sand.u32 @!p1 $0x1FFFFFF, s9  }
0x20: {  	s15 =	smulhi.u32 @!p1 $0x147AE15, s14;
	_ =	sdelay $0x1  }
0x21: {  	s15 =	smul.u32 @!p1 $0xC8, s15  }
0x22: {  	s16 =	sxor.u32 @!p1 $0xFFFFFFFF, s11;
	s17 =	smul.u32 @!p1 $0xC80, s10  }
0x23: {  	s31 =	sadd.s32 $0xFFFFFFFF, s11;
	s16 =	sshll.u32 @!p1 s16, $0xD;
	s14 =	ssub.s32 @!p1 s14, s15  }
0x24: {  	s15 =	sand.u32 @!p1 $0x2000, s16;
	s16 =	sadd.s32 @!p1 s6, s17;
	s14 =	sshll.u32 @!p1 s14, $0x4  }
0x25: {  	s17 =	simm.s32 @!p1 $0x6400;
	s14 =	sadd.s32 @!p1 s14, s16;
	s16 =	simm.s32 @!p1 $0x40  }
0x26: {  	[tilespmem:s15], [sflag:$0x1] =	stream.strided.gather @!p1 [hbm4b:s14+s16], $0x2000, s17, s16, $0x38;
	[tilespmem:$0x8080] =	vst v63  }
0x27: {  	p1 =	sge.u32 s31, s5  }
.Ltmp2:
0x28: {  	_ = 	snop;
	(pc) =	sbr.rel @p1 .LBB1_5-.Ltmp2, $1  }
0x29: {  	_ =	sdelay $0x3  }
0x2a: {  	s14 =	simm.s32 $0x1  }
0x2b: {  	_ =	swait.ge [sflag:s4], $0x2000;
	s14 =	simm.s32 @!p0 $0x0  }
0x2c: {  	[sflag:s4] =	ssyncset.done $0x0;
	s15 =	sshll.u32 s14, $0xD  }
0x2d: {  	[sflag:s4] =	ssyncadd.s32 $0xFFFFE000;
	s18 =	sor.u32 $0x20, s15  }
0x2e: {  	s14 =	smul.u32 $0x8100, s14;
	v3 =	vld [tilespmem:s18+$0x10]  }
0x2f: {  	s30 =	sand.u32 $0x1, s11;
	v2 =	vld [tilespmem:s18+$0xFFFFFFF0]  }
0x30: {  	s15 =	smul.u32 $0x8100, s30;
	s14 =	sshrl.u32 s14, $0x2;
	v0 =	vld [tilespmem:s18+$0x0]  }
0x31: {  	v1 =	vld [tilespmem:s18+$0xFFFFFFE0];
	s16 =	sor.u32 $0x4000, s14  }
0x32: {  	s31 =	sshrl.u32 s15, $0x2;
	s15 =	sadd.s32 $0x0, s16  }
0x33: {  	s17 =	simm.s32 $0x4;
	s18 =	sadd.s32 $0x40, s18;
	s14 =	sor.u32 $0x4000, s31;
	[tilespmem:s15+$0x1830 ss:$0x81] =	vst.msk $0xffff, v3  }
.LBB1_3:
0x34: {  	v3 =	vld [tilespmem:s18+$0x10];
	p1 =	sne.s32 s17, $0x1FC;
	[tilespmem:s15+$0x810 ss:$0x81] =	vst.msk $0xffff, v2;
	s19 =	smov.u32 s17;
	s17 =	sadd.s32 $0x4, s17  }
.Ltmp3:
0x35: {  	v2 =	vld [tilespmem:s18+$0xFFFFFFF0];
	[tilespmem:s15+$0x1020 ss:$0x81] =	vst.msk $0xffff, v0;
	(pc) =	sbr.rel @p1 .LBB1_3-.Ltmp3, $4  }
0x36: {  	v0 =	vld [tilespmem:s18+$0x0];
	[tilespmem:s15+$0x0 ss:$0x81] =	vst.msk $0xffff, v1  }
0x37: {  	s15 =	sshra.s32 s19, $0x2;
	v1 =	vld [tilespmem:s18+$0xFFFFFFE0]  }
0x38: {  	s15 =	sadd.s32 s15, s16  }
0x39: {  	s18 =	sadd.s32 $0x40, s18;
	[tilespmem:s15+$0x1830 ss:$0x81] =	vst.msk $0xffff, v3  }
.Ltmp4:
0x3a: {  	_ = 	snop;
	(pc) =	sbr.rel .LBB1_4-.Ltmp4, $1  }
0x3b: {  	_ =	sdelay $0x3  }
.LBB1_6:
0x3c: {  	_ =	sfence.sel $0x180000  }
0x3d: {  	s2 =	simm.s32 $0x1;
	[bflag:$0x0] =	sbarrier.arrive $0xFFFF  }
0x3e: {  	s31 =	simm.s32 $0x2;
	[sflag:s2] =	ssyncpa.u1 $0x1  }
0x3f: {  	[sflag:s31] =	ssyncpa.u1 $0x1  }
0x40: {  	p0 =	sne.s32 s0, $0x0;
	_ =	strace $0x9000004D  }
0x41: {  	s0 =	sadd.s32 @!p0 $0x100000, s1;
	[bflag:$0x2] =	sbarrier.arrive $0xFFFF  }
0x42: {  	[sflag:s0] =	ssyncadd.tile.s32 @!p0 $0x1;
	_ =	shalt  }
.Lfunc_end1:
_tile_overlayer_lowered:
.L_overlay_start_2:
0x43: {  	(tag) =	ssettag $0x2  }
0x44: {  	s0 =	rddreg [dreg:$0x0];
	s2 =	stileid.u32  }
0x45: {  	s1 =	rddreg [dreg:$0x1];
	p0 =	sne.s32 s2, $0x0  }
0x46: {  	s3 =	rddreg [dreg:$0x2];
	[bflag:$0x3] =	sbarrier.arrive $0xFFFF;
	s2 =	simm.s32 @!p0 $0x1C01  }
0x47: {  	[timem:s3], [sflag:s2] =	dma.local @!p0 [hbm:s0], s1  }
0x48: {  	s0 =	simm.s32 @!p0 $0x1  }
0x49: {  	_ =	swait.ge @!p0 [sflag:s0], s1  }
0x4a: {  	s1 =	ssub.s32 @!p0 $0x0, s1;
	[sflag:s0] =	ssyncset.done @!p0 $0x0  }
0x4b: {  	[sflag:s0] =	ssyncadd.s32 @!p0 s1  }
0x4c: {  	[bflag:$0x3] =	sbarrier.arrive $0xFFFF  }
0x4d: {  	_ =	shalt  }

</sc_bundles>
